<compile_context>
chip_gen: v7x
topology: tpu7x:2x2x1
jax: 0.10.2.dev20260603
libtpu: 0.0.44.dev20260713+nightly
codegen_flags: <defaults>
</compile_context>

<pallas_src>
import functools

import jax
import jax.numpy as jnp
from jax import lax
from jax.experimental import pallas as pl
from jax.experimental.pallas import tpu as pltpu
from jax.experimental.pallas import tpu_sc as plsc

VOCAB = 1000000
EMBED = 64
HIDDEN = 256
NUM_CLASSES = 128
N_TOKENS = 819200
BATCH = 16384

NW = 32
SUB = 128
CHUNK = 512
TOK_PER_W = N_TOKENS // NW
N_CHUNKS = TOK_PER_W // CHUNK
IDXROWS_PER_W = TOK_PER_W // SUB
SIMPLE_PER_W = BATCH // NW
LAST_COUNT = float(N_TOKENS - (BATCH - 1))


def _sc_embed_body(tok_hbm, table_hbm, out1_hbm, out2_hbm,
                   idx2d, sidx, rows0, rows1, accv, sem0, sem1):
    w = lax.axis_index("s") * 2 + lax.axis_index("c")
    rows = (rows0, rows1)
    sems = (sem0, sem1)

    pltpu.sync_copy(tok_hbm.at[pl.ds(w * IDXROWS_PER_W, IDXROWS_PER_W)], idx2d)

    def add_rows(rows_ref, acc, sign):
        def body(r8, acc):
            a0, a1, a2, a3 = acc
            for u in range(8):
                r = r8 * 8 + u
                a0 = a0 + sign * rows_ref[r, pl.ds(0, 16)]
                a1 = a1 + sign * rows_ref[r, pl.ds(16, 16)]
                a2 = a2 + sign * rows_ref[r, pl.ds(32, 16)]
                a3 = a3 + sign * rows_ref[r, pl.ds(48, 16)]
            return (a0, a1, a2, a3)
        return lax.fori_loop(0, CHUNK // 8, body, acc)

    pltpu.sync_copy(tok_hbm.at[pl.ds(w * 4, 4)], sidx)
    hs = [pltpu.async_copy(table_hbm.at[sidx.at[g]],
                           rows0.at[pl.ds(g * SUB, SUB)], sem0)
          for g in range(4)]
    for h in hs:
        h.wait()
    pltpu.sync_copy(rows0, out1_hbm.at[pl.ds(w * SIMPLE_PER_W, SIMPLE_PER_W)])

    zero = jnp.zeros((16,), jnp.float32)
    acc = (zero, zero, zero, zero)
    acc = add_rows(rows0, acc, -1.0)
    m = (w == NW - 1).astype(jnp.float32)
    acc = tuple(a + m * rows0[SIMPLE_PER_W - 1, pl.ds(16 * g, 16)]
                for g, a in enumerate(acc))

    def issue(c, b):
        for g in range(4):
            pltpu.async_copy(table_hbm.at[idx2d.at[c * 4 + g]],
                             rows[b].at[pl.ds(g * SUB, SUB)], sems[b])

    def drain(b):
        for g in range(4):
            pltpu.make_async_copy(table_hbm.at[idx2d.at[g]],
                                  rows[b].at[pl.ds(g * SUB, SUB)],
                                  sems[b]).wait()

    issue(0, 0)
    issue(1, 1)

    def outer(c2, acc):
        drain(0)
        acc = add_rows(rows0, acc, 1.0)
        issue(2 * c2 + 2, 0)
        drain(1)
        acc = add_rows(rows1, acc, 1.0)
        issue(2 * c2 + 3, 1)
        return acc

    acc = lax.fori_loop(0, (N_CHUNKS - 2) // 2, outer, acc)
    drain(0)
    acc = add_rows(rows0, acc, 1.0)
    drain(1)
    acc = add_rows(rows1, acc, 1.0)

    for g in range(4):
        accv[pl.ds(16 * g, 16)] = acc[g]
    pltpu.sync_copy(accv, out2_hbm.at[w])


_sc_embed = functools.partial(
    pl.kernel,
    out_type=(jax.ShapeDtypeStruct((BATCH, EMBED), jnp.float32),
              jax.ShapeDtypeStruct((NW, EMBED), jnp.float32)),
    mesh=plsc.VectorSubcoreMesh(core_axis_name="c", subcore_axis_name="s"),
    scratch_types=[
        pltpu.VMEM((IDXROWS_PER_W, SUB), jnp.int32),
        pltpu.VMEM((4, SUB), jnp.int32),
        pltpu.VMEM((CHUNK, EMBED), jnp.float32),
        pltpu.VMEM((CHUNK, EMBED), jnp.float32),
        pltpu.VMEM((EMBED,), jnp.float32),
        pltpu.SemaphoreType.DMA,
        pltpu.SemaphoreType.DMA,
    ],
    compiler_params=pltpu.CompilerParams(use_tc_tiling_on_sc=False),
)(_sc_embed_body)


BLK = 2048


def _mlp_body(x_ref, p_ref, w1, b1, w2, b2, w3, b3, w4, b4, w5, b5, o_ref):
    i = pl.program_id(0)
    x = x_ref[...]
    big = jnp.sum(p_ref[...], axis=0, keepdims=True) * (1.0 / LAST_COUNT)
    rid = i * BLK + lax.broadcasted_iota(jnp.int32, (BLK, 1), 0)
    x = jnp.where(rid == BATCH - 1, big, x)
    dn = (((1,), (1,)), ((), ()))
    h = jax.nn.relu(lax.dot_general(x, w1[...], dn,
                                    preferred_element_type=jnp.float32) + b1[...])
    h = jax.nn.relu(lax.dot_general(h, w2[...], dn,
                                    preferred_element_type=jnp.float32) + b2[...])
    h = jax.nn.relu(lax.dot_general(h, w3[...], dn,
                                    preferred_element_type=jnp.float32) + b3[...])
    h = jax.nn.relu(lax.dot_general(h, w4[...], dn,
                                    preferred_element_type=jnp.float32) + b4[...])
    o_ref[...] = lax.dot_general(h, w5[...], dn,
                                 preferred_element_type=jnp.float32) + b5[...]


def _mlp(x, partials, W1, b1, W2, b2, W3, b3, W4, b4, W5, b5):
    full = lambda shape: pl.BlockSpec(shape, lambda i: (0, 0))
    return pl.pallas_call(
        _mlp_body,
        grid=(BATCH // BLK,),
        in_specs=[
            pl.BlockSpec((BLK, EMBED), lambda i: (i, 0)),
            full((NW, EMBED)),
            full((HIDDEN, EMBED)), full((1, HIDDEN)),
            full((HIDDEN, HIDDEN)), full((1, HIDDEN)),
            full((HIDDEN, HIDDEN)), full((1, HIDDEN)),
            full((HIDDEN, HIDDEN)), full((1, HIDDEN)),
            full((NUM_CLASSES, HIDDEN)), full((1, NUM_CLASSES)),
        ],
        out_specs=pl.BlockSpec((BLK, NUM_CLASSES), lambda i: (i, 0)),
        out_shape=jax.ShapeDtypeStruct((BATCH, NUM_CLASSES), jnp.float32),
    )(x, partials, W1, b1.reshape(1, -1), W2, b2.reshape(1, -1),
      W3, b3.reshape(1, -1), W4, b4.reshape(1, -1), W5, b5.reshape(1, -1))


def kernel(tokens, offsets, table, W1, b1, W2, b2, W3, b3, W4, b4, W5, b5):
    tok2d = tokens.astype(jnp.int32).reshape(N_TOKENS // SUB, SUB)
    out1, partials = _sc_embed(tok2d, table)
    return _mlp(out1, partials, W1, b1, W2, b2, W3, b3, W4, b4, W5, b5)

# --- scband reference (transcript-rebuilt; emitter-appended) ---
"""Pipeline reference for scband-intents-neural-net-33406255628528 (READ-ONLY COPY).

The authoritative reference and input builder live on the scoring server;
editing this copy changes nothing except your own understanding.
"""

import jax, jax.numpy as jnp
import numpy as np

VOCAB = 1000000
EMBED = 64
HIDDEN = 256
NUM_CLASSES = 128
N_TOKENS = 819200
BATCH = 16384


def setup_inputs(seed: int = 0) -> dict:
    key = jax.random.key(seed)
    ks = [jax.random.fold_in(key, i) for i in range(16)]
    tokens = jax.random.randint(ks[0], (N_TOKENS,), 0, VOCAB, dtype=jnp.int64 if jax.config.jax_enable_x64 else jnp.int32)
    offsets = jnp.arange(BATCH, dtype=tokens.dtype)
    table = jax.random.normal(ks[1], (VOCAB, EMBED), dtype=jnp.float32)
    W1 = jax.random.normal(ks[2], (HIDDEN, EMBED), dtype=jnp.float32) * (1.0 / np.sqrt(EMBED))
    b1 = jnp.zeros((HIDDEN,), dtype=jnp.float32)
    W2 = jax.random.normal(ks[3], (HIDDEN, HIDDEN), dtype=jnp.float32) * (1.0 / np.sqrt(HIDDEN))
    b2 = jnp.zeros((HIDDEN,), dtype=jnp.float32)
    W3 = jax.random.normal(ks[4], (HIDDEN, HIDDEN), dtype=jnp.float32) * (1.0 / np.sqrt(HIDDEN))
    b3 = jnp.zeros((HIDDEN,), dtype=jnp.float32)
    W4 = jax.random.normal(ks[5], (HIDDEN, HIDDEN), dtype=jnp.float32) * (1.0 / np.sqrt(HIDDEN))
    b4 = jnp.zeros((HIDDEN,), dtype=jnp.float32)
    W5 = jax.random.normal(ks[6], (NUM_CLASSES, HIDDEN), dtype=jnp.float32) * (1.0 / np.sqrt(HIDDEN))
    b5 = jnp.zeros((NUM_CLASSES,), dtype=jnp.float32)
    return {"tokens": tokens, "offsets": offsets, "table": table,
            "W1": W1, "b1": b1, "W2": W2, "b2": b2, "W3": W3, "b3": b3,
            "W4": W4, "b4": b4, "W5": W5, "b5": b5}


def _embedding_bag_mean(table, tokens, offsets):
    n = tokens.shape[0]
    b = offsets.shape[0]
    # segment id per token: cumsum of markers placed at each offset (offsets[0] == 0)
    markers = jnp.zeros((n,), dtype=jnp.int32).at[offsets].add(1)
    seg = jnp.cumsum(markers) - 1
    vecs = jnp.take(table, tokens, axis=0)  # gather [N, EMBED]
    summed = jax.ops.segment_sum(vecs, seg, num_segments=b)
    counts = jnp.diff(jnp.concatenate([offsets, jnp.array([n], dtype=offsets.dtype)])).astype(jnp.float32)
    counts = jnp.maximum(counts, 1.0)
    return summed / counts[:, None]


def reference(tokens, offsets, table, W1, b1, W2, b2, W3, b3, W4, b4, W5, b5):
    x = _embedding_bag_mean(table, tokens, offsets)
    # MLP in eval mode: Dropout is identity
    x = jax.nn.relu(x @ W1.T + b1)
    x = jax.nn.relu(x @ W2.T + b2)
    x = jax.nn.relu(x @ W3.T + b3)
    x = jax.nn.relu(x @ W4.T + b4)
    x = x @ W5.T + b5
    return x

if __name__ == "__main__":
    import jax
    _d = setup_inputs()
    print(jax.jit(kernel)(*tuple(_d.values())))

</pallas_src>

<mosaic_0001>
#map = affine_map<(d0, d1) -> (0, 0)>
module attributes {stable_mosaic.version = 14 : i64} {
  func.func @_sc_embed_body(%arg0: i32, %arg1: i32, %arg2: memref<6400x128xi32, #tpu.memory_space<hbm>>, %arg3: memref<1000000x64xf32, #tpu.memory_space<hbm>>, %arg4: memref<16384x64xf32, #tpu.memory_space<hbm>>, %arg5: memref<32x64xf32, #tpu.memory_space<hbm>>, %arg6: memref<200x128xi32, #tpu.memory_space<vmem>>, %arg7: memref<4x128xi32, #tpu.memory_space<vmem>>, %arg8: memref<512x64xf32, #tpu.memory_space<vmem>>, %arg9: memref<512x64xf32, #tpu.memory_space<vmem>>, %arg10: memref<64xf32, #tpu.memory_space<vmem>>, %arg11: memref<!tpu.dma_semaphore, #tpu.memory_space<semaphore_mem>>, %arg12: memref<!tpu.dma_semaphore, #tpu.memory_space<semaphore_mem>>) attributes {dimension_semantics = [#tpu.dimension_semantics<core_parallel>, #tpu.dimension_semantics<subcore_parallel>], iteration_bounds = array<i64: 2, 16>, scalar_prefetch = 0 : i64, scratch_operands = 7 : i64, tpu.core_type = #tpu.core_type<sc_vector_subcore>, window_params = [{transform_indices = #map}, {transform_indices = #map}, {transform_indices = #map}, {transform_indices = #map}]} {
    %mul3A = arith.constant 2 : i32
    %mul3A_0 = arith.muli %arg1, %mul3A : i32
    %add3A = arith.addi %mul3A_0, %arg0 : i32
    %mul3A_1 = arith.constant 200 : i32
    %mul3A_2 = arith.muli %add3A, %mul3A_1 : i32
    "tpu.region"() ({
      %run_scoped3A = tpu.sem_alloc : memref<!tpu.dma_semaphore, #tpu.memory_space<semaphore_mem>>
      %dma_start3A_317 = arith.constant 0 : i32
      %dma_start3A_318 = tpu.memref_slice %arg2[%mul3A_2, %dma_start3A_317] : memref<6400x128xi32, #tpu.memory_space<hbm>> -> memref<200x128xi32, #tpu.memory_space<hbm>>
      %dma_start3A_319 = arith.constant 0 : i32
      %dma_start3A_320 = tpu.memref_slice %arg2[%mul3A_2, %dma_start3A_319] : memref<6400x128xi32, #tpu.memory_space<hbm>> -> memref<200x128xi32, #tpu.memory_space<hbm>>
      tpu.enqueue_dma source(%dma_start3A_320 : memref<200x128xi32, #tpu.memory_space<hbm>>) target(%arg6 : memref<200x128xi32, #tpu.memory_space<vmem>>) target_semaphore(%run_scoped3A : memref<!tpu.dma_semaphore, #tpu.memory_space<semaphore_mem>>)
      %dma_wait3A_321 = arith.constant 0 : i32
      %dma_wait3A_322 = tpu.memref_slice %arg2[%mul3A_2, %dma_wait3A_321] : memref<6400x128xi32, #tpu.memory_space<hbm>> -> memref<200x128xi32, #tpu.memory_space<hbm>>
      %dma_wait3A_323 = arith.constant 0 : i32
      %dma_wait3A_324 = tpu.memref_slice %arg2[%mul3A_2, %dma_wait3A_323] : memref<6400x128xi32, #tpu.memory_space<hbm>> -> memref<200x128xi32, #tpu.memory_space<hbm>>
      tpu.wait_dma2 semaphore(%run_scoped3A : memref<!tpu.dma_semaphore, #tpu.memory_space<semaphore_mem>>) src(%dma_wait3A_324 : memref<200x128xi32, #tpu.memory_space<hbm>>) dst(%arg6 : memref<200x128xi32, #tpu.memory_space<vmem>>)
      tpu.yield
    }) : () -> ()
    %mul3A_3 = arith.constant 4 : i32
    %mul3A_4 = arith.muli %add3A, %mul3A_3 : i32
    "tpu.region"() ({
      %run_scoped3A = tpu.sem_alloc : memref<!tpu.dma_semaphore, #tpu.memory_space<semaphore_mem>>
      %dma_start3A_317 = arith.constant 0 : i32
      %dma_start3A_318 = tpu.memref_slice %arg2[%mul3A_4, %dma_start3A_317] : memref<6400x128xi32, #tpu.memory_space<hbm>> -> memref<4x128xi32, #tpu.memory_space<hbm>>
      %dma_start3A_319 = arith.constant 0 : i32
      %dma_start3A_320 = tpu.memref_slice %arg2[%mul3A_4, %dma_start3A_319] : memref<6400x128xi32, #tpu.memory_space<hbm>> -> memref<4x128xi32, #tpu.memory_space<hbm>>
      tpu.enqueue_dma source(%dma_start3A_320 : memref<4x128xi32, #tpu.memory_space<hbm>>) target(%arg7 : memref<4x128xi32, #tpu.memory_space<vmem>>) target_semaphore(%run_scoped3A : memref<!tpu.dma_semaphore, #tpu.memory_space<semaphore_mem>>)
      %dma_wait3A_321 = arith.constant 0 : i32
      %dma_wait3A_322 = tpu.memref_slice %arg2[%mul3A_4, %dma_wait3A_321] : memref<6400x128xi32, #tpu.memory_space<hbm>> -> memref<4x128xi32, #tpu.memory_space<hbm>>
      %dma_wait3A_323 = arith.constant 0 : i32
      %dma_wait3A_324 = tpu.memref_slice %arg2[%mul3A_4, %dma_wait3A_323] : memref<6400x128xi32, #tpu.memory_space<hbm>> -> memref<4x128xi32, #tpu.memory_space<hbm>>
      tpu.wait_dma2 semaphore(%run_scoped3A : memref<!tpu.dma_semaphore, #tpu.memory_space<semaphore_mem>>) src(%dma_wait3A_324 : memref<4x128xi32, #tpu.memory_space<hbm>>) dst(%arg7 : memref<4x128xi32, #tpu.memory_space<vmem>>)
      tpu.yield
    }) : () -> ()
    %dma_start3A = arith.constant 0 : i32
    %dma_start3A_5 = arith.constant 0 : i32
    %dma_start3A_6 = arith.constant 0 : i32
    %dma_start3A_7 = tpu.memref_slice %arg8[%dma_start3A_5, %dma_start3A_6] : memref<512x64xf32, #tpu.memory_space<vmem>> -> memref<128x64xf32, #tpu.memory_space<vmem>>
    %dma_start3A_8 = arith.constant 0 : i32
    %dma_start3A_9 = tpu.memref_slice %arg7[%dma_start3A, %dma_start3A_8] : memref<4x128xi32, #tpu.memory_space<vmem>> -> memref<1x128xi32, #tpu.memory_space<vmem>>
    %dma_start3A_10 = tpu.memref_squeeze %dma_start3A_9 : memref<1x128xi32, #tpu.memory_space<vmem>> -> memref<128xi32, #tpu.memory_space<vmem>>
    %dma_start3A_11 = arith.constant 0 : i32
    %dma_start3A_12 = arith.constant 0 : i32
    %dma_start3A_13 = tpu.memref_slice %arg3[%dma_start3A_11, %dma_start3A_12] : memref<1000000x64xf32, #tpu.memory_space<hbm>> -> memref<1000000x64xf32, #tpu.memory_space<hbm>>
    tpu.enqueue_indirect_dma source(%dma_start3A_13 : memref<1000000x64xf32, #tpu.memory_space<hbm>>) target(%dma_start3A_7 : memref<128x64xf32, #tpu.memory_space<vmem>>) offsets(%dma_start3A_10 : memref<128xi32, #tpu.memory_space<vmem>>) semaphore(%arg11 : memref<!tpu.dma_semaphore, #tpu.memory_space<semaphore_mem>>)
    %dma_start3A_14 = arith.constant 1 : i32
    %dma_start3A_15 = arith.constant 128 : i32
    %dma_start3A_16 = arith.constant 0 : i32
    %dma_start3A_17 = tpu.memref_slice %arg8[%dma_start3A_15, %dma_start3A_16] : memref<512x64xf32, #tpu.memory_space<vmem>> -> memref<128x64xf32, #tpu.memory_space<vmem>>
    %dma_start3A_18 = arith.constant 0 : i32
    %dma_start3A_19 = tpu.memref_slice %arg7[%dma_start3A_14, %dma_start3A_18] : memref<4x128xi32, #tpu.memory_space<vmem>> -> memref<1x128xi32, #tpu.memory_space<vmem>>
    %dma_start3A_20 = tpu.memref_squeeze %dma_start3A_19 : memref<1x128xi32, #tpu.memory_space<vmem>> -> memref<128xi32, #tpu.memory_space<vmem>>
    %dma_start3A_21 = arith.constant 0 : i32
    %dma_start3A_22 = arith.constant 0 : i32
    %dma_start3A_23 = tpu.memref_slice %arg3[%dma_start3A_21, %dma_start3A_22] : memref<1000000x64xf32, #tpu.memory_space<hbm>> -> memref<1000000x64xf32, #tpu.memory_space<hbm>>
    tpu.enqueue_indirect_dma source(%dma_start3A_23 : memref<1000000x64xf32, #tpu.memory_space<hbm>>) target(%dma_start3A_17 : memref<128x64xf32, #tpu.memory_space<vmem>>) offsets(%dma_start3A_20 : memref<128xi32, #tpu.memory_space<vmem>>) semaphore(%arg11 : memref<!tpu.dma_semaphore, #tpu.memory_space<semaphore_mem>>)
    %dma_start3A_24 = arith.constant 2 : i32
    %dma_start3A_25 = arith.constant 256 : i32
    %dma_start3A_26 = arith.constant 0 : i32
    %dma_start3A_27 = tpu.memref_slice %arg8[%dma_start3A_25, %dma_start3A_26] : memref<512x64xf32, #tpu.memory_space<vmem>> -> memref<128x64xf32, #tpu.memory_space<vmem>>
    %dma_start3A_28 = arith.constant 0 : i32
    %dma_start3A_29 = tpu.memref_slice %arg7[%dma_start3A_24, %dma_start3A_28] : memref<4x128xi32, #tpu.memory_space<vmem>> -> memref<1x128xi32, #tpu.memory_space<vmem>>
    %dma_start3A_30 = tpu.memref_squeeze %dma_start3A_29 : memref<1x128xi32, #tpu.memory_space<vmem>> -> memref<128xi32, #tpu.memory_space<vmem>>
    %dma_start3A_31 = arith.constant 0 : i32
    %dma_start3A_32 = arith.constant 0 : i32
    %dma_start3A_33 = tpu.memref_slice %arg3[%dma_start3A_31, %dma_start3A_32] : memref<1000000x64xf32, #tpu.memory_space<hbm>> -> memref<1000000x64xf32, #tpu.memory_space<hbm>>
    tpu.enqueue_indirect_dma source(%dma_start3A_33 : memref<1000000x64xf32, #tpu.memory_space<hbm>>) target(%dma_start3A_27 : memref<128x64xf32, #tpu.memory_space<vmem>>) offsets(%dma_start3A_30 : memref<128xi32, #tpu.memory_space<vmem>>) semaphore(%arg11 : memref<!tpu.dma_semaphore, #tpu.memory_space<semaphore_mem>>)
    %dma_start3A_34 = arith.constant 3 : i32
    %dma_start3A_35 = arith.constant 384 : i32
    %dma_start3A_36 = arith.constant 0 : i32
    %dma_start3A_37 = tpu.memref_slice %arg8[%dma_start3A_35, %dma_start3A_36] : memref<512x64xf32, #tpu.memory_space<vmem>> -> memref<128x64xf32, #tpu.memory_space<vmem>>
    %dma_start3A_38 = arith.constant 0 : i32
    %dma_start3A_39 = tpu.memref_slice %arg7[%dma_start3A_34, %dma_start3A_38] : memref<4x128xi32, #tpu.memory_space<vmem>> -> memref<1x128xi32, #tpu.memory_space<vmem>>
    %dma_start3A_40 = tpu.memref_squeeze %dma_start3A_39 : memref<1x128xi32, #tpu.memory_space<vmem>> -> memref<128xi32, #tpu.memory_space<vmem>>
    %dma_start3A_41 = arith.constant 0 : i32
    %dma_start3A_42 = arith.constant 0 : i32
    %dma_start3A_43 = tpu.memref_slice %arg3[%dma_start3A_41, %dma_start3A_42] : memref<1000000x64xf32, #tpu.memory_space<hbm>> -> memref<1000000x64xf32, #tpu.memory_space<hbm>>
    tpu.enqueue_indirect_dma source(%dma_start3A_43 : memref<1000000x64xf32, #tpu.memory_space<hbm>>) target(%dma_start3A_37 : memref<128x64xf32, #tpu.memory_space<vmem>>) offsets(%dma_start3A_40 : memref<128xi32, #tpu.memory_space<vmem>>) semaphore(%arg11 : memref<!tpu.dma_semaphore, #tpu.memory_space<semaphore_mem>>)
    %dma_wait3A = arith.constant 0 : i32
    %dma_wait3A_44 = arith.constant 0 : i32
    %dma_wait3A_45 = arith.constant 0 : i32
    %dma_wait3A_46 = tpu.memref_slice %arg8[%dma_wait3A_44, %dma_wait3A_45] : memref<512x64xf32, #tpu.memory_space<vmem>> -> memref<128x64xf32, #tpu.memory_space<vmem>>
    %dma_wait3A_47 = arith.constant 0 : i32
    %dma_wait3A_48 = tpu.memref_slice %arg7[%dma_wait3A, %dma_wait3A_47] : memref<4x128xi32, #tpu.memory_space<vmem>> -> memref<1x128xi32, #tpu.memory_space<vmem>>
    %dma_wait3A_49 = tpu.memref_squeeze %dma_wait3A_48 : memref<1x128xi32, #tpu.memory_space<vmem>> -> memref<128xi32, #tpu.memory_space<vmem>>
    %dma_wait3A_50 = arith.constant 0 : i32
    %dma_wait3A_51 = arith.constant 0 : i32
    %dma_wait3A_52 = tpu.memref_slice %arg3[%dma_wait3A_50, %dma_wait3A_51] : memref<1000000x64xf32, #tpu.memory_space<hbm>> -> memref<1000000x64xf32, #tpu.memory_space<hbm>>
    tpu.wait_indirect_dma semaphore(%arg11 : memref<!tpu.dma_semaphore, #tpu.memory_space<semaphore_mem>>) src(%dma_wait3A_52 : memref<1000000x64xf32, #tpu.memory_space<hbm>>) dst(%dma_wait3A_46 : memref<128x64xf32, #tpu.memory_space<vmem>>)
    %dma_wait3A_53 = arith.constant 1 : i32
    %dma_wait3A_54 = arith.constant 128 : i32
    %dma_wait3A_55 = arith.constant 0 : i32
    %dma_wait3A_56 = tpu.memref_slice %arg8[%dma_wait3A_54, %dma_wait3A_55] : memref<512x64xf32, #tpu.memory_space<vmem>> -> memref<128x64xf32, #tpu.memory_space<vmem>>
    %dma_wait3A_57 = arith.constant 0 : i32
    %dma_wait3A_58 = tpu.memref_slice %arg7[%dma_wait3A_53, %dma_wait3A_57] : memref<4x128xi32, #tpu.memory_space<vmem>> -> memref<1x128xi32, #tpu.memory_space<vmem>>
    %dma_wait3A_59 = tpu.memref_squeeze %dma_wait3A_58 : memref<1x128xi32, #tpu.memory_space<vmem>> -> memref<128xi32, #tpu.memory_space<vmem>>
    %dma_wait3A_60 = arith.constant 0 : i32
    %dma_wait3A_61 = arith.constant 0 : i32
    %dma_wait3A_62 = tpu.memref_slice %arg3[%dma_wait3A_60, %dma_wait3A_61] : memref<1000000x64xf32, #tpu.memory_space<hbm>> -> memref<1000000x64xf32, #tpu.memory_space<hbm>>
    tpu.wait_indirect_dma semaphore(%arg11 : memref<!tpu.dma_semaphore, #tpu.memory_space<semaphore_mem>>) src(%dma_wait3A_62 : memref<1000000x64xf32, #tpu.memory_space<hbm>>) dst(%dma_wait3A_56 : memref<128x64xf32, #tpu.memory_space<vmem>>)
    %dma_wait3A_63 = arith.constant 2 : i32
    %dma_wait3A_64 = arith.constant 256 : i32
    %dma_wait3A_65 = arith.constant 0 : i32
    %dma_wait3A_66 = tpu.memref_slice %arg8[%dma_wait3A_64, %dma_wait3A_65] : memref<512x64xf32, #tpu.memory_space<vmem>> -> memref<128x64xf32, #tpu.memory_space<vmem>>
    %dma_wait3A_67 = arith.constant 0 : i32
    %dma_wait3A_68 = tpu.memref_slice %arg7[%dma_wait3A_63, %dma_wait3A_67] : memref<4x128xi32, #tpu.memory_space<vmem>> -> memref<1x128xi32, #tpu.memory_space<vmem>>
    %dma_wait3A_69 = tpu.memref_squeeze %dma_wait3A_68 : memref<1x128xi32, #tpu.memory_space<vmem>> -> memref<128xi32, #tpu.memory_space<vmem>>
    %dma_wait3A_70 = arith.constant 0 : i32
    %dma_wait3A_71 = arith.constant 0 : i32
    %dma_wait3A_72 = tpu.memref_slice %arg3[%dma_wait3A_70, %dma_wait3A_71] : memref<1000000x64xf32, #tpu.memory_space<hbm>> -> memref<1000000x64xf32, #tpu.memory_space<hbm>>
    tpu.wait_indirect_dma semaphore(%arg11 : memref<!tpu.dma_semaphore, #tpu.memory_space<semaphore_mem>>) src(%dma_wait3A_72 : memref<1000000x64xf32, #tpu.memory_space<hbm>>) dst(%dma_wait3A_66 : memref<128x64xf32, #tpu.memory_space<vmem>>)
    %dma_wait3A_73 = arith.constant 3 : i32
    %dma_wait3A_74 = arith.constant 384 : i32
    %dma_wait3A_75 = arith.constant 0 : i32
    %dma_wait3A_76 = tpu.memref_slice %arg8[%dma_wait3A_74, %dma_wait3A_75] : memref<512x64xf32, #tpu.memory_space<vmem>> -> memref<128x64xf32, #tpu.memory_space<vmem>>
    %dma_wait3A_77 = arith.constant 0 : i32
    %dma_wait3A_78 = tpu.memref_slice %arg7[%dma_wait3A_73, %dma_wait3A_77] : memref<4x128xi32, #tpu.memory_space<vmem>> -> memref<1x128xi32, #tpu.memory_space<vmem>>
    %dma_wait3A_79 = tpu.memref_squeeze %dma_wait3A_78 : memref<1x128xi32, #tpu.memory_space<vmem>> -> memref<128xi32, #tpu.memory_space<vmem>>
    %dma_wait3A_80 = arith.constant 0 : i32
    %dma_wait3A_81 = arith.constant 0 : i32
    %dma_wait3A_82 = tpu.memref_slice %arg3[%dma_wait3A_80, %dma_wait3A_81] : memref<1000000x64xf32, #tpu.memory_space<hbm>> -> memref<1000000x64xf32, #tpu.memory_space<hbm>>
    tpu.wait_indirect_dma semaphore(%arg11 : memref<!tpu.dma_semaphore, #tpu.memory_space<semaphore_mem>>) src(%dma_wait3A_82 : memref<1000000x64xf32, #tpu.memory_space<hbm>>) dst(%dma_wait3A_76 : memref<128x64xf32, #tpu.memory_space<vmem>>)
    %mul3A_83 = arith.constant 512 : i32
    %mul3A_84 = arith.muli %add3A, %mul3A_83 : i32
    "tpu.region"() ({
      %run_scoped3A = tpu.sem_alloc : memref<!tpu.dma_semaphore, #tpu.memory_space<semaphore_mem>>
      %dma_start3A_317 = arith.constant 0 : i32
      %dma_start3A_318 = tpu.memref_slice %arg4[%mul3A_84, %dma_start3A_317] : memref<16384x64xf32, #tpu.memory_space<hbm>> -> memref<512x64xf32, #tpu.memory_space<hbm>>
      %dma_start3A_319 = arith.constant 0 : i32
      %dma_start3A_320 = tpu.memref_slice %arg4[%mul3A_84, %dma_start3A_319] : memref<16384x64xf32, #tpu.memory_space<hbm>> -> memref<512x64xf32, #tpu.memory_space<hbm>>
      tpu.enqueue_dma source(%arg8 : memref<512x64xf32, #tpu.memory_space<vmem>>) target(%dma_start3A_320 : memref<512x64xf32, #tpu.memory_space<hbm>>) target_semaphore(%run_scoped3A : memref<!tpu.dma_semaphore, #tpu.memory_space<semaphore_mem>>)
      %dma_wait3A_321 = arith.constant 0 : i32
      %dma_wait3A_322 = tpu.memref_slice %arg4[%mul3A_84, %dma_wait3A_321] : memref<16384x64xf32, #tpu.memory_space<hbm>> -> memref<512x64xf32, #tpu.memory_space<hbm>>
      %dma_wait3A_323 = arith.constant 0 : i32
      %dma_wait3A_324 = tpu.memref_slice %arg4[%mul3A_84, %dma_wait3A_323] : memref<16384x64xf32, #tpu.memory_space<hbm>> -> memref<512x64xf32, #tpu.memory_space<hbm>>
      tpu.wait_dma2 semaphore(%run_scoped3A : memref<!tpu.dma_semaphore, #tpu.memory_space<semaphore_mem>>) src(%arg8 : memref<512x64xf32, #tpu.memory_space<vmem>>) dst(%dma_wait3A_324 : memref<512x64xf32, #tpu.memory_space<hbm>>)
      tpu.yield
    }) : () -> ()
    %broadcast_in_dim3A = arith.constant 0.000000e+00 : f32
    %broadcast_in_dim3A_85 = vector.broadcast %broadcast_in_dim3A : f32 to vector<16xf32>
    %scan3A = arith.constant 0 : i32
    %scan3A_86 = arith.constant 64 : i32
    %scan3A_87 = arith.addi %scan3A, %scan3A_86 : i32
    %scan3A_88 = arith.constant 1 : i32
    %scan3A_89:4 = scf.for %scan3A_317 = %scan3A to %scan3A_87 step %scan3A_88 iter_args(%scan3A_318 = %broadcast_in_dim3A_85, %scan3A_319 = %broadcast_in_dim3A_85, %scan3A_320 = %broadcast_in_dim3A_85, %scan3A_321 = %broadcast_in_dim3A_85) -> (vector<16xf32>, vector<16xf32>, vector<16xf32>, vector<16xf32>)  : i32 {
      %mul3A_322 = arith.constant 8 : i32
      %mul3A_323 = arith.muli %scan3A_317, %mul3A_322 : i32
      %add3A_324 = arith.constant 0 : i32
      %add3A_325 = arith.addi %mul3A_323, %add3A_324 : i32
      %get3A_326 = arith.index_cast %add3A_325 : i32 to index
      %get3A_327 = arith.constant 0 : index
      %get3A_328 = tpu.vector_load %arg8[%get3A_326, %get3A_327] {strides = array<i32>} : memref<512x64xf32, #tpu.memory_space<vmem>>, vector<1x16xf32>,
      %get3A_329 = vector.shape_cast %get3A_328 : vector<1x16xf32> to vector<16xf32>
      %mul3A_330 = arith.constant -1.000000e+00 : f32
      %mul3A_331 = vector.broadcast %mul3A_330 : f32 to vector<16xf32>
      %mul3A_332 = arith.mulf %mul3A_331, %get3A_329 : vector<16xf32>
      %add3A_333 = arith.addf %scan3A_318, %mul3A_332 : vector<16xf32>
      %get3A_334 = arith.index_cast %add3A_325 : i32 to index
      %get3A_335 = arith.constant 16 : index
      %get3A_336 = tpu.vector_load %arg8[%get3A_334, %get3A_335] {strides = array<i32>} : memref<512x64xf32, #tpu.memory_space<vmem>>, vector<1x16xf32>,
      %get3A_337 = vector.shape_cast %get3A_336 : vector<1x16xf32> to vector<16xf32>
      %mul3A_338 = arith.constant -1.000000e+00 : f32
      %mul3A_339 = vector.broadcast %mul3A_338 : f32 to vector<16xf32>
      %mul3A_340 = arith.mulf %mul3A_339, %get3A_337 : vector<16xf32>
      %add3A_341 = arith.addf %scan3A_319, %mul3A_340 : vector<16xf32>
      %get3A_342 = arith.index_cast %add3A_325 : i32 to index
      %get3A_343 = arith.constant 32 : index
      %get3A_344 = tpu.vector_load %arg8[%get3A_342, %get3A_343] {strides = array<i32>} : memref<512x64xf32, #tpu.memory_space<vmem>>, vector<1x16xf32>,
      %get3A_345 = vector.shape_cast %get3A_344 : vector<1x16xf32> to vector<16xf32>
      %mul3A_346 = arith.constant -1.000000e+00 : f32
      %mul3A_347 = vector.broadcast %mul3A_346 : f32 to vector<16xf32>
      %mul3A_348 = arith.mulf %mul3A_347, %get3A_345 : vector<16xf32>
      %add3A_349 = arith.addf %scan3A_320, %mul3A_348 : vector<16xf32>
      %get3A_350 = arith.index_cast %add3A_325 : i32 to index
      %get3A_351 = arith.constant 48 : index
      %get3A_352 = tpu.vector_load %arg8[%get3A_350, %get3A_351] {strides = array<i32>} : memref<512x64xf32, #tpu.memory_space<vmem>>, vector<1x16xf32>,
      %get3A_353 = vector.shape_cast %get3A_352 : vector<1x16xf32> to vector<16xf32>
      %mul3A_354 = arith.constant -1.000000e+00 : f32
      %mul3A_355 = vector.broadcast %mul3A_354 : f32 to vector<16xf32>
      %mul3A_356 = arith.mulf %mul3A_355, %get3A_353 : vector<16xf32>
      %add3A_357 = arith.addf %scan3A_321, %mul3A_356 : vector<16xf32>
      %mul3A_358 = arith.constant 8 : i32
      %mul3A_359 = arith.muli %scan3A_317, %mul3A_358 : i32
      %add3A_360 = arith.constant 1 : i32
      %add3A_361 = arith.addi %mul3A_359, %add3A_360 : i32
      %get3A_362 = arith.index_cast %add3A_361 : i32 to index
      %get3A_363 = arith.constant 0 : index
      %get3A_364 = tpu.vector_load %arg8[%get3A_362, %get3A_363] {strides = array<i32>} : memref<512x64xf32, #tpu.memory_space<vmem>>, vector<1x16xf32>,
      %get3A_365 = vector.shape_cast %get3A_364 : vector<1x16xf32> to vector<16xf32>
      %mul3A_366 = arith.constant -1.000000e+00 : f32
      %mul3A_367 = vector.broadcast %mul3A_366 : f32 to vector<16xf32>
      %mul3A_368 = arith.mulf %mul3A_367, %get3A_365 : vector<16xf32>
      %add3A_369 = arith.addf %add3A_333, %mul3A_368 : vector<16xf32>
      %get3A_370 = arith.index_cast %add3A_361 : i32 to index
      %get3A_371 = arith.constant 16 : index
      %get3A_372 = tpu.vector_load %arg8[%get3A_370, %get3A_371] {strides = array<i32>} : memref<512x64xf32, #tpu.memory_space<vmem>>, vector<1x16xf32>,
      %get3A_373 = vector.shape_cast %get3A_372 : vector<1x16xf32> to vector<16xf32>
      %mul3A_374 = arith.constant -1.000000e+00 : f32
      %mul3A_375 = vector.broadcast %mul3A_374 : f32 to vector<16xf32>
      %mul3A_376 = arith.mulf %mul3A_375, %get3A_373 : vector<16xf32>
      %add3A_377 = arith.addf %add3A_341, %mul3A_376 : vector<16xf32>
      %get3A_378 = arith.index_cast %add3A_361 : i32 to index
      %get3A_379 = arith.constant 32 : index
      %get3A_380 = tpu.vector_load %arg8[%get3A_378, %get3A_379] {strides = array<i32>} : memref<512x64xf32, #tpu.memory_space<vmem>>, vector<1x16xf32>,
      %get3A_381 = vector.shape_cast %get3A_380 : vector<1x16xf32> to vector<16xf32>
      %mul3A_382 = arith.constant -1.000000e+00 : f32
      %mul3A_383 = vector.broadcast %mul3A_382 : f32 to vector<16xf32>
      %mul3A_384 = arith.mulf %mul3A_383, %get3A_381 : vector<16xf32>
      %add3A_385 = arith.addf %add3A_349, %mul3A_384 : vector<16xf32>
      %get3A_386 = arith.index_cast %add3A_361 : i32 to index
      %get3A_387 = arith.constant 48 : index
      %get3A_388 = tpu.vector_load %arg8[%get3A_386, %get3A_387] {strides = array<i32>} : memref<512x64xf32, #tpu.memory_space<vmem>>, vector<1x16xf32>,
      %get3A_389 = vector.shape_cast %get3A_388 : vector<1x16xf32> to vector<16xf32>
      %mul3A_390 = arith.constant -1.000000e+00 : f32
      %mul3A_391 = vector.broadcast %mul3A_390 : f32 to vector<16xf32>
      %mul3A_392 = arith.mulf %mul3A_391, %get3A_389 : vector<16xf32>
      %add3A_393 = arith.addf %add3A_357, %mul3A_392 : vector<16xf32>
      %mul3A_394 = arith.constant 8 : i32
      %mul3A_395 = arith.muli %scan3A_317, %mul3A_394 : i32
      %add3A_396 = arith.constant 2 : i32
      %add3A_397 = arith.addi %mul3A_395, %add3A_396 : i32
      %get3A_398 = arith.index_cast %add3A_397 : i32 to index
      %get3A_399 = arith.constant 0 : index
      %get3A_400 = tpu.vector_load %arg8[%get3A_398, %get3A_399] {strides = array<i32>} : memref<512x64xf32, #tpu.memory_space<vmem>>, vector<1x16xf32>,
      %get3A_401 = vector.shape_cast %get3A_400 : vector<1x16xf32> to vector<16xf32>
      %mul3A_402 = arith.constant -1.000000e+00 : f32
      %mul3A_403 = vector.broadcast %mul3A_402 : f32 to vector<16xf32>
      %mul3A_404 = arith.mulf %mul3A_403, %get3A_401 : vector<16xf32>
      %add3A_405 = arith.addf %add3A_369, %mul3A_404 : vector<16xf32>
      %get3A_406 = arith.index_cast %add3A_397 : i32 to index
      %get3A_407 = arith.constant 16 : index
      %get3A_408 = tpu.vector_load %arg8[%get3A_406, %get3A_407] {strides = array<i32>} : memref<512x64xf32, #tpu.memory_space<vmem>>, vector<1x16xf32>,
      %get3A_409 = vector.shape_cast %get3A_408 : vector<1x16xf32> to vector<16xf32>
      %mul3A_410 = arith.constant -1.000000e+00 : f32
      %mul3A_411 = vector.broadcast %mul3A_410 : f32 to vector<16xf32>
      %mul3A_412 = arith.mulf %mul3A_411, %get3A_409 : vector<16xf32>
      %add3A_413 = arith.addf %add3A_377, %mul3A_412 : vector<16xf32>
      %get3A_414 = arith.index_cast %add3A_397 : i32 to index
      %get3A_415 = arith.constant 32 : index
      %get3A_416 = tpu.vector_load %arg8[%get3A_414, %get3A_415] {strides = array<i32>} : memref<512x64xf32, #tpu.memory_space<vmem>>, vector<1x16xf32>,
      %get3A_417 = vector.shape_cast %get3A_416 : vector<1x16xf32> to vector<16xf32>
      %mul3A_418 = arith.constant -1.000000e+00 : f32
      %mul3A_419 = vector.broadcast %mul3A_418 : f32 to vector<16xf32>
      %mul3A_420 = arith.mulf %mul3A_419, %get3A_417 : vector<16xf32>
      %add3A_421 = arith.addf %add3A_385, %mul3A_420 : vector<16xf32>
      %get3A_422 = arith.index_cast %add3A_397 : i32 to index
      %get3A_423 = arith.constant 48 : index
      %get3A_424 = tpu.vector_load %arg8[%get3A_422, %get3A_423] {strides = array<i32>} : memref<512x64xf32, #tpu.memory_space<vmem>>, vector<1x16xf32>,
      %get3A_425 = vector.shape_cast %get3A_424 : vector<1x16xf32> to vector<16xf32>
      %mul3A_426 = arith.constant -1.000000e+00 : f32
      %mul3A_427 = vector.broadcast %mul3A_426 : f32 to vector<16xf32>
      %mul3A_428 = arith.mulf %mul3A_427, %get3A_425 : vector<16xf32>
      %add3A_429 = arith.addf %add3A_393, %mul3A_428 : vector<16xf32>
      %mul3A_430 = arith.constant 8 : i32
      %mul3A_431 = arith.muli %scan3A_317, %mul3A_430 : i32
      %add3A_432 = arith.constant 3 : i32
      %add3A_433 = arith.addi %mul3A_431, %add3A_432 : i32
      %get3A_434 = arith.index_cast %add3A_433 : i32 to index
      %get3A_435 = arith.constant 0 : index
      %get3A_436 = tpu.vector_load %arg8[%get3A_434, %get3A_435] {strides = array<i32>} : memref<512x64xf32, #tpu.memory_space<vmem>>, vector<1x16xf32>,
      %get3A_437 = vector.shape_cast %get3A_436 : vector<1x16xf32> to vector<16xf32>
      %mul3A_438 = arith.constant -1.000000e+00 : f32
      %mul3A_439 = vector.broadcast %mul3A_438 : f32 to vector<16xf32>
      %mul3A_440 = arith.mulf %mul3A_439, %get3A_437 : vector<16xf32>
      %add3A_441 = arith.addf %add3A_405, %mul3A_440 : vector<16xf32>
      %get3A_442 = arith.index_cast %add3A_433 : i32 to index
      %get3A_443 = arith.constant 16 : index
      %get3A_444 = tpu.vector_load %arg8[%get3A_442, %get3A_443] {strides = array<i32>} : memref<512x64xf32, #tpu.memory_space<vmem>>, vector<1x16xf32>,
      %get3A_445 = vector.shape_cast %get3A_444 : vector<1x16xf32> to vector<16xf32>
      %mul3A_446 = arith.constant -1.000000e+00 : f32
      %mul3A_447 = vector.broadcast %mul3A_446 : f32 to vector<16xf32>
      %mul3A_448 = arith.mulf %mul3A_447, %get3A_445 : vector<16xf32>
      %add3A_449 = arith.addf %add3A_413, %mul3A_448 : vector<16xf32>
      %get3A_450 = arith.index_cast %add3A_433 : i32 to index
      %get3A_451 = arith.constant 32 : index
      %get3A_452 = tpu.vector_load %arg8[%get3A_450, %get3A_451] {strides = array<i32>} : memref<512x64xf32, #tpu.memory_space<vmem>>, vector<1x16xf32>,
      %get3A_453 = vector.shape_cast %get3A_452 : vector<1x16xf32> to vector<16xf32>
      %mul3A_454 = arith.constant -1.000000e+00 : f32
      %mul3A_455 = vector.broadcast %mul3A_454 : f32 to vector<16xf32>
      %mul3A_456 = arith.mulf %mul3A_455, %get3A_453 : vector<16xf32>
      %add3A_457 = arith.addf %add3A_421, %mul3A_456 : vector<16xf32>
      %get3A_458 = arith.index_cast %add3A_433 : i32 to index
      %get3A_459 = arith.constant 48 : index
      %get3A_460 = tpu.vector_load %arg8[%get3A_458, %get3A_459] {strides = array<i32>} : memref<512x64xf32, #tpu.memory_space<vmem>>, vector<1x16xf32>,
      %get3A_461 = vector.shape_cast %get3A_460 : vector<1x16xf32> to vector<16xf32>
      %mul3A_462 = arith.constant -1.000000e+00 : f32
      %mul3A_463 = vector.broadcast %mul3A_462 : f32 to vector<16xf32>
      %mul3A_464 = arith.mulf %mul3A_463, %get3A_461 : vector<16xf32>
      %add3A_465 = arith.addf %add3A_429, %mul3A_464 : vector<16xf32>
      %mul3A_466 = arith.constant 8 : i32
      %mul3A_467 = arith.muli %scan3A_317, %mul3A_466 : i32
      %add3A_468 = arith.constant 4 : i32
      %add3A_469 = arith.addi %mul3A_467, %add3A_468 : i32
      %get3A_470 = arith.index_cast %add3A_469 : i32 to index
      %get3A_471 = arith.constant 0 : index
      %get3A_472 = tpu.vector_load %arg8[%get3A_470, %get3A_471] {strides = array<i32>} : memref<512x64xf32, #tpu.memory_space<vmem>>, vector<1x16xf32>,
      %get3A_473 = vector.shape_cast %get3A_472 : vector<1x16xf32> to vector<16xf32>
      %mul3A_474 = arith.constant -1.000000e+00 : f32
      %mul3A_475 = vector.broadcast %mul3A_474 : f32 to vector<16xf32>
      %mul3A_476 = arith.mulf %mul3A_475, %get3A_473 : vector<16xf32>
      %add3A_477 = arith.addf %add3A_441, %mul3A_476 : vector<16xf32>
      %get3A_478 = arith.index_cast %add3A_469 : i32 to index
      %get3A_479 = arith.constant 16 : index
      %get3A_480 = tpu.vector_load %arg8[%get3A_478, %get3A_479] {strides = array<i32>} : memref<512x64xf32, #tpu.memory_space<vmem>>, vector<1x16xf32>,
      %get3A_481 = vector.shape_cast %get3A_480 : vector<1x16xf32> to vector<16xf32>
      %mul3A_482 = arith.constant -1.000000e+00 : f32
      %mul3A_483 = vector.broadcast %mul3A_482 : f32 to vector<16xf32>
      %mul3A_484 = arith.mulf %mul3A_483, %get3A_481 : vector<16xf32>
      %add3A_485 = arith.addf %add3A_449, %mul3A_484 : vector<16xf32>
      %get3A_486 = arith.index_cast %add3A_469 : i32 to index
      %get3A_487 = arith.constant 32 : index
      %get3A_488 = tpu.vector_load %arg8[%get3A_486, %get3A_487] {strides = array<i32>} : memref<512x64xf32, #tpu.memory_space<vmem>>, vector<1x16xf32>,
      %get3A_489 = vector.shape_cast %get3A_488 : vector<1x16xf32> to vector<16xf32>
      %mul3A_490 = arith.constant -1.000000e+00 : f32
      %mul3A_491 = vector.broadcast %mul3A_490 : f32 to vector<16xf32>
      %mul3A_492 = arith.mulf %mul3A_491, %get3A_489 : vector<16xf32>
      %add3A_493 = arith.addf %add3A_457, %mul3A_492 : vector<16xf32>
      %get3A_494 = arith.index_cast %add3A_469 : i32 to index
      %get3A_495 = arith.constant 48 : index
      %get3A_496 = tpu.vector_load %arg8[%get3A_494, %get3A_495] {strides = array<i32>} : memref<512x64xf32, #tpu.memory_space<vmem>>, vector<1x16xf32>,
      %get3A_497 = vector.shape_cast %get3A_496 : vector<1x16xf32> to vector<16xf32>
      %mul3A_498 = arith.constant -1.000000e+00 : f32
      %mul3A_499 = vector.broadcast %mul3A_498 : f32 to vector<16xf32>
      %mul3A_500 = arith.mulf %mul3A_499, %get3A_497 : vector<16xf32>
      %add3A_501 = arith.addf %add3A_465, %mul3A_500 : vector<16xf32>
      %mul3A_502 = arith.constant 8 : i32
      %mul3A_503 = arith.muli %scan3A_317, %mul3A_502 : i32
      %add3A_504 = arith.constant 5 : i32
      %add3A_505 = arith.addi %mul3A_503, %add3A_504 : i32
      %get3A_506 = arith.index_cast %add3A_505 : i32 to index
      %get3A_507 = arith.constant 0 : index
      %get3A_508 = tpu.vector_load %arg8[%get3A_506, %get3A_507] {strides = array<i32>} : memref<512x64xf32, #tpu.memory_space<vmem>>, vector<1x16xf32>,
      %get3A_509 = vector.shape_cast %get3A_508 : vector<1x16xf32> to vector<16xf32>
      %mul3A_510 = arith.constant -1.000000e+00 : f32
      %mul3A_511 = vector.broadcast %mul3A_510 : f32 to vector<16xf32>
      %mul3A_512 = arith.mulf %mul3A_511, %get3A_509 : vector<16xf32>
      %add3A_513 = arith.addf %add3A_477, %mul3A_512 : vector<16xf32>
      %get3A_514 = arith.index_cast %add3A_505 : i32 to index
      %get3A_515 = arith.constant 16 : index
      %get3A_516 = tpu.vector_load %arg8[%get3A_514, %get3A_515] {strides = array<i32>} : memref<512x64xf32, #tpu.memory_space<vmem>>, vector<1x16xf32>,
      %get3A_517 = vector.shape_cast %get3A_516 : vector<1x16xf32> to vector<16xf32>
      %mul3A_518 = arith.constant -1.000000e+00 : f32
      %mul3A_519 = vector.broadcast %mul3A_518 : f32 to vector<16xf32>
      %mul3A_520 = arith.mulf %mul3A_519, %get3A_517 : vector<16xf32>
      %add3A_521 = arith.addf %add3A_485, %mul3A_520 : vector<16xf32>
      %get3A_522 = arith.index_cast %add3A_505 : i32 to index
      %get3A_523 = arith.constant 32 : index
      %get3A_524 = tpu.vector_load %arg8[%get3A_522, %get3A_523] {strides = array<i32>} : memref<512x64xf32, #tpu.memory_space<vmem>>, vector<1x16xf32>,
      %get3A_525 = vector.shape_cast %get3A_524 : vector<1x16xf32> to vector<16xf32>
      %mul3A_526 = arith.constant -1.000000e+00 : f32
      %mul3A_527 = vector.broadcast %mul3A_526 : f32 to vector<16xf32>
      %mul3A_528 = arith.mulf %mul3A_527, %get3A_525 : vector<16xf32>
      %add3A_529 = arith.addf %add3A_493, %mul3A_528 : vector<16xf32>
      %get3A_530 = arith.index_cast %add3A_505 : i32 to index
      %get3A_531 = arith.constant 48 : index
      %get3A_532 = tpu.vector_load %arg8[%get3A_530, %get3A_531] {strides = array<i32>} : memref<512x64xf32, #tpu.memory_space<vmem>>, vector<1x16xf32>,
      %get3A_533 = vector.shape_cast %get3A_532 : vector<1x16xf32> to vector<16xf32>
      %mul3A_534 = arith.constant -1.000000e+00 : f32
      %mul3A_535 = vector.broadcast %mul3A_534 : f32 to vector<16xf32>
      %mul3A_536 = arith.mulf %mul3A_535, %get3A_533 : vector<16xf32>
      %add3A_537 = arith.addf %add3A_501, %mul3A_536 : vector<16xf32>
      %mul3A_538 = arith.constant 8 : i32
      %mul3A_539 = arith.muli %scan3A_317, %mul3A_538 : i32
      %add3A_540 = arith.constant 6 : i32
      %add3A_541 = arith.addi %mul3A_539, %add3A_540 : i32
      %get3A_542 = arith.index_cast %add3A_541 : i32 to index
      %get3A_543 = arith.constant 0 : index
      %get3A_544 = tpu.vector_load %arg8[%get3A_542, %get3A_543] {strides = array<i32>} : memref<512x64xf32, #tpu.memory_space<vmem>>, vector<1x16xf32>,
      %get3A_545 = vector.shape_cast %get3A_544 : vector<1x16xf32> to vector<16xf32>
      %mul3A_546 = arith.constant -1.000000e+00 : f32
      %mul3A_547 = vector.broadcast %mul3A_546 : f32 to vector<16xf32>
      %mul3A_548 = arith.mulf %mul3A_547, %get3A_545 : vector<16xf32>
      %add3A_549 = arith.addf %add3A_513, %mul3A_548 : vector<16xf32>
      %get3A_550 = arith.index_cast %add3A_541 : i32 to index
      %get3A_551 = arith.constant 16 : index
      %get3A_552 = tpu.vector_load %arg8[%get3A_550, %get3A_551] {strides = array<i32>} : memref<512x64xf32, #tpu.memory_space<vmem>>, vector<1x16xf32>,
      %get3A_553 = vector.shape_cast %get3A_552 : vector<1x16xf32> to vector<16xf32>
      %mul3A_554 = arith.constant -1.000000e+00 : f32
      %mul3A_555 = vector.broadcast %mul3A_554 : f32 to vector<16xf32>
      %mul3A_556 = arith.mulf %mul3A_555, %get3A_553 : vector<16xf32>
      %add3A_557 = arith.addf %add3A_521, %mul3A_556 : vector<16xf32>
      %get3A_558 = arith.index_cast %add3A_541 : i32 to index
      %get3A_559 = arith.constant 32 : index
      %get3A_560 = tpu.vector_load %arg8[%get3A_558, %get3A_559] {strides = array<i32>} : memref<512x64xf32, #tpu.memory_space<vmem>>, vector<1x16xf32>,
      %get3A_561 = vector.shape_cast %get3A_560 : vector<1x16xf32> to vector<16xf32>
      %mul3A_562 = arith.constant -1.000000e+00 : f32
      %mul3A_563 = vector.broadcast %mul3A_562 : f32 to vector<16xf32>
      %mul3A_564 = arith.mulf %mul3A_563, %get3A_561 : vector<16xf32>
      %add3A_565 = arith.addf %add3A_529, %mul3A_564 : vector<16xf32>
      %get3A_566 = arith.index_cast %add3A_541 : i32 to index
      %get3A_567 = arith.constant 48 : index
      %get3A_568 = tpu.vector_load %arg8[%get3A_566, %get3A_567] {strides = array<i32>} : memref<512x64xf32, #tpu.memory_space<vmem>>, vector<1x16xf32>,
      %get3A_569 = vector.shape_cast %get3A_568 : vector<1x16xf32> to vector<16xf32>
      %mul3A_570 = arith.constant -1.000000e+00 : f32
      %mul3A_571 = vector.broadcast %mul3A_570 : f32 to vector<16xf32>
      %mul3A_572 = arith.mulf %mul3A_571, %get3A_569 : vector<16xf32>
      %add3A_573 = arith.addf %add3A_537, %mul3A_572 : vector<16xf32>
      %mul3A_574 = arith.constant 8 : i32
      %mul3A_575 = arith.muli %scan3A_317, %mul3A_574 : i32
      %add3A_576 = arith.constant 7 : i32
      %add3A_577 = arith.addi %mul3A_575, %add3A_576 : i32
      %get3A_578 = arith.index_cast %add3A_577 : i32 to index
      %get3A_579 = arith.constant 0 : index
      %get3A_580 = tpu.vector_load %arg8[%get3A_578, %get3A_579] {strides = array<i32>} : memref<512x64xf32, #tpu.memory_space<vmem>>, vector<1x16xf32>,
      %get3A_581 = vector.shape_cast %get3A_580 : vector<1x16xf32> to vector<16xf32>
      %mul3A_582 = arith.constant -1.000000e+00 : f32
      %mul3A_583 = vector.broadcast %mul3A_582 : f32 to vector<16xf32>
      %mul3A_584 = arith.mulf %mul3A_583, %get3A_581 : vector<16xf32>
      %add3A_585 = arith.addf %add3A_549, %mul3A_584 : vector<16xf32>
      %get3A_586 = arith.index_cast %add3A_577 : i32 to index
      %get3A_587 = arith.constant 16 : index
      %get3A_588 = tpu.vector_load %arg8[%get3A_586, %get3A_587] {strides = array<i32>} : memref<512x64xf32, #tpu.memory_space<vmem>>, vector<1x16xf32>,
      %get3A_589 = vector.shape_cast %get3A_588 : vector<1x16xf32> to vector<16xf32>
      %mul3A_590 = arith.constant -1.000000e+00 : f32
      %mul3A_591 = vector.broadcast %mul3A_590 : f32 to vector<16xf32>
      %mul3A_592 = arith.mulf %mul3A_591, %get3A_589 : vector<16xf32>
      %add3A_593 = arith.addf %add3A_557, %mul3A_592 : vector<16xf32>
      %get3A_594 = arith.index_cast %add3A_577 : i32 to index
      %get3A_595 = arith.constant 32 : index
      %get3A_596 = tpu.vector_load %arg8[%get3A_594, %get3A_595] {strides = array<i32>} : memref<512x64xf32, #tpu.memory_space<vmem>>, vector<1x16xf32>,
      %get3A_597 = vector.shape_cast %get3A_596 : vector<1x16xf32> to vector<16xf32>
      %mul3A_598 = arith.constant -1.000000e+00 : f32
      %mul3A_599 = vector.broadcast %mul3A_598 : f32 to vector<16xf32>
      %mul3A_600 = arith.mulf %mul3A_599, %get3A_597 : vector<16xf32>
      %add3A_601 = arith.addf %add3A_565, %mul3A_600 : vector<16xf32>
      %get3A_602 = arith.index_cast %add3A_577 : i32 to index
      %get3A_603 = arith.constant 48 : index
      %get3A_604 = tpu.vector_load %arg8[%get3A_602, %get3A_603] {strides = array<i32>} : memref<512x64xf32, #tpu.memory_space<vmem>>, vector<1x16xf32>,
      %get3A_605 = vector.shape_cast %get3A_604 : vector<1x16xf32> to vector<16xf32>
      %mul3A_606 = arith.constant -1.000000e+00 : f32
      %mul3A_607 = vector.broadcast %mul3A_606 : f32 to vector<16xf32>
      %mul3A_608 = arith.mulf %mul3A_607, %get3A_605 : vector<16xf32>
      %add3A_609 = arith.addf %add3A_573, %mul3A_608 : vector<16xf32>
      scf.yield %add3A_585, %add3A_593, %add3A_601, %add3A_609 : vector<16xf32>, vector<16xf32>, vector<16xf32>, vector<16xf32>
    }
    %scan3A_90 = arith.constant 64 : i32
    %eq3A = arith.constant 31 : i32
    %eq3A_91 = arith.cmpi eq, %add3A, %eq3A : i32
    %convert_element_type3A = arith.extui %eq3A_91 : i1 to i32
    %convert_element_type3A_92 = arith.sitofp %convert_element_type3A : i32 to f32
    %get3A = arith.constant 511 : i32
    %get3A_93 = arith.index_cast %get3A : i32 to index
    %get3A_94 = arith.constant 0 : index
    %get3A_95 = tpu.vector_load %arg8[%get3A_93, %get3A_94] {strides = array<i32>} : memref<512x64xf32, #tpu.memory_space<vmem>>, vector<1x16xf32>,
    %get3A_96 = vector.shape_cast %get3A_95 : vector<1x16xf32> to vector<16xf32>
    %mul3A_97 = vector.broadcast %convert_element_type3A_92 : f32 to vector<16xf32>
    %mul3A_98 = arith.mulf %mul3A_97, %get3A_96 : vector<16xf32>
    %add3A_99 = arith.addf %scan3A_89#0, %mul3A_98 : vector<16xf32>
    %get3A_100 = arith.constant 511 : i32
    %get3A_101 = arith.index_cast %get3A_100 : i32 to index
    %get3A_102 = arith.constant 16 : index
    %get3A_103 = tpu.vector_load %arg8[%get3A_101, %get3A_102] {strides = array<i32>} : memref<512x64xf32, #tpu.memory_space<vmem>>, vector<1x16xf32>,
    %get3A_104 = vector.shape_cast %get3A_103 : vector<1x16xf32> to vector<16xf32>
    %mul3A_105 = vector.broadcast %convert_element_type3A_92 : f32 to vector<16xf32>
    %mul3A_106 = arith.mulf %mul3A_105, %get3A_104 : vector<16xf32>
    %add3A_107 = arith.addf %scan3A_89#1, %mul3A_106 : vector<16xf32>
    %get3A_108 = arith.constant 511 : i32
    %get3A_109 = arith.index_cast %get3A_108 : i32 to index
    %get3A_110 = arith.constant 32 : index
    %get3A_111 = tpu.vector_load %arg8[%get3A_109, %get3A_110] {strides = array<i32>} : memref<512x64xf32, #tpu.memory_space<vmem>>, vector<1x16xf32>,
    %get3A_112 = vector.shape_cast %get3A_111 : vector<1x16xf32> to vector<16xf32>
    %mul3A_113 = vector.broadcast %convert_element_type3A_92 : f32 to vector<16xf32>
    %mul3A_114 = arith.mulf %mul3A_113, %get3A_112 : vector<16xf32>
    %add3A_115 = arith.addf %scan3A_89#2, %mul3A_114 : vector<16xf32>
    %get3A_116 = arith.constant 511 : i32
    %get3A_117 = arith.index_cast %get3A_116 : i32 to index
    %get3A_118 = arith.constant 48 : index
    %get3A_119 = tpu.vector_load %arg8[%get3A_117, %get3A_118] {strides = array<i32>} : memref<512x64xf32, #tpu.memory_space<vmem>>, vector<1x16xf32>,
    %get3A_120 = vector.shape_cast %get3A_119 : vector<1x16xf32> to vector<16xf32>
    %mul3A_121 = vector.broadcast %convert_element_type3A_92 : f32 to vector<16xf32>
    %mul3A_122 = arith.mulf %mul3A_121, %get3A_120 : vector<16xf32>
    %add3A_123 = arith.addf %scan3A_89#3, %mul3A_122 : vector<16xf32>
    %dma_start3A_124 = arith.constant 0 : i32
    %dma_start3A_125 = arith.constant 0 : i32
    %dma_start3A_126 = arith.constant 0 : i32
    %dma_start3A_127 = tpu.memref_slice %arg8[%dma_start3A_125, %dma_start3A_126] : memref<512x64xf32, #tpu.memory_space<vmem>> -> memref<128x64xf32, #tpu.memory_space<vmem>>
    %dma_start3A_128 = arith.constant 0 : i32
    %dma_start3A_129 = tpu.memref_slice %arg6[%dma_start3A_124, %dma_start3A_128] : memref<200x128xi32, #tpu.memory_space<vmem>> -> memref<1x128xi32, #tpu.memory_space<vmem>>
    %dma_start3A_130 = tpu.memref_squeeze %dma_start3A_129 : memref<1x128xi32, #tpu.memory_space<vmem>> -> memref<128xi32, #tpu.memory_space<vmem>>
    %dma_start3A_131 = arith.constant 0 : i32
    %dma_start3A_132 = arith.constant 0 : i32
    %dma_start3A_133 = tpu.memref_slice %arg3[%dma_start3A_131, %dma_start3A_132] : memref<1000000x64xf32, #tpu.memory_space<hbm>> -> memref<1000000x64xf32, #tpu.memory_space<hbm>>
    tpu.enqueue_indirect_dma source(%dma_start3A_133 : memref<1000000x64xf32, #tpu.memory_space<hbm>>) target(%dma_start3A_127 : memref<128x64xf32, #tpu.memory_space<vmem>>) offsets(%dma_start3A_130 : memref<128xi32, #tpu.memory_space<vmem>>) semaphore(%arg11 : memref<!tpu.dma_semaphore, #tpu.memory_space<semaphore_mem>>)
    %dma_start3A_134 = arith.constant 1 : i32
    %dma_start3A_135 = arith.constant 128 : i32
    %dma_start3A_136 = arith.constant 0 : i32
    %dma_start3A_137 = tpu.memref_slice %arg8[%dma_start3A_135, %dma_start3A_136] : memref<512x64xf32, #tpu.memory_space<vmem>> -> memref<128x64xf32, #tpu.memory_space<vmem>>
    %dma_start3A_138 = arith.constant 0 : i32
    %dma_start3A_139 = tpu.memref_slice %arg6[%dma_start3A_134, %dma_start3A_138] : memref<200x128xi32, #tpu.memory_space<vmem>> -> memref<1x128xi32, #tpu.memory_space<vmem>>
    %dma_start3A_140 = tpu.memref_squeeze %dma_start3A_139 : memref<1x128xi32, #tpu.memory_space<vmem>> -> memref<128xi32, #tpu.memory_space<vmem>>
    %dma_start3A_141 = arith.constant 0 : i32
    %dma_start3A_142 = arith.constant 0 : i32
    %dma_start3A_143 = tpu.memref_slice %arg3[%dma_start3A_141, %dma_start3A_142] : memref<1000000x64xf32, #tpu.memory_space<hbm>> -> memref<1000000x64xf32, #tpu.memory_space<hbm>>
    tpu.enqueue_indirect_dma source(%dma_start3A_143 : memref<1000000x64xf32, #tpu.memory_space<hbm>>) target(%dma_start3A_137 : memref<128x64xf32, #tpu.memory_space<vmem>>) offsets(%dma_start3A_140 : memref<128xi32, #tpu.memory_space<vmem>>) semaphore(%arg11 : memref<!tpu.dma_semaphore, #tpu.memory_space<semaphore_mem>>)
    %dma_start3A_144 = arith.constant 2 : i32
    %dma_start3A_145 = arith.constant 256 : i32
    %dma_start3A_146 = arith.constant 0 : i32
    %dma_start3A_147 = tpu.memref_slice %arg8[%dma_start3A_145, %dma_start3A_146] : memref<512x64xf32, #tpu.memory_space<vmem>> -> memref<128x64xf32, #tpu.memory_space<vmem>>
    %dma_start3A_148 = arith.constant 0 : i32
    %dma_start3A_149 = tpu.memref_slice %arg6[%dma_start3A_144, %dma_start3A_148] : memref<200x128xi32, #tpu.memory_space<vmem>> -> memref<1x128xi32, #tpu.memory_space<vmem>>
    %dma_start3A_150 = tpu.memref_squeeze %dma_start3A_149 : memref<1x128xi32, #tpu.memory_space<vmem>> -> memref<128xi32, #tpu.memory_space<vmem>>
    %dma_start3A_151 = arith.constant 0 : i32
    %dma_start3A_152 = arith.constant 0 : i32
    %dma_start3A_153 = tpu.memref_slice %arg3[%dma_start3A_151, %dma_start3A_152] : memref<1000000x64xf32, #tpu.memory_space<hbm>> -> memref<1000000x64xf32, #tpu.memory_space<hbm>>
    tpu.enqueue_indirect_dma source(%dma_start3A_153 : memref<1000000x64xf32, #tpu.memory_space<hbm>>) target(%dma_start3A_147 : memref<128x64xf32, #tpu.memory_space<vmem>>) offsets(%dma_start3A_150 : memref<128xi32, #tpu.memory_space<vmem>>) semaphore(%arg11 : memref<!tpu.dma_semaphore, #tpu.memory_space<semaphore_mem>>)
    %dma_start3A_154 = arith.constant 3 : i32
    %dma_start3A_155 = arith.constant 384 : i32
    %dma_start3A_156 = arith.constant 0 : i32
    %dma_start3A_157 = tpu.memref_slice %arg8[%dma_start3A_155, %dma_start3A_156] : memref<512x64xf32, #tpu.memory_space<vmem>> -> memref<128x64xf32, #tpu.memory_space<vmem>>
    %dma_start3A_158 = arith.constant 0 : i32
    %dma_start3A_159 = tpu.memref_slice %arg6[%dma_start3A_154, %dma_start3A_158] : memref<200x128xi32, #tpu.memory_space<vmem>> -> memref<1x128xi32, #tpu.memory_space<vmem>>
    %dma_start3A_160 = tpu.memref_squeeze %dma_start3A_159 : memref<1x128xi32, #tpu.memory_space<vmem>> -> memref<128xi32, #tpu.memory_space<vmem>>
    %dma_start3A_161 = arith.constant 0 : i32
    %dma_start3A_162 = arith.constant 0 : i32
    %dma_start3A_163 = tpu.memref_slice %arg3[%dma_start3A_161, %dma_start3A_162] : memref<1000000x64xf32, #tpu.memory_space<hbm>> -> memref<1000000x64xf32, #tpu.memory_space<hbm>>
    tpu.enqueue_indirect_dma source(%dma_start3A_163 : memref<1000000x64xf32, #tpu.memory_space<hbm>>) target(%dma_start3A_157 : memref<128x64xf32, #tpu.memory_space<vmem>>) offsets(%dma_start3A_160 : memref<128xi32, #tpu.memory_space<vmem>>) semaphore(%arg11 : memref<!tpu.dma_semaphore, #tpu.memory_space<semaphore_mem>>)
    %dma_start3A_164 = arith.constant 4 : i32
    %dma_start3A_165 = arith.constant 0 : i32
    %dma_start3A_166 = arith.constant 0 : i32
    %dma_start3A_167 = tpu.memref_slice %arg9[%dma_start3A_165, %dma_start3A_166] : memref<512x64xf32, #tpu.memory_space<vmem>> -> memref<128x64xf32, #tpu.memory_space<vmem>>
    %dma_start3A_168 = arith.constant 0 : i32
    %dma_start3A_169 = tpu.memref_slice %arg6[%dma_start3A_164, %dma_start3A_168] : memref<200x128xi32, #tpu.memory_space<vmem>> -> memref<1x128xi32, #tpu.memory_space<vmem>>
    %dma_start3A_170 = tpu.memref_squeeze %dma_start3A_169 : memref<1x128xi32, #tpu.memory_space<vmem>> -> memref<128xi32, #tpu.memory_space<vmem>>
    %dma_start3A_171 = arith.constant 0 : i32
    %dma_start3A_172 = arith.constant 0 : i32
    %dma_start3A_173 = tpu.memref_slice %arg3[%dma_start3A_171, %dma_start3A_172] : memref<1000000x64xf32, #tpu.memory_space<hbm>> -> memref<1000000x64xf32, #tpu.memory_space<hbm>>
    tpu.enqueue_indirect_dma source(%dma_start3A_173 : memref<1000000x64xf32, #tpu.memory_space<hbm>>) target(%dma_start3A_167 : memref<128x64xf32, #tpu.memory_space<vmem>>) offsets(%dma_start3A_170 : memref<128xi32, #tpu.memory_space<vmem>>) semaphore(%arg12 : memref<!tpu.dma_semaphore, #tpu.memory_space<semaphore_mem>>)
    %dma_start3A_174 = arith.constant 5 : i32
    %dma_start3A_175 = arith.constant 128 : i32
    %dma_start3A_176 = arith.constant 0 : i32
    %dma_start3A_177 = tpu.memref_slice %arg9[%dma_start3A_175, %dma_start3A_176] : memref<512x64xf32, #tpu.memory_space<vmem>> -> memref<128x64xf32, #tpu.memory_space<vmem>>
    %dma_start3A_178 = arith.constant 0 : i32
    %dma_start3A_179 = tpu.memref_slice %arg6[%dma_start3A_174, %dma_start3A_178] : memref<200x128xi32, #tpu.memory_space<vmem>> -> memref<1x128xi32, #tpu.memory_space<vmem>>
    %dma_start3A_180 = tpu.memref_squeeze %dma_start3A_179 : memref<1x128xi32, #tpu.memory_space<vmem>> -> memref<128xi32, #tpu.memory_space<vmem>>
    %dma_start3A_181 = arith.constant 0 : i32
    %dma_start3A_182 = arith.constant 0 : i32
    %dma_start3A_183 = tpu.memref_slice %arg3[%dma_start3A_181, %dma_start3A_182] : memref<1000000x64xf32, #tpu.memory_space<hbm>> -> memref<1000000x64xf32, #tpu.memory_space<hbm>>
    tpu.enqueue_indirect_dma source(%dma_start3A_183 : memref<1000000x64xf32, #tpu.memory_space<hbm>>) target(%dma_start3A_177 : memref<128x64xf32, #tpu.memory_space<vmem>>) offsets(%dma_start3A_180 : memref<128xi32, #tpu.memory_space<vmem>>) semaphore(%arg12 : memref<!tpu.dma_semaphore, #tpu.memory_space<semaphore_mem>>)
    %dma_start3A_184 = arith.constant 6 : i32
    %dma_start3A_185 = arith.constant 256 : i32
    %dma_start3A_186 = arith.constant 0 : i32
    %dma_start3A_187 = tpu.memref_slice %arg9[%dma_start3A_185, %dma_start3A_186] : memref<512x64xf32, #tpu.memory_space<vmem>> -> memref<128x64xf32, #tpu.memory_space<vmem>>
    %dma_start3A_188 = arith.constant 0 : i32
    %dma_start3A_189 = tpu.memref_slice %arg6[%dma_start3A_184, %dma_start3A_188] : memref<200x128xi32, #tpu.memory_space<vmem>> -> memref<1x128xi32, #tpu.memory_space<vmem>>
    %dma_start3A_190 = tpu.memref_squeeze %dma_start3A_189 : memref<1x128xi32, #tpu.memory_space<vmem>> -> memref<128xi32, #tpu.memory_space<vmem>>
    %dma_start3A_191 = arith.constant 0 : i32
    %dma_start3A_192 = arith.constant 0 : i32
    %dma_start3A_193 = tpu.memref_slice %arg3[%dma_start3A_191, %dma_start3A_192] : memref<1000000x64xf32, #tpu.memory_space<hbm>> -> memref<1000000x64xf32, #tpu.memory_space<hbm>>
    tpu.enqueue_indirect_dma source(%dma_start3A_193 : memref<1000000x64xf32, #tpu.memory_space<hbm>>) target(%dma_start3A_187 : memref<128x64xf32, #tpu.memory_space<vmem>>) offsets(%dma_start3A_190 : memref<128xi32, #tpu.memory_space<vmem>>) semaphore(%arg12 : memref<!tpu.dma_semaphore, #tpu.memory_space<semaphore_mem>>)
    %dma_start3A_194 = arith.constant 7 : i32
    %dma_start3A_195 = arith.constant 384 : i32
    %dma_start3A_196 = arith.constant 0 : i32
    %dma_start3A_197 = tpu.memref_slice %arg9[%dma_start3A_195, %dma_start3A_196] : memref<512x64xf32, #tpu.memory_space<vmem>> -> memref<128x64xf32, #tpu.memory_space<vmem>>
    %dma_start3A_198 = arith.constant 0 : i32
    %dma_start3A_199 = tpu.memref_slice %arg6[%dma_start3A_194, %dma_start3A_198] : memref<200x128xi32, #tpu.memory_space<vmem>> -> memref<1x128xi32, #tpu.memory_space<vmem>>
    %dma_start3A_200 = tpu.memref_squeeze %dma_start3A_199 : memref<1x128xi32, #tpu.memory_space<vmem>> -> memref<128xi32, #tpu.memory_space<vmem>>
    %dma_start3A_201 = arith.constant 0 : i32
    %dma_start3A_202 = arith.constant 0 : i32
    %dma_start3A_203 = tpu.memref_slice %arg3[%dma_start3A_201, %dma_start3A_202] : memref<1000000x64xf32, #tpu.memory_space<hbm>> -> memref<1000000x64xf32, #tpu.memory_space<hbm>>
    tpu.enqueue_indirect_dma source(%dma_start3A_203 : memref<1000000x64xf32, #tpu.memory_space<hbm>>) target(%dma_start3A_197 : memref<128x64xf32, #tpu.memory_space<vmem>>) offsets(%dma_start3A_200 : memref<128xi32, #tpu.memory_space<vmem>>) semaphore(%arg12 : memref<!tpu.dma_semaphore, #tpu.memory_space<semaphore_mem>>)
    %scan3A_204 = arith.constant 0 : i32
    %scan3A_205 = arith.constant 24 : i32
    %scan3A_206 = arith.addi %scan3A_204, %scan3A_205 : i32
    %scan3A_207 = arith.constant 1 : i32
    %scan3A_208:4 = scf.for %scan3A_317 = %scan3A_204 to %scan3A_206 step %scan3A_207 iter_args(%scan3A_318 = %add3A_99, %scan3A_319 = %add3A_107, %scan3A_320 = %add3A_115, %scan3A_321 = %add3A_123) -> (vector<16xf32>, vector<16xf32>, vector<16xf32>, vector<16xf32>)  : i32 {
      %dma_wait3A_322 = arith.constant 0 : i32
      %dma_wait3A_323 = arith.constant 0 : i32
      %dma_wait3A_324 = arith.constant 0 : i32
      %dma_wait3A_325 = tpu.memref_slice %arg8[%dma_wait3A_323, %dma_wait3A_324] : memref<512x64xf32, #tpu.memory_space<vmem>> -> memref<128x64xf32, #tpu.memory_space<vmem>>
      %dma_wait3A_326 = arith.constant 0 : i32
      %dma_wait3A_327 = tpu.memref_slice %arg6[%dma_wait3A_322, %dma_wait3A_326] : memref<200x128xi32, #tpu.memory_space<vmem>> -> memref<1x128xi32, #tpu.memory_space<vmem>>
      %dma_wait3A_328 = tpu.memref_squeeze %dma_wait3A_327 : memref<1x128xi32, #tpu.memory_space<vmem>> -> memref<128xi32, #tpu.memory_space<vmem>>
      %dma_wait3A_329 = arith.constant 0 : i32
      %dma_wait3A_330 = arith.constant 0 : i32
      %dma_wait3A_331 = tpu.memref_slice %arg3[%dma_wait3A_329, %dma_wait3A_330] : memref<1000000x64xf32, #tpu.memory_space<hbm>> -> memref<1000000x64xf32, #tpu.memory_space<hbm>>
      tpu.wait_indirect_dma semaphore(%arg11 : memref<!tpu.dma_semaphore, #tpu.memory_space<semaphore_mem>>) src(%dma_wait3A_331 : memref<1000000x64xf32, #tpu.memory_space<hbm>>) dst(%dma_wait3A_325 : memref<128x64xf32, #tpu.memory_space<vmem>>)
      %dma_wait3A_332 = arith.constant 1 : i32
      %dma_wait3A_333 = arith.constant 128 : i32
      %dma_wait3A_334 = arith.constant 0 : i32
      %dma_wait3A_335 = tpu.memref_slice %arg8[%dma_wait3A_333, %dma_wait3A_334] : memref<512x64xf32, #tpu.memory_space<vmem>> -> memref<128x64xf32, #tpu.memory_space<vmem>>
      %dma_wait3A_336 = arith.constant 0 : i32
      %dma_wait3A_337 = tpu.memref_slice %arg6[%dma_wait3A_332, %dma_wait3A_336] : memref<200x128xi32, #tpu.memory_space<vmem>> -> memref<1x128xi32, #tpu.memory_space<vmem>>
      %dma_wait3A_338 = tpu.memref_squeeze %dma_wait3A_337 : memref<1x128xi32, #tpu.memory_space<vmem>> -> memref<128xi32, #tpu.memory_space<vmem>>
      %dma_wait3A_339 = arith.constant 0 : i32
      %dma_wait3A_340 = arith.constant 0 : i32
      %dma_wait3A_341 = tpu.memref_slice %arg3[%dma_wait3A_339, %dma_wait3A_340] : memref<1000000x64xf32, #tpu.memory_space<hbm>> -> memref<1000000x64xf32, #tpu.memory_space<hbm>>
      tpu.wait_indirect_dma semaphore(%arg11 : memref<!tpu.dma_semaphore, #tpu.memory_space<semaphore_mem>>) src(%dma_wait3A_341 : memref<1000000x64xf32, #tpu.memory_space<hbm>>) dst(%dma_wait3A_335 : memref<128x64xf32, #tpu.memory_space<vmem>>)
      %dma_wait3A_342 = arith.constant 2 : i32
      %dma_wait3A_343 = arith.constant 256 : i32
      %dma_wait3A_344 = arith.constant 0 : i32
      %dma_wait3A_345 = tpu.memref_slice %arg8[%dma_wait3A_343, %dma_wait3A_344] : memref<512x64xf32, #tpu.memory_space<vmem>> -> memref<128x64xf32, #tpu.memory_space<vmem>>
      %dma_wait3A_346 = arith.constant 0 : i32
      %dma_wait3A_347 = tpu.memref_slice %arg6[%dma_wait3A_342, %dma_wait3A_346] : memref<200x128xi32, #tpu.memory_space<vmem>> -> memref<1x128xi32, #tpu.memory_space<vmem>>
      %dma_wait3A_348 = tpu.memref_squeeze %dma_wait3A_347 : memref<1x128xi32, #tpu.memory_space<vmem>> -> memref<128xi32, #tpu.memory_space<vmem>>
      %dma_wait3A_349 = arith.constant 0 : i32
      %dma_wait3A_350 = arith.constant 0 : i32
      %dma_wait3A_351 = tpu.memref_slice %arg3[%dma_wait3A_349, %dma_wait3A_350] : memref<1000000x64xf32, #tpu.memory_space<hbm>> -> memref<1000000x64xf32, #tpu.memory_space<hbm>>
      tpu.wait_indirect_dma semaphore(%arg11 : memref<!tpu.dma_semaphore, #tpu.memory_space<semaphore_mem>>) src(%dma_wait3A_351 : memref<1000000x64xf32, #tpu.memory_space<hbm>>) dst(%dma_wait3A_345 : memref<128x64xf32, #tpu.memory_space<vmem>>)
      %dma_wait3A_352 = arith.constant 3 : i32
      %dma_wait3A_353 = arith.constant 384 : i32
      %dma_wait3A_354 = arith.constant 0 : i32
      %dma_wait3A_355 = tpu.memref_slice %arg8[%dma_wait3A_353, %dma_wait3A_354] : memref<512x64xf32, #tpu.memory_space<vmem>> -> memref<128x64xf32, #tpu.memory_space<vmem>>
      %dma_wait3A_356 = arith.constant 0 : i32
      %dma_wait3A_357 = tpu.memref_slice %arg6[%dma_wait3A_352, %dma_wait3A_356] : memref<200x128xi32, #tpu.memory_space<vmem>> -> memref<1x128xi32, #tpu.memory_space<vmem>>
      %dma_wait3A_358 = tpu.memref_squeeze %dma_wait3A_357 : memref<1x128xi32, #tpu.memory_space<vmem>> -> memref<128xi32, #tpu.memory_space<vmem>>
      %dma_wait3A_359 = arith.constant 0 : i32
      %dma_wait3A_360 = arith.constant 0 : i32
      %dma_wait3A_361 = tpu.memref_slice %arg3[%dma_wait3A_359, %dma_wait3A_360] : memref<1000000x64xf32, #tpu.memory_space<hbm>> -> memref<1000000x64xf32, #tpu.memory_space<hbm>>
      tpu.wait_indirect_dma semaphore(%arg11 : memref<!tpu.dma_semaphore, #tpu.memory_space<semaphore_mem>>) src(%dma_wait3A_361 : memref<1000000x64xf32, #tpu.memory_space<hbm>>) dst(%dma_wait3A_355 : memref<128x64xf32, #tpu.memory_space<vmem>>)
      %scan3A_362 = arith.constant 0 : i32
      %scan3A_363 = arith.constant 64 : i32
      %scan3A_364 = arith.addi %scan3A_362, %scan3A_363 : i32
      %scan3A_365 = arith.constant 1 : i32
      %scan3A_366:4 = scf.for %scan3A_526 = %scan3A_362 to %scan3A_364 step %scan3A_365 iter_args(%scan3A_527 = %scan3A_318, %scan3A_528 = %scan3A_319, %scan3A_529 = %scan3A_320, %scan3A_530 = %scan3A_321) -> (vector<16xf32>, vector<16xf32>, vector<16xf32>, vector<16xf32>)  : i32 {
        %mul3A_531 = arith.constant 8 : i32
        %mul3A_532 = arith.muli %scan3A_526, %mul3A_531 : i32
        %add3A_533 = arith.constant 0 : i32
        %add3A_534 = arith.addi %mul3A_532, %add3A_533 : i32
        %get3A_535 = arith.index_cast %add3A_534 : i32 to index
        %get3A_536 = arith.constant 0 : index
        %get3A_537 = tpu.vector_load %arg8[%get3A_535, %get3A_536] {strides = array<i32>} : memref<512x64xf32, #tpu.memory_space<vmem>>, vector<1x16xf32>,
        %get3A_538 = vector.shape_cast %get3A_537 : vector<1x16xf32> to vector<16xf32>
        %mul3A_539 = arith.constant 1.000000e+00 : f32
        %mul3A_540 = vector.broadcast %mul3A_539 : f32 to vector<16xf32>
        %mul3A_541 = arith.mulf %mul3A_540, %get3A_538 : vector<16xf32>
        %add3A_542 = arith.addf %scan3A_527, %mul3A_541 : vector<16xf32>
        %get3A_543 = arith.index_cast %add3A_534 : i32 to index
        %get3A_544 = arith.constant 16 : index
        %get3A_545 = tpu.vector_load %arg8[%get3A_543, %get3A_544] {strides = array<i32>} : memref<512x64xf32, #tpu.memory_space<vmem>>, vector<1x16xf32>,
        %get3A_546 = vector.shape_cast %get3A_545 : vector<1x16xf32> to vector<16xf32>
        %mul3A_547 = arith.constant 1.000000e+00 : f32
        %mul3A_548 = vector.broadcast %mul3A_547 : f32 to vector<16xf32>
        %mul3A_549 = arith.mulf %mul3A_548, %get3A_546 : vector<16xf32>
        %add3A_550 = arith.addf %scan3A_528, %mul3A_549 : vector<16xf32>
        %get3A_551 = arith.index_cast %add3A_534 : i32 to index
        %get3A_552 = arith.constant 32 : index
        %get3A_553 = tpu.vector_load %arg8[%get3A_551, %get3A_552] {strides = array<i32>} : memref<512x64xf32, #tpu.memory_space<vmem>>, vector<1x16xf32>,
        %get3A_554 = vector.shape_cast %get3A_553 : vector<1x16xf32> to vector<16xf32>
        %mul3A_555 = arith.constant 1.000000e+00 : f32
        %mul3A_556 = vector.broadcast %mul3A_555 : f32 to vector<16xf32>
        %mul3A_557 = arith.mulf %mul3A_556, %get3A_554 : vector<16xf32>
        %add3A_558 = arith.addf %scan3A_529, %mul3A_557 : vector<16xf32>
        %get3A_559 = arith.index_cast %add3A_534 : i32 to index
        %get3A_560 = arith.constant 48 : index
        %get3A_561 = tpu.vector_load %arg8[%get3A_559, %get3A_560] {strides = array<i32>} : memref<512x64xf32, #tpu.memory_space<vmem>>, vector<1x16xf32>,
        %get3A_562 = vector.shape_cast %get3A_561 : vector<1x16xf32> to vector<16xf32>
        %mul3A_563 = arith.constant 1.000000e+00 : f32
        %mul3A_564 = vector.broadcast %mul3A_563 : f32 to vector<16xf32>
        %mul3A_565 = arith.mulf %mul3A_564, %get3A_562 : vector<16xf32>
        %add3A_566 = arith.addf %scan3A_530, %mul3A_565 : vector<16xf32>
        %mul3A_567 = arith.constant 8 : i32
        %mul3A_568 = arith.muli %scan3A_526, %mul3A_567 : i32
        %add3A_569 = arith.constant 1 : i32
        %add3A_570 = arith.addi %mul3A_568, %add3A_569 : i32
        %get3A_571 = arith.index_cast %add3A_570 : i32 to index
        %get3A_572 = arith.constant 0 : index
        %get3A_573 = tpu.vector_load %arg8[%get3A_571, %get3A_572] {strides = array<i32>} : memref<512x64xf32, #tpu.memory_space<vmem>>, vector<1x16xf32>,
        %get3A_574 = vector.shape_cast %get3A_573 : vector<1x16xf32> to vector<16xf32>
        %mul3A_575 = arith.constant 1.000000e+00 : f32
        %mul3A_576 = vector.broadcast %mul3A_575 : f32 to vector<16xf32>
        %mul3A_577 = arith.mulf %mul3A_576, %get3A_574 : vector<16xf32>
        %add3A_578 = arith.addf %add3A_542, %mul3A_577 : vector<16xf32>
        %get3A_579 = arith.index_cast %add3A_570 : i32 to index
        %get3A_580 = arith.constant 16 : index
        %get3A_581 = tpu.vector_load %arg8[%get3A_579, %get3A_580] {strides = array<i32>} : memref<512x64xf32, #tpu.memory_space<vmem>>, vector<1x16xf32>,
        %get3A_582 = vector.shape_cast %get3A_581 : vector<1x16xf32> to vector<16xf32>
        %mul3A_583 = arith.constant 1.000000e+00 : f32
        %mul3A_584 = vector.broadcast %mul3A_583 : f32 to vector<16xf32>
        %mul3A_585 = arith.mulf %mul3A_584, %get3A_582 : vector<16xf32>
        %add3A_586 = arith.addf %add3A_550, %mul3A_585 : vector<16xf32>
        %get3A_587 = arith.index_cast %add3A_570 : i32 to index
        %get3A_588 = arith.constant 32 : index
        %get3A_589 = tpu.vector_load %arg8[%get3A_587, %get3A_588] {strides = array<i32>} : memref<512x64xf32, #tpu.memory_space<vmem>>, vector<1x16xf32>,
        %get3A_590 = vector.shape_cast %get3A_589 : vector<1x16xf32> to vector<16xf32>
        %mul3A_591 = arith.constant 1.000000e+00 : f32
        %mul3A_592 = vector.broadcast %mul3A_591 : f32 to vector<16xf32>
        %mul3A_593 = arith.mulf %mul3A_592, %get3A_590 : vector<16xf32>
        %add3A_594 = arith.addf %add3A_558, %mul3A_593 : vector<16xf32>
        %get3A_595 = arith.index_cast %add3A_570 : i32 to index
        %get3A_596 = arith.constant 48 : index
        %get3A_597 = tpu.vector_load %arg8[%get3A_595, %get3A_596] {strides = array<i32>} : memref<512x64xf32, #tpu.memory_space<vmem>>, vector<1x16xf32>,
        %get3A_598 = vector.shape_cast %get3A_597 : vector<1x16xf32> to vector<16xf32>
        %mul3A_599 = arith.constant 1.000000e+00 : f32
        %mul3A_600 = vector.broadcast %mul3A_599 : f32 to vector<16xf32>
        %mul3A_601 = arith.mulf %mul3A_600, %get3A_598 : vector<16xf32>
        %add3A_602 = arith.addf %add3A_566, %mul3A_601 : vector<16xf32>
        %mul3A_603 = arith.constant 8 : i32
        %mul3A_604 = arith.muli %scan3A_526, %mul3A_603 : i32
        %add3A_605 = arith.constant 2 : i32
        %add3A_606 = arith.addi %mul3A_604, %add3A_605 : i32
        %get3A_607 = arith.index_cast %add3A_606 : i32 to index
        %get3A_608 = arith.constant 0 : index
        %get3A_609 = tpu.vector_load %arg8[%get3A_607, %get3A_608] {strides = array<i32>} : memref<512x64xf32, #tpu.memory_space<vmem>>, vector<1x16xf32>,
        %get3A_610 = vector.shape_cast %get3A_609 : vector<1x16xf32> to vector<16xf32>
        %mul3A_611 = arith.constant 1.000000e+00 : f32
        %mul3A_612 = vector.broadcast %mul3A_611 : f32 to vector<16xf32>
        %mul3A_613 = arith.mulf %mul3A_612, %get3A_610 : vector<16xf32>
        %add3A_614 = arith.addf %add3A_578, %mul3A_613 : vector<16xf32>
        %get3A_615 = arith.index_cast %add3A_606 : i32 to index
        %get3A_616 = arith.constant 16 : index
        %get3A_617 = tpu.vector_load %arg8[%get3A_615, %get3A_616] {strides = array<i32>} : memref<512x64xf32, #tpu.memory_space<vmem>>, vector<1x16xf32>,
        %get3A_618 = vector.shape_cast %get3A_617 : vector<1x16xf32> to vector<16xf32>
        %mul3A_619 = arith.constant 1.000000e+00 : f32
        %mul3A_620 = vector.broadcast %mul3A_619 : f32 to vector<16xf32>
        %mul3A_621 = arith.mulf %mul3A_620, %get3A_618 : vector<16xf32>
        %add3A_622 = arith.addf %add3A_586, %mul3A_621 : vector<16xf32>
        %get3A_623 = arith.index_cast %add3A_606 : i32 to index
        %get3A_624 = arith.constant 32 : index
        %get3A_625 = tpu.vector_load %arg8[%get3A_623, %get3A_624] {strides = array<i32>} : memref<512x64xf32, #tpu.memory_space<vmem>>, vector<1x16xf32>,
        %get3A_626 = vector.shape_cast %get3A_625 : vector<1x16xf32> to vector<16xf32>
        %mul3A_627 = arith.constant 1.000000e+00 : f32
        %mul3A_628 = vector.broadcast %mul3A_627 : f32 to vector<16xf32>
        %mul3A_629 = arith.mulf %mul3A_628, %get3A_626 : vector<16xf32>
        %add3A_630 = arith.addf %add3A_594, %mul3A_629 : vector<16xf32>
        %get3A_631 = arith.index_cast %add3A_606 : i32 to index
        %get3A_632 = arith.constant 48 : index
        %get3A_633 = tpu.vector_load %arg8[%get3A_631, %get3A_632] {strides = array<i32>} : memref<512x64xf32, #tpu.memory_space<vmem>>, vector<1x16xf32>,
        %get3A_634 = vector.shape_cast %get3A_633 : vector<1x16xf32> to vector<16xf32>
        %mul3A_635 = arith.constant 1.000000e+00 : f32
        %mul3A_636 = vector.broadcast %mul3A_635 : f32 to vector<16xf32>
        %mul3A_637 = arith.mulf %mul3A_636, %get3A_634 : vector<16xf32>
        %add3A_638 = arith.addf %add3A_602, %mul3A_637 : vector<16xf32>
        %mul3A_639 = arith.constant 8 : i32
        %mul3A_640 = arith.muli %scan3A_526, %mul3A_639 : i32
        %add3A_641 = arith.constant 3 : i32
        %add3A_642 = arith.addi %mul3A_640, %add3A_641 : i32
        %get3A_643 = arith.index_cast %add3A_642 : i32 to index
        %get3A_644 = arith.constant 0 : index
        %get3A_645 = tpu.vector_load %arg8[%get3A_643, %get3A_644] {strides = array<i32>} : memref<512x64xf32, #tpu.memory_space<vmem>>, vector<1x16xf32>,
        %get3A_646 = vector.shape_cast %get3A_645 : vector<1x16xf32> to vector<16xf32>
        %mul3A_647 = arith.constant 1.000000e+00 : f32
        %mul3A_648 = vector.broadcast %mul3A_647 : f32 to vector<16xf32>
        %mul3A_649 = arith.mulf %mul3A_648, %get3A_646 : vector<16xf32>
        %add3A_650 = arith.addf %add3A_614, %mul3A_649 : vector<16xf32>
        %get3A_651 = arith.index_cast %add3A_642 : i32 to index
        %get3A_652 = arith.constant 16 : index
        %get3A_653 = tpu.vector_load %arg8[%get3A_651, %get3A_652] {strides = array<i32>} : memref<512x64xf32, #tpu.memory_space<vmem>>, vector<1x16xf32>,
        %get3A_654 = vector.shape_cast %get3A_653 : vector<1x16xf32> to vector<16xf32>
        %mul3A_655 = arith.constant 1.000000e+00 : f32
        %mul3A_656 = vector.broadcast %mul3A_655 : f32 to vector<16xf32>
        %mul3A_657 = arith.mulf %mul3A_656, %get3A_654 : vector<16xf32>
        %add3A_658 = arith.addf %add3A_622, %mul3A_657 : vector<16xf32>
        %get3A_659 = arith.index_cast %add3A_642 : i32 to index
        %get3A_660 = arith.constant 32 : index
        %get3A_661 = tpu.vector_load %arg8[%get3A_659, %get3A_660] {strides = array<i32>} : memref<512x64xf32, #tpu.memory_space<vmem>>, vector<1x16xf32>,
        %get3A_662 = vector.shape_cast %get3A_661 : vector<1x16xf32> to vector<16xf32>
        %mul3A_663 = arith.constant 1.000000e+00 : f32
        %mul3A_664 = vector.broadcast %mul3A_663 : f32 to vector<16xf32>
        %mul3A_665 = arith.mulf %mul3A_664, %get3A_662 : vector<16xf32>
        %add3A_666 = arith.addf %add3A_630, %mul3A_665 : vector<16xf32>
        %get3A_667 = arith.index_cast %add3A_642 : i32 to index
        %get3A_668 = arith.constant 48 : index
        %get3A_669 = tpu.vector_load %arg8[%get3A_667, %get3A_668] {strides = array<i32>} : memref<512x64xf32, #tpu.memory_space<vmem>>, vector<1x16xf32>,
        %get3A_670 = vector.shape_cast %get3A_669 : vector<1x16xf32> to vector<16xf32>
        %mul3A_671 = arith.constant 1.000000e+00 : f32
        %mul3A_672 = vector.broadcast %mul3A_671 : f32 to vector<16xf32>
        %mul3A_673 = arith.mulf %mul3A_672, %get3A_670 : vector<16xf32>
        %add3A_674 = arith.addf %add3A_638, %mul3A_673 : vector<16xf32>
        %mul3A_675 = arith.constant 8 : i32
        %mul3A_676 = arith.muli %scan3A_526, %mul3A_675 : i32
        %add3A_677 = arith.constant 4 : i32
        %add3A_678 = arith.addi %mul3A_676, %add3A_677 : i32
        %get3A_679 = arith.index_cast %add3A_678 : i32 to index
        %get3A_680 = arith.constant 0 : index
        %get3A_681 = tpu.vector_load %arg8[%get3A_679, %get3A_680] {strides = array<i32>} : memref<512x64xf32, #tpu.memory_space<vmem>>, vector<1x16xf32>,
        %get3A_682 = vector.shape_cast %get3A_681 : vector<1x16xf32> to vector<16xf32>
        %mul3A_683 = arith.constant 1.000000e+00 : f32
        %mul3A_684 = vector.broadcast %mul3A_683 : f32 to vector<16xf32>
        %mul3A_685 = arith.mulf %mul3A_684, %get3A_682 : vector<16xf32>
        %add3A_686 = arith.addf %add3A_650, %mul3A_685 : vector<16xf32>
        %get3A_687 = arith.index_cast %add3A_678 : i32 to index
        %get3A_688 = arith.constant 16 : index
        %get3A_689 = tpu.vector_load %arg8[%get3A_687, %get3A_688] {strides = array<i32>} : memref<512x64xf32, #tpu.memory_space<vmem>>, vector<1x16xf32>,
        %get3A_690 = vector.shape_cast %get3A_689 : vector<1x16xf32> to vector<16xf32>
        %mul3A_691 = arith.constant 1.000000e+00 : f32
        %mul3A_692 = vector.broadcast %mul3A_691 : f32 to vector<16xf32>
        %mul3A_693 = arith.mulf %mul3A_692, %get3A_690 : vector<16xf32>
        %add3A_694 = arith.addf %add3A_658, %mul3A_693 : vector<16xf32>
        %get3A_695 = arith.index_cast %add3A_678 : i32 to index
        %get3A_696 = arith.constant 32 : index
        %get3A_697 = tpu.vector_load %arg8[%get3A_695, %get3A_696] {strides = array<i32>} : memref<512x64xf32, #tpu.memory_space<vmem>>, vector<1x16xf32>,
        %get3A_698 = vector.shape_cast %get3A_697 : vector<1x16xf32> to vector<16xf32>
        %mul3A_699 = arith.constant 1.000000e+00 : f32
        %mul3A_700 = vector.broadcast %mul3A_699 : f32 to vector<16xf32>
        %mul3A_701 = arith.mulf %mul3A_700, %get3A_698 : vector<16xf32>
        %add3A_702 = arith.addf %add3A_666, %mul3A_701 : vector<16xf32>
        %get3A_703 = arith.index_cast %add3A_678 : i32 to index
        %get3A_704 = arith.constant 48 : index
        %get3A_705 = tpu.vector_load %arg8[%get3A_703, %get3A_704] {strides = array<i32>} : memref<512x64xf32, #tpu.memory_space<vmem>>, vector<1x16xf32>,
        %get3A_706 = vector.shape_cast %get3A_705 : vector<1x16xf32> to vector<16xf32>
        %mul3A_707 = arith.constant 1.000000e+00 : f32
        %mul3A_708 = vector.broadcast %mul3A_707 : f32 to vector<16xf32>
        %mul3A_709 = arith.mulf %mul3A_708, %get3A_706 : vector<16xf32>
        %add3A_710 = arith.addf %add3A_674, %mul3A_709 : vector<16xf32>
        %mul3A_711 = arith.constant 8 : i32
        %mul3A_712 = arith.muli %scan3A_526, %mul3A_711 : i32
        %add3A_713 = arith.constant 5 : i32
        %add3A_714 = arith.addi %mul3A_712, %add3A_713 : i32
        %get3A_715 = arith.index_cast %add3A_714 : i32 to index
        %get3A_716 = arith.constant 0 : index
        %get3A_717 = tpu.vector_load %arg8[%get3A_715, %get3A_716] {strides = array<i32>} : memref<512x64xf32, #tpu.memory_space<vmem>>, vector<1x16xf32>,
        %get3A_718 = vector.shape_cast %get3A_717 : vector<1x16xf32> to vector<16xf32>
        %mul3A_719 = arith.constant 1.000000e+00 : f32
        %mul3A_720 = vector.broadcast %mul3A_719 : f32 to vector<16xf32>
        %mul3A_721 = arith.mulf %mul3A_720, %get3A_718 : vector<16xf32>
        %add3A_722 = arith.addf %add3A_686, %mul3A_721 : vector<16xf32>
        %get3A_723 = arith.index_cast %add3A_714 : i32 to index
        %get3A_724 = arith.constant 16 : index
        %get3A_725 = tpu.vector_load %arg8[%get3A_723, %get3A_724] {strides = array<i32>} : memref<512x64xf32, #tpu.memory_space<vmem>>, vector<1x16xf32>,
        %get3A_726 = vector.shape_cast %get3A_725 : vector<1x16xf32> to vector<16xf32>
        %mul3A_727 = arith.constant 1.000000e+00 : f32
        %mul3A_728 = vector.broadcast %mul3A_727 : f32 to vector<16xf32>
        %mul3A_729 = arith.mulf %mul3A_728, %get3A_726 : vector<16xf32>
        %add3A_730 = arith.addf %add3A_694, %mul3A_729 : vector<16xf32>
        %get3A_731 = arith.index_cast %add3A_714 : i32 to index
        %get3A_732 = arith.constant 32 : index
        %get3A_733 = tpu.vector_load %arg8[%get3A_731, %get3A_732] {strides = array<i32>} : memref<512x64xf32, #tpu.memory_space<vmem>>, vector<1x16xf32>,
        %get3A_734 = vector.shape_cast %get3A_733 : vector<1x16xf32> to vector<16xf32>
        %mul3A_735 = arith.constant 1.000000e+00 : f32
        %mul3A_736 = vector.broadcast %mul3A_735 : f32 to vector<16xf32>
        %mul3A_737 = arith.mulf %mul3A_736, %get3A_734 : vector<16xf32>
        %add3A_738 = arith.addf %add3A_702, %mul3A_737 : vector<16xf32>
        %get3A_739 = arith.index_cast %add3A_714 : i32 to index
        %get3A_740 = arith.constant 48 : index
        %get3A_741 = tpu.vector_load %arg8[%get3A_739, %get3A_740] {strides = array<i32>} : memref<512x64xf32, #tpu.memory_space<vmem>>, vector<1x16xf32>,
        %get3A_742 = vector.shape_cast %get3A_741 : vector<1x16xf32> to vector<16xf32>
        %mul3A_743 = arith.constant 1.000000e+00 : f32
        %mul3A_744 = vector.broadcast %mul3A_743 : f32 to vector<16xf32>
        %mul3A_745 = arith.mulf %mul3A_744, %get3A_742 : vector<16xf32>
        %add3A_746 = arith.addf %add3A_710, %mul3A_745 : vector<16xf32>
        %mul3A_747 = arith.constant 8 : i32
        %mul3A_748 = arith.muli %scan3A_526, %mul3A_747 : i32
        %add3A_749 = arith.constant 6 : i32
        %add3A_750 = arith.addi %mul3A_748, %add3A_749 : i32
        %get3A_751 = arith.index_cast %add3A_750 : i32 to index
        %get3A_752 = arith.constant 0 : index
        %get3A_753 = tpu.vector_load %arg8[%get3A_751, %get3A_752] {strides = array<i32>} : memref<512x64xf32, #tpu.memory_space<vmem>>, vector<1x16xf32>,
        %get3A_754 = vector.shape_cast %get3A_753 : vector<1x16xf32> to vector<16xf32>
        %mul3A_755 = arith.constant 1.000000e+00 : f32
        %mul3A_756 = vector.broadcast %mul3A_755 : f32 to vector<16xf32>
        %mul3A_757 = arith.mulf %mul3A_756, %get3A_754 : vector<16xf32>
        %add3A_758 = arith.addf %add3A_722, %mul3A_757 : vector<16xf32>
        %get3A_759 = arith.index_cast %add3A_750 : i32 to index
        %get3A_760 = arith.constant 16 : index
        %get3A_761 = tpu.vector_load %arg8[%get3A_759, %get3A_760] {strides = array<i32>} : memref<512x64xf32, #tpu.memory_space<vmem>>, vector<1x16xf32>,
        %get3A_762 = vector.shape_cast %get3A_761 : vector<1x16xf32> to vector<16xf32>
        %mul3A_763 = arith.constant 1.000000e+00 : f32
        %mul3A_764 = vector.broadcast %mul3A_763 : f32 to vector<16xf32>
        %mul3A_765 = arith.mulf %mul3A_764, %get3A_762 : vector<16xf32>
        %add3A_766 = arith.addf %add3A_730, %mul3A_765 : vector<16xf32>
        %get3A_767 = arith.index_cast %add3A_750 : i32 to index
        %get3A_768 = arith.constant 32 : index
        %get3A_769 = tpu.vector_load %arg8[%get3A_767, %get3A_768] {strides = array<i32>} : memref<512x64xf32, #tpu.memory_space<vmem>>, vector<1x16xf32>,
        %get3A_770 = vector.shape_cast %get3A_769 : vector<1x16xf32> to vector<16xf32>
        %mul3A_771 = arith.constant 1.000000e+00 : f32
        %mul3A_772 = vector.broadcast %mul3A_771 : f32 to vector<16xf32>
        %mul3A_773 = arith.mulf %mul3A_772, %get3A_770 : vector<16xf32>
        %add3A_774 = arith.addf %add3A_738, %mul3A_773 : vector<16xf32>
        %get3A_775 = arith.index_cast %add3A_750 : i32 to index
        %get3A_776 = arith.constant 48 : index
        %get3A_777 = tpu.vector_load %arg8[%get3A_775, %get3A_776] {strides = array<i32>} : memref<512x64xf32, #tpu.memory_space<vmem>>, vector<1x16xf32>,
        %get3A_778 = vector.shape_cast %get3A_777 : vector<1x16xf32> to vector<16xf32>
        %mul3A_779 = arith.constant 1.000000e+00 : f32
        %mul3A_780 = vector.broadcast %mul3A_779 : f32 to vector<16xf32>
        %mul3A_781 = arith.mulf %mul3A_780, %get3A_778 : vector<16xf32>
        %add3A_782 = arith.addf %add3A_746, %mul3A_781 : vector<16xf32>
        %mul3A_783 = arith.constant 8 : i32
        %mul3A_784 = arith.muli %scan3A_526, %mul3A_783 : i32
        %add3A_785 = arith.constant 7 : i32
        %add3A_786 = arith.addi %mul3A_784, %add3A_785 : i32
        %get3A_787 = arith.index_cast %add3A_786 : i32 to index
        %get3A_788 = arith.constant 0 : index
        %get3A_789 = tpu.vector_load %arg8[%get3A_787, %get3A_788] {strides = array<i32>} : memref<512x64xf32, #tpu.memory_space<vmem>>, vector<1x16xf32>,
        %get3A_790 = vector.shape_cast %get3A_789 : vector<1x16xf32> to vector<16xf32>
        %mul3A_791 = arith.constant 1.000000e+00 : f32
        %mul3A_792 = vector.broadcast %mul3A_791 : f32 to vector<16xf32>
        %mul3A_793 = arith.mulf %mul3A_792, %get3A_790 : vector<16xf32>
        %add3A_794 = arith.addf %add3A_758, %mul3A_793 : vector<16xf32>
        %get3A_795 = arith.index_cast %add3A_786 : i32 to index
        %get3A_796 = arith.constant 16 : index
        %get3A_797 = tpu.vector_load %arg8[%get3A_795, %get3A_796] {strides = array<i32>} : memref<512x64xf32, #tpu.memory_space<vmem>>, vector<1x16xf32>,
        %get3A_798 = vector.shape_cast %get3A_797 : vector<1x16xf32> to vector<16xf32>
        %mul3A_799 = arith.constant 1.000000e+00 : f32
        %mul3A_800 = vector.broadcast %mul3A_799 : f32 to vector<16xf32>
        %mul3A_801 = arith.mulf %mul3A_800, %get3A_798 : vector<16xf32>
        %add3A_802 = arith.addf %add3A_766, %mul3A_801 : vector<16xf32>
        %get3A_803 = arith.index_cast %add3A_786 : i32 to index
        %get3A_804 = arith.constant 32 : index
        %get3A_805 = tpu.vector_load %arg8[%get3A_803, %get3A_804] {strides = array<i32>} : memref<512x64xf32, #tpu.memory_space<vmem>>, vector<1x16xf32>,
        %get3A_806 = vector.shape_cast %get3A_805 : vector<1x16xf32> to vector<16xf32>
        %mul3A_807 = arith.constant 1.000000e+00 : f32
        %mul3A_808 = vector.broadcast %mul3A_807 : f32 to vector<16xf32>
        %mul3A_809 = arith.mulf %mul3A_808, %get3A_806 : vector<16xf32>
        %add3A_810 = arith.addf %add3A_774, %mul3A_809 : vector<16xf32>
        %get3A_811 = arith.index_cast %add3A_786 : i32 to index
        %get3A_812 = arith.constant 48 : index
        %get3A_813 = tpu.vector_load %arg8[%get3A_811, %get3A_812] {strides = array<i32>} : memref<512x64xf32, #tpu.memory_space<vmem>>, vector<1x16xf32>,
        %get3A_814 = vector.shape_cast %get3A_813 : vector<1x16xf32> to vector<16xf32>
        %mul3A_815 = arith.constant 1.000000e+00 : f32
        %mul3A_816 = vector.broadcast %mul3A_815 : f32 to vector<16xf32>
        %mul3A_817 = arith.mulf %mul3A_816, %get3A_814 : vector<16xf32>
        %add3A_818 = arith.addf %add3A_782, %mul3A_817 : vector<16xf32>
        scf.yield %add3A_794, %add3A_802, %add3A_810, %add3A_818 : vector<16xf32>, vector<16xf32>, vector<16xf32>, vector<16xf32>
      }
      %scan3A_367 = arith.constant 64 : i32
      %mul3A_368 = arith.constant 2 : i32
      %mul3A_369 = arith.muli %mul3A_368, %scan3A_317 : i32
      %add3A_370 = arith.constant 2 : i32
      %add3A_371 = arith.addi %mul3A_369, %add3A_370 : i32
      %mul3A_372 = arith.constant 4 : i32
      %mul3A_373 = arith.muli %add3A_371, %mul3A_372 : i32
      %add3A_374 = arith.constant 0 : i32
      %add3A_375 = arith.addi %mul3A_373, %add3A_374 : i32
      %dma_start3A_376 = arith.constant 0 : i32
      %dma_start3A_377 = arith.constant 0 : i32
      %dma_start3A_378 = tpu.memref_slice %arg8[%dma_start3A_376, %dma_start3A_377] : memref<512x64xf32, #tpu.memory_space<vmem>> -> memref<128x64xf32, #tpu.memory_space<vmem>>
      %dma_start3A_379 = arith.constant 0 : i32
      %dma_start3A_380 = tpu.memref_slice %arg6[%add3A_375, %dma_start3A_379] : memref<200x128xi32, #tpu.memory_space<vmem>> -> memref<1x128xi32, #tpu.memory_space<vmem>>
      %dma_start3A_381 = tpu.memref_squeeze %dma_start3A_380 : memref<1x128xi32, #tpu.memory_space<vmem>> -> memref<128xi32, #tpu.memory_space<vmem>>
      %dma_start3A_382 = arith.constant 0 : i32
      %dma_start3A_383 = arith.constant 0 : i32
      %dma_start3A_384 = tpu.memref_slice %arg3[%dma_start3A_382, %dma_start3A_383] : memref<1000000x64xf32, #tpu.memory_space<hbm>> -> memref<1000000x64xf32, #tpu.memory_space<hbm>>
      tpu.enqueue_indirect_dma source(%dma_start3A_384 : memref<1000000x64xf32, #tpu.memory_space<hbm>>) target(%dma_start3A_378 : memref<128x64xf32, #tpu.memory_space<vmem>>) offsets(%dma_start3A_381 : memref<128xi32, #tpu.memory_space<vmem>>) semaphore(%arg11 : memref<!tpu.dma_semaphore, #tpu.memory_space<semaphore_mem>>)
      %mul3A_385 = arith.constant 4 : i32
      %mul3A_386 = arith.muli %add3A_371, %mul3A_385 : i32
      %add3A_387 = arith.constant 1 : i32
      %add3A_388 = arith.addi %mul3A_386, %add3A_387 : i32
      %dma_start3A_389 = arith.constant 128 : i32
      %dma_start3A_390 = arith.constant 0 : i32
      %dma_start3A_391 = tpu.memref_slice %arg8[%dma_start3A_389, %dma_start3A_390] : memref<512x64xf32, #tpu.memory_space<vmem>> -> memref<128x64xf32, #tpu.memory_space<vmem>>
      %dma_start3A_392 = arith.constant 0 : i32
      %dma_start3A_393 = tpu.memref_slice %arg6[%add3A_388, %dma_start3A_392] : memref<200x128xi32, #tpu.memory_space<vmem>> -> memref<1x128xi32, #tpu.memory_space<vmem>>
      %dma_start3A_394 = tpu.memref_squeeze %dma_start3A_393 : memref<1x128xi32, #tpu.memory_space<vmem>> -> memref<128xi32, #tpu.memory_space<vmem>>
      %dma_start3A_395 = arith.constant 0 : i32
      %dma_start3A_396 = arith.constant 0 : i32
      %dma_start3A_397 = tpu.memref_slice %arg3[%dma_start3A_395, %dma_start3A_396] : memref<1000000x64xf32, #tpu.memory_space<hbm>> -> memref<1000000x64xf32, #tpu.memory_space<hbm>>
      tpu.enqueue_indirect_dma source(%dma_start3A_397 : memref<1000000x64xf32, #tpu.memory_space<hbm>>) target(%dma_start3A_391 : memref<128x64xf32, #tpu.memory_space<vmem>>) offsets(%dma_start3A_394 : memref<128xi32, #tpu.memory_space<vmem>>) semaphore(%arg11 : memref<!tpu.dma_semaphore, #tpu.memory_space<semaphore_mem>>)
      %mul3A_398 = arith.constant 4 : i32
      %mul3A_399 = arith.muli %add3A_371, %mul3A_398 : i32
      %add3A_400 = arith.constant 2 : i32
      %add3A_401 = arith.addi %mul3A_399, %add3A_400 : i32
      %dma_start3A_402 = arith.constant 256 : i32
      %dma_start3A_403 = arith.constant 0 : i32
      %dma_start3A_404 = tpu.memref_slice %arg8[%dma_start3A_402, %dma_start3A_403] : memref<512x64xf32, #tpu.memory_space<vmem>> -> memref<128x64xf32, #tpu.memory_space<vmem>>
      %dma_start3A_405 = arith.constant 0 : i32
      %dma_start3A_406 = tpu.memref_slice %arg6[%add3A_401, %dma_start3A_405] : memref<200x128xi32, #tpu.memory_space<vmem>> -> memref<1x128xi32, #tpu.memory_space<vmem>>
      %dma_start3A_407 = tpu.memref_squeeze %dma_start3A_406 : memref<1x128xi32, #tpu.memory_space<vmem>> -> memref<128xi32, #tpu.memory_space<vmem>>
      %dma_start3A_408 = arith.constant 0 : i32
      %dma_start3A_409 = arith.constant 0 : i32
      %dma_start3A_410 = tpu.memref_slice %arg3[%dma_start3A_408, %dma_start3A_409] : memref<1000000x64xf32, #tpu.memory_space<hbm>> -> memref<1000000x64xf32, #tpu.memory_space<hbm>>
      tpu.enqueue_indirect_dma source(%dma_start3A_410 : memref<1000000x64xf32, #tpu.memory_space<hbm>>) target(%dma_start3A_404 : memref<128x64xf32, #tpu.memory_space<vmem>>) offsets(%dma_start3A_407 : memref<128xi32, #tpu.memory_space<vmem>>) semaphore(%arg11 : memref<!tpu.dma_semaphore, #tpu.memory_space<semaphore_mem>>)
      %mul3A_411 = arith.constant 4 : i32
      %mul3A_412 = arith.muli %add3A_371, %mul3A_411 : i32
      %add3A_413 = arith.constant 3 : i32
      %add3A_414 = arith.addi %mul3A_412, %add3A_413 : i32
      %dma_start3A_415 = arith.constant 384 : i32
      %dma_start3A_416 = arith.constant 0 : i32
      %dma_start3A_417 = tpu.memref_slice %arg8[%dma_start3A_415, %dma_start3A_416] : memref<512x64xf32, #tpu.memory_space<vmem>> -> memref<128x64xf32, #tpu.memory_space<vmem>>
      %dma_start3A_418 = arith.constant 0 : i32
      %dma_start3A_419 = tpu.memref_slice %arg6[%add3A_414, %dma_start3A_418] : memref<200x128xi32, #tpu.memory_space<vmem>> -> memref<1x128xi32, #tpu.memory_space<vmem>>
      %dma_start3A_420 = tpu.memref_squeeze %dma_start3A_419 : memref<1x128xi32, #tpu.memory_space<vmem>> -> memref<128xi32, #tpu.memory_space<vmem>>
      %dma_start3A_421 = arith.constant 0 : i32
      %dma_start3A_422 = arith.constant 0 : i32
      %dma_start3A_423 = tpu.memref_slice %arg3[%dma_start3A_421, %dma_start3A_422] : memref<1000000x64xf32, #tpu.memory_space<hbm>> -> memref<1000000x64xf32, #tpu.memory_space<hbm>>
      tpu.enqueue_indirect_dma source(%dma_start3A_423 : memref<1000000x64xf32, #tpu.memory_space<hbm>>) target(%dma_start3A_417 : memref<128x64xf32, #tpu.memory_space<vmem>>) offsets(%dma_start3A_420 : memref<128xi32, #tpu.memory_space<vmem>>) semaphore(%arg11 : memref<!tpu.dma_semaphore, #tpu.memory_space<semaphore_mem>>)
      %dma_wait3A_424 = arith.constant 0 : i32
      %dma_wait3A_425 = arith.constant 0 : i32
      %dma_wait3A_426 = arith.constant 0 : i32
      %dma_wait3A_427 = tpu.memref_slice %arg9[%dma_wait3A_425, %dma_wait3A_426] : memref<512x64xf32, #tpu.memory_space<vmem>> -> memref<128x64xf32, #tpu.memory_space<vmem>>
      %dma_wait3A_428 = arith.constant 0 : i32
      %dma_wait3A_429 = tpu.memref_slice %arg6[%dma_wait3A_424, %dma_wait3A_428] : memref<200x128xi32, #tpu.memory_space<vmem>> -> memref<1x128xi32, #tpu.memory_space<vmem>>
      %dma_wait3A_430 = tpu.memref_squeeze %dma_wait3A_429 : memref<1x128xi32, #tpu.memory_space<vmem>> -> memref<128xi32, #tpu.memory_space<vmem>>
      %dma_wait3A_431 = arith.constant 0 : i32
      %dma_wait3A_432 = arith.constant 0 : i32
      %dma_wait3A_433 = tpu.memref_slice %arg3[%dma_wait3A_431, %dma_wait3A_432] : memref<1000000x64xf32, #tpu.memory_space<hbm>> -> memref<1000000x64xf32, #tpu.memory_space<hbm>>
      tpu.wait_indirect_dma semaphore(%arg12 : memref<!tpu.dma_semaphore, #tpu.memory_space<semaphore_mem>>) src(%dma_wait3A_433 : memref<1000000x64xf32, #tpu.memory_space<hbm>>) dst(%dma_wait3A_427 : memref<128x64xf32, #tpu.memory_space<vmem>>)
      %dma_wait3A_434 = arith.constant 1 : i32
      %dma_wait3A_435 = arith.constant 128 : i32
      %dma_wait3A_436 = arith.constant 0 : i32
      %dma_wait3A_437 = tpu.memref_slice %arg9[%dma_wait3A_435, %dma_wait3A_436] : memref<512x64xf32, #tpu.memory_space<vmem>> -> memref<128x64xf32, #tpu.memory_space<vmem>>
      %dma_wait3A_438 = arith.constant 0 : i32
      %dma_wait3A_439 = tpu.memref_slice %arg6[%dma_wait3A_434, %dma_wait3A_438] : memref<200x128xi32, #tpu.memory_space<vmem>> -> memref<1x128xi32, #tpu.memory_space<vmem>>
      %dma_wait3A_440 = tpu.memref_squeeze %dma_wait3A_439 : memref<1x128xi32, #tpu.memory_space<vmem>> -> memref<128xi32, #tpu.memory_space<vmem>>
      %dma_wait3A_441 = arith.constant 0 : i32
      %dma_wait3A_442 = arith.constant 0 : i32
      %dma_wait3A_443 = tpu.memref_slice %arg3[%dma_wait3A_441, %dma_wait3A_442] : memref<1000000x64xf32, #tpu.memory_space<hbm>> -> memref<1000000x64xf32, #tpu.memory_space<hbm>>
      tpu.wait_indirect_dma semaphore(%arg12 : memref<!tpu.dma_semaphore, #tpu.memory_space<semaphore_mem>>) src(%dma_wait3A_443 : memref<1000000x64xf32, #tpu.memory_space<hbm>>) dst(%dma_wait3A_437 : memref<128x64xf32, #tpu.memory_space<vmem>>)
      %dma_wait3A_444 = arith.constant 2 : i32
      %dma_wait3A_445 = arith.constant 256 : i32
      %dma_wait3A_446 = arith.constant 0 : i32
      %dma_wait3A_447 = tpu.memref_slice %arg9[%dma_wait3A_445, %dma_wait3A_446] : memref<512x64xf32, #tpu.memory_space<vmem>> -> memref<128x64xf32, #tpu.memory_space<vmem>>
      %dma_wait3A_448 = arith.constant 0 : i32
      %dma_wait3A_449 = tpu.memref_slice %arg6[%dma_wait3A_444, %dma_wait3A_448] : memref<200x128xi32, #tpu.memory_space<vmem>> -> memref<1x128xi32, #tpu.memory_space<vmem>>
      %dma_wait3A_450 = tpu.memref_squeeze %dma_wait3A_449 : memref<1x128xi32, #tpu.memory_space<vmem>> -> memref<128xi32, #tpu.memory_space<vmem>>
      %dma_wait3A_451 = arith.constant 0 : i32
      %dma_wait3A_452 = arith.constant 0 : i32
      %dma_wait3A_453 = tpu.memref_slice %arg3[%dma_wait3A_451, %dma_wait3A_452] : memref<1000000x64xf32, #tpu.memory_space<hbm>> -> memref<1000000x64xf32, #tpu.memory_space<hbm>>
      tpu.wait_indirect_dma semaphore(%arg12 : memref<!tpu.dma_semaphore, #tpu.memory_space<semaphore_mem>>) src(%dma_wait3A_453 : memref<1000000x64xf32, #tpu.memory_space<hbm>>) dst(%dma_wait3A_447 : memref<128x64xf32, #tpu.memory_space<vmem>>)
      %dma_wait3A_454 = arith.constant 3 : i32
      %dma_wait3A_455 = arith.constant 384 : i32
      %dma_wait3A_456 = arith.constant 0 : i32
      %dma_wait3A_457 = tpu.memref_slice %arg9[%dma_wait3A_455, %dma_wait3A_456] : memref<512x64xf32, #tpu.memory_space<vmem>> -> memref<128x64xf32, #tpu.memory_space<vmem>>
      %dma_wait3A_458 = arith.constant 0 : i32
      %dma_wait3A_459 = tpu.memref_slice %arg6[%dma_wait3A_454, %dma_wait3A_458] : memref<200x128xi32, #tpu.memory_space<vmem>> -> memref<1x128xi32, #tpu.memory_space<vmem>>
      %dma_wait3A_460 = tpu.memref_squeeze %dma_wait3A_459 : memref<1x128xi32, #tpu.memory_space<vmem>> -> memref<128xi32, #tpu.memory_space<vmem>>
      %dma_wait3A_461 = arith.constant 0 : i32
      %dma_wait3A_462 = arith.constant 0 : i32
      %dma_wait3A_463 = tpu.memref_slice %arg3[%dma_wait3A_461, %dma_wait3A_462] : memref<1000000x64xf32, #tpu.memory_space<hbm>> -> memref<1000000x64xf32, #tpu.memory_space<hbm>>
      tpu.wait_indirect_dma semaphore(%arg12 : memref<!tpu.dma_semaphore, #tpu.memory_space<semaphore_mem>>) src(%dma_wait3A_463 : memref<1000000x64xf32, #tpu.memory_space<hbm>>) dst(%dma_wait3A_457 : memref<128x64xf32, #tpu.memory_space<vmem>>)
      %scan3A_464 = arith.constant 0 : i32
      %scan3A_465 = arith.constant 64 : i32
      %scan3A_466 = arith.addi %scan3A_464, %scan3A_465 : i32
      %scan3A_467 = arith.constant 1 : i32
      %scan3A_468:4 = scf.for %scan3A_526 = %scan3A_464 to %scan3A_466 step %scan3A_467 iter_args(%scan3A_527 = %scan3A_366#0, %scan3A_528 = %scan3A_366#1, %scan3A_529 = %scan3A_366#2, %scan3A_530 = %scan3A_366#3) -> (vector<16xf32>, vector<16xf32>, vector<16xf32>, vector<16xf32>)  : i32 {
        %mul3A_531 = arith.constant 8 : i32
        %mul3A_532 = arith.muli %scan3A_526, %mul3A_531 : i32
        %add3A_533 = arith.constant 0 : i32
        %add3A_534 = arith.addi %mul3A_532, %add3A_533 : i32
        %get3A_535 = arith.index_cast %add3A_534 : i32 to index
        %get3A_536 = arith.constant 0 : index
        %get3A_537 = tpu.vector_load %arg9[%get3A_535, %get3A_536] {strides = array<i32>} : memref<512x64xf32, #tpu.memory_space<vmem>>, vector<1x16xf32>,
        %get3A_538 = vector.shape_cast %get3A_537 : vector<1x16xf32> to vector<16xf32>
        %mul3A_539 = arith.constant 1.000000e+00 : f32
        %mul3A_540 = vector.broadcast %mul3A_539 : f32 to vector<16xf32>
        %mul3A_541 = arith.mulf %mul3A_540, %get3A_538 : vector<16xf32>
        %add3A_542 = arith.addf %scan3A_527, %mul3A_541 : vector<16xf32>
        %get3A_543 = arith.index_cast %add3A_534 : i32 to index
        %get3A_544 = arith.constant 16 : index
        %get3A_545 = tpu.vector_load %arg9[%get3A_543, %get3A_544] {strides = array<i32>} : memref<512x64xf32, #tpu.memory_space<vmem>>, vector<1x16xf32>,
        %get3A_546 = vector.shape_cast %get3A_545 : vector<1x16xf32> to vector<16xf32>
        %mul3A_547 = arith.constant 1.000000e+00 : f32
        %mul3A_548 = vector.broadcast %mul3A_547 : f32 to vector<16xf32>
        %mul3A_549 = arith.mulf %mul3A_548, %get3A_546 : vector<16xf32>
        %add3A_550 = arith.addf %scan3A_528, %mul3A_549 : vector<16xf32>
        %get3A_551 = arith.index_cast %add3A_534 : i32 to index
        %get3A_552 = arith.constant 32 : index
        %get3A_553 = tpu.vector_load %arg9[%get3A_551, %get3A_552] {strides = array<i32>} : memref<512x64xf32, #tpu.memory_space<vmem>>, vector<1x16xf32>,
        %get3A_554 = vector.shape_cast %get3A_553 : vector<1x16xf32> to vector<16xf32>
        %mul3A_555 = arith.constant 1.000000e+00 : f32
        %mul3A_556 = vector.broadcast %mul3A_555 : f32 to vector<16xf32>
        %mul3A_557 = arith.mulf %mul3A_556, %get3A_554 : vector<16xf32>
        %add3A_558 = arith.addf %scan3A_529, %mul3A_557 : vector<16xf32>
        %get3A_559 = arith.index_cast %add3A_534 : i32 to index
        %get3A_560 = arith.constant 48 : index
        %get3A_561 = tpu.vector_load %arg9[%get3A_559, %get3A_560] {strides = array<i32>} : memref<512x64xf32, #tpu.memory_space<vmem>>, vector<1x16xf32>,
        %get3A_562 = vector.shape_cast %get3A_561 : vector<1x16xf32> to vector<16xf32>
        %mul3A_563 = arith.constant 1.000000e+00 : f32
        %mul3A_564 = vector.broadcast %mul3A_563 : f32 to vector<16xf32>
        %mul3A_565 = arith.mulf %mul3A_564, %get3A_562 : vector<16xf32>
        %add3A_566 = arith.addf %scan3A_530, %mul3A_565 : vector<16xf32>
        %mul3A_567 = arith.constant 8 : i32
        %mul3A_568 = arith.muli %scan3A_526, %mul3A_567 : i32
        %add3A_569 = arith.constant 1 : i32
        %add3A_570 = arith.addi %mul3A_568, %add3A_569 : i32
        %get3A_571 = arith.index_cast %add3A_570 : i32 to index
        %get3A_572 = arith.constant 0 : index
        %get3A_573 = tpu.vector_load %arg9[%get3A_571, %get3A_572] {strides = array<i32>} : memref<512x64xf32, #tpu.memory_space<vmem>>, vector<1x16xf32>,
        %get3A_574 = vector.shape_cast %get3A_573 : vector<1x16xf32> to vector<16xf32>
        %mul3A_575 = arith.constant 1.000000e+00 : f32
        %mul3A_576 = vector.broadcast %mul3A_575 : f32 to vector<16xf32>
        %mul3A_577 = arith.mulf %mul3A_576, %get3A_574 : vector<16xf32>
        %add3A_578 = arith.addf %add3A_542, %mul3A_577 : vector<16xf32>
        %get3A_579 = arith.index_cast %add3A_570 : i32 to index
        %get3A_580 = arith.constant 16 : index
        %get3A_581 = tpu.vector_load %arg9[%get3A_579, %get3A_580] {strides = array<i32>} : memref<512x64xf32, #tpu.memory_space<vmem>>, vector<1x16xf32>,
        %get3A_582 = vector.shape_cast %get3A_581 : vector<1x16xf32> to vector<16xf32>
        %mul3A_583 = arith.constant 1.000000e+00 : f32
        %mul3A_584 = vector.broadcast %mul3A_583 : f32 to vector<16xf32>
        %mul3A_585 = arith.mulf %mul3A_584, %get3A_582 : vector<16xf32>
        %add3A_586 = arith.addf %add3A_550, %mul3A_585 : vector<16xf32>
        %get3A_587 = arith.index_cast %add3A_570 : i32 to index
        %get3A_588 = arith.constant 32 : index
        %get3A_589 = tpu.vector_load %arg9[%get3A_587, %get3A_588] {strides = array<i32>} : memref<512x64xf32, #tpu.memory_space<vmem>>, vector<1x16xf32>,
        %get3A_590 = vector.shape_cast %get3A_589 : vector<1x16xf32> to vector<16xf32>
        %mul3A_591 = arith.constant 1.000000e+00 : f32
        %mul3A_592 = vector.broadcast %mul3A_591 : f32 to vector<16xf32>
        %mul3A_593 = arith.mulf %mul3A_592, %get3A_590 : vector<16xf32>
        %add3A_594 = arith.addf %add3A_558, %mul3A_593 : vector<16xf32>
        %get3A_595 = arith.index_cast %add3A_570 : i32 to index
        %get3A_596 = arith.constant 48 : index
        %get3A_597 = tpu.vector_load %arg9[%get3A_595, %get3A_596] {strides = array<i32>} : memref<512x64xf32, #tpu.memory_space<vmem>>, vector<1x16xf32>,
        %get3A_598 = vector.shape_cast %get3A_597 : vector<1x16xf32> to vector<16xf32>
        %mul3A_599 = arith.constant 1.000000e+00 : f32
        %mul3A_600 = vector.broadcast %mul3A_599 : f32 to vector<16xf32>
        %mul3A_601 = arith.mulf %mul3A_600, %get3A_598 : vector<16xf32>
        %add3A_602 = arith.addf %add3A_566, %mul3A_601 : vector<16xf32>
        %mul3A_603 = arith.constant 8 : i32
        %mul3A_604 = arith.muli %scan3A_526, %mul3A_603 : i32
        %add3A_605 = arith.constant 2 : i32
        %add3A_606 = arith.addi %mul3A_604, %add3A_605 : i32
        %get3A_607 = arith.index_cast %add3A_606 : i32 to index
        %get3A_608 = arith.constant 0 : index
        %get3A_609 = tpu.vector_load %arg9[%get3A_607, %get3A_608] {strides = array<i32>} : memref<512x64xf32, #tpu.memory_space<vmem>>, vector<1x16xf32>,
        %get3A_610 = vector.shape_cast %get3A_609 : vector<1x16xf32> to vector<16xf32>
        %mul3A_611 = arith.constant 1.000000e+00 : f32
        %mul3A_612 = vector.broadcast %mul3A_611 : f32 to vector<16xf32>
        %mul3A_613 = arith.mulf %mul3A_612, %get3A_610 : vector<16xf32>
        %add3A_614 = arith.addf %add3A_578, %mul3A_613 : vector<16xf32>
        %get3A_615 = arith.index_cast %add3A_606 : i32 to index
        %get3A_616 = arith.constant 16 : index
        %get3A_617 = tpu.vector_load %arg9[%get3A_615, %get3A_616] {strides = array<i32>} : memref<512x64xf32, #tpu.memory_space<vmem>>, vector<1x16xf32>,
        %get3A_618 = vector.shape_cast %get3A_617 : vector<1x16xf32> to vector<16xf32>
        %mul3A_619 = arith.constant 1.000000e+00 : f32
        %mul3A_620 = vector.broadcast %mul3A_619 : f32 to vector<16xf32>
        %mul3A_621 = arith.mulf %mul3A_620, %get3A_618 : vector<16xf32>
        %add3A_622 = arith.addf %add3A_586, %mul3A_621 : vector<16xf32>
        %get3A_623 = arith.index_cast %add3A_606 : i32 to index
        %get3A_624 = arith.constant 32 : index
        %get3A_625 = tpu.vector_load %arg9[%get3A_623, %get3A_624] {strides = array<i32>} : memref<512x64xf32, #tpu.memory_space<vmem>>, vector<1x16xf32>,
        %get3A_626 = vector.shape_cast %get3A_625 : vector<1x16xf32> to vector<16xf32>
        %mul3A_627 = arith.constant 1.000000e+00 : f32
        %mul3A_628 = vector.broadcast %mul3A_627 : f32 to vector<16xf32>
        %mul3A_629 = arith.mulf %mul3A_628, %get3A_626 : vector<16xf32>
        %add3A_630 = arith.addf %add3A_594, %mul3A_629 : vector<16xf32>
        %get3A_631 = arith.index_cast %add3A_606 : i32 to index
        %get3A_632 = arith.constant 48 : index
        %get3A_633 = tpu.vector_load %arg9[%get3A_631, %get3A_632] {strides = array<i32>} : memref<512x64xf32, #tpu.memory_space<vmem>>, vector<1x16xf32>,
        %get3A_634 = vector.shape_cast %get3A_633 : vector<1x16xf32> to vector<16xf32>
        %mul3A_635 = arith.constant 1.000000e+00 : f32
        %mul3A_636 = vector.broadcast %mul3A_635 : f32 to vector<16xf32>
        %mul3A_637 = arith.mulf %mul3A_636, %get3A_634 : vector<16xf32>
        %add3A_638 = arith.addf %add3A_602, %mul3A_637 : vector<16xf32>
        %mul3A_639 = arith.constant 8 : i32
        %mul3A_640 = arith.muli %scan3A_526, %mul3A_639 : i32
        %add3A_641 = arith.constant 3 : i32
        %add3A_642 = arith.addi %mul3A_640, %add3A_641 : i32
        %get3A_643 = arith.index_cast %add3A_642 : i32 to index
        %get3A_644 = arith.constant 0 : index
        %get3A_645 = tpu.vector_load %arg9[%get3A_643, %get3A_644] {strides = array<i32>} : memref<512x64xf32, #tpu.memory_space<vmem>>, vector<1x16xf32>,
        %get3A_646 = vector.shape_cast %get3A_645 : vector<1x16xf32> to vector<16xf32>
        %mul3A_647 = arith.constant 1.000000e+00 : f32
        %mul3A_648 = vector.broadcast %mul3A_647 : f32 to vector<16xf32>
        %mul3A_649 = arith.mulf %mul3A_648, %get3A_646 : vector<16xf32>
        %add3A_650 = arith.addf %add3A_614, %mul3A_649 : vector<16xf32>
        %get3A_651 = arith.index_cast %add3A_642 : i32 to index
        %get3A_652 = arith.constant 16 : index
        %get3A_653 = tpu.vector_load %arg9[%get3A_651, %get3A_652] {strides = array<i32>} : memref<512x64xf32, #tpu.memory_space<vmem>>, vector<1x16xf32>,
        %get3A_654 = vector.shape_cast %get3A_653 : vector<1x16xf32> to vector<16xf32>
        %mul3A_655 = arith.constant 1.000000e+00 : f32
        %mul3A_656 = vector.broadcast %mul3A_655 : f32 to vector<16xf32>
        %mul3A_657 = arith.mulf %mul3A_656, %get3A_654 : vector<16xf32>
        %add3A_658 = arith.addf %add3A_622, %mul3A_657 : vector<16xf32>
        %get3A_659 = arith.index_cast %add3A_642 : i32 to index
        %get3A_660 = arith.constant 32 : index
        %get3A_661 = tpu.vector_load %arg9[%get3A_659, %get3A_660] {strides = array<i32>} : memref<512x64xf32, #tpu.memory_space<vmem>>, vector<1x16xf32>,
        %get3A_662 = vector.shape_cast %get3A_661 : vector<1x16xf32> to vector<16xf32>
        %mul3A_663 = arith.constant 1.000000e+00 : f32
        %mul3A_664 = vector.broadcast %mul3A_663 : f32 to vector<16xf32>
        %mul3A_665 = arith.mulf %mul3A_664, %get3A_662 : vector<16xf32>
        %add3A_666 = arith.addf %add3A_630, %mul3A_665 : vector<16xf32>
        %get3A_667 = arith.index_cast %add3A_642 : i32 to index
        %get3A_668 = arith.constant 48 : index
        %get3A_669 = tpu.vector_load %arg9[%get3A_667, %get3A_668] {strides = array<i32>} : memref<512x64xf32, #tpu.memory_space<vmem>>, vector<1x16xf32>,
        %get3A_670 = vector.shape_cast %get3A_669 : vector<1x16xf32> to vector<16xf32>
        %mul3A_671 = arith.constant 1.000000e+00 : f32
        %mul3A_672 = vector.broadcast %mul3A_671 : f32 to vector<16xf32>
        %mul3A_673 = arith.mulf %mul3A_672, %get3A_670 : vector<16xf32>
        %add3A_674 = arith.addf %add3A_638, %mul3A_673 : vector<16xf32>
        %mul3A_675 = arith.constant 8 : i32
        %mul3A_676 = arith.muli %scan3A_526, %mul3A_675 : i32
        %add3A_677 = arith.constant 4 : i32
        %add3A_678 = arith.addi %mul3A_676, %add3A_677 : i32
        %get3A_679 = arith.index_cast %add3A_678 : i32 to index
        %get3A_680 = arith.constant 0 : index
        %get3A_681 = tpu.vector_load %arg9[%get3A_679, %get3A_680] {strides = array<i32>} : memref<512x64xf32, #tpu.memory_space<vmem>>, vector<1x16xf32>,
        %get3A_682 = vector.shape_cast %get3A_681 : vector<1x16xf32> to vector<16xf32>
        %mul3A_683 = arith.constant 1.000000e+00 : f32
        %mul3A_684 = vector.broadcast %mul3A_683 : f32 to vector<16xf32>
        %mul3A_685 = arith.mulf %mul3A_684, %get3A_682 : vector<16xf32>
        %add3A_686 = arith.addf %add3A_650, %mul3A_685 : vector<16xf32>
        %get3A_687 = arith.index_cast %add3A_678 : i32 to index
        %get3A_688 = arith.constant 16 : index
        %get3A_689 = tpu.vector_load %arg9[%get3A_687, %get3A_688] {strides = array<i32>} : memref<512x64xf32, #tpu.memory_space<vmem>>, vector<1x16xf32>,
        %get3A_690 = vector.shape_cast %get3A_689 : vector<1x16xf32> to vector<16xf32>
        %mul3A_691 = arith.constant 1.000000e+00 : f32
        %mul3A_692 = vector.broadcast %mul3A_691 : f32 to vector<16xf32>
        %mul3A_693 = arith.mulf %mul3A_692, %get3A_690 : vector<16xf32>
        %add3A_694 = arith.addf %add3A_658, %mul3A_693 : vector<16xf32>
        %get3A_695 = arith.index_cast %add3A_678 : i32 to index
        %get3A_696 = arith.constant 32 : index
        %get3A_697 = tpu.vector_load %arg9[%get3A_695, %get3A_696] {strides = array<i32>} : memref<512x64xf32, #tpu.memory_space<vmem>>, vector<1x16xf32>,
        %get3A_698 = vector.shape_cast %get3A_697 : vector<1x16xf32> to vector<16xf32>
        %mul3A_699 = arith.constant 1.000000e+00 : f32
        %mul3A_700 = vector.broadcast %mul3A_699 : f32 to vector<16xf32>
        %mul3A_701 = arith.mulf %mul3A_700, %get3A_698 : vector<16xf32>
        %add3A_702 = arith.addf %add3A_666, %mul3A_701 : vector<16xf32>
        %get3A_703 = arith.index_cast %add3A_678 : i32 to index
        %get3A_704 = arith.constant 48 : index
        %get3A_705 = tpu.vector_load %arg9[%get3A_703, %get3A_704] {strides = array<i32>} : memref<512x64xf32, #tpu.memory_space<vmem>>, vector<1x16xf32>,
        %get3A_706 = vector.shape_cast %get3A_705 : vector<1x16xf32> to vector<16xf32>
        %mul3A_707 = arith.constant 1.000000e+00 : f32
        %mul3A_708 = vector.broadcast %mul3A_707 : f32 to vector<16xf32>
        %mul3A_709 = arith.mulf %mul3A_708, %get3A_706 : vector<16xf32>
        %add3A_710 = arith.addf %add3A_674, %mul3A_709 : vector<16xf32>
        %mul3A_711 = arith.constant 8 : i32
        %mul3A_712 = arith.muli %scan3A_526, %mul3A_711 : i32
        %add3A_713 = arith.constant 5 : i32
        %add3A_714 = arith.addi %mul3A_712, %add3A_713 : i32
        %get3A_715 = arith.index_cast %add3A_714 : i32 to index
        %get3A_716 = arith.constant 0 : index
        %get3A_717 = tpu.vector_load %arg9[%get3A_715, %get3A_716] {strides = array<i32>} : memref<512x64xf32, #tpu.memory_space<vmem>>, vector<1x16xf32>,
        %get3A_718 = vector.shape_cast %get3A_717 : vector<1x16xf32> to vector<16xf32>
        %mul3A_719 = arith.constant 1.000000e+00 : f32
        %mul3A_720 = vector.broadcast %mul3A_719 : f32 to vector<16xf32>
        %mul3A_721 = arith.mulf %mul3A_720, %get3A_718 : vector<16xf32>
        %add3A_722 = arith.addf %add3A_686, %mul3A_721 : vector<16xf32>
        %get3A_723 = arith.index_cast %add3A_714 : i32 to index
        %get3A_724 = arith.constant 16 : index
        %get3A_725 = tpu.vector_load %arg9[%get3A_723, %get3A_724] {strides = array<i32>} : memref<512x64xf32, #tpu.memory_space<vmem>>, vector<1x16xf32>,
        %get3A_726 = vector.shape_cast %get3A_725 : vector<1x16xf32> to vector<16xf32>
        %mul3A_727 = arith.constant 1.000000e+00 : f32
        %mul3A_728 = vector.broadcast %mul3A_727 : f32 to vector<16xf32>
        %mul3A_729 = arith.mulf %mul3A_728, %get3A_726 : vector<16xf32>
        %add3A_730 = arith.addf %add3A_694, %mul3A_729 : vector<16xf32>
        %get3A_731 = arith.index_cast %add3A_714 : i32 to index
        %get3A_732 = arith.constant 32 : index
        %get3A_733 = tpu.vector_load %arg9[%get3A_731, %get3A_732] {strides = array<i32>} : memref<512x64xf32, #tpu.memory_space<vmem>>, vector<1x16xf32>,
        %get3A_734 = vector.shape_cast %get3A_733 : vector<1x16xf32> to vector<16xf32>
        %mul3A_735 = arith.constant 1.000000e+00 : f32
        %mul3A_736 = vector.broadcast %mul3A_735 : f32 to vector<16xf32>
        %mul3A_737 = arith.mulf %mul3A_736, %get3A_734 : vector<16xf32>
        %add3A_738 = arith.addf %add3A_702, %mul3A_737 : vector<16xf32>
        %get3A_739 = arith.index_cast %add3A_714 : i32 to index
        %get3A_740 = arith.constant 48 : index
        %get3A_741 = tpu.vector_load %arg9[%get3A_739, %get3A_740] {strides = array<i32>} : memref<512x64xf32, #tpu.memory_space<vmem>>, vector<1x16xf32>,
        %get3A_742 = vector.shape_cast %get3A_741 : vector<1x16xf32> to vector<16xf32>
        %mul3A_743 = arith.constant 1.000000e+00 : f32
        %mul3A_744 = vector.broadcast %mul3A_743 : f32 to vector<16xf32>
        %mul3A_745 = arith.mulf %mul3A_744, %get3A_742 : vector<16xf32>
        %add3A_746 = arith.addf %add3A_710, %mul3A_745 : vector<16xf32>
        %mul3A_747 = arith.constant 8 : i32
        %mul3A_748 = arith.muli %scan3A_526, %mul3A_747 : i32
        %add3A_749 = arith.constant 6 : i32
        %add3A_750 = arith.addi %mul3A_748, %add3A_749 : i32
        %get3A_751 = arith.index_cast %add3A_750 : i32 to index
        %get3A_752 = arith.constant 0 : index
        %get3A_753 = tpu.vector_load %arg9[%get3A_751, %get3A_752] {strides = array<i32>} : memref<512x64xf32, #tpu.memory_space<vmem>>, vector<1x16xf32>,
        %get3A_754 = vector.shape_cast %get3A_753 : vector<1x16xf32> to vector<16xf32>
        %mul3A_755 = arith.constant 1.000000e+00 : f32
        %mul3A_756 = vector.broadcast %mul3A_755 : f32 to vector<16xf32>
        %mul3A_757 = arith.mulf %mul3A_756, %get3A_754 : vector<16xf32>
        %add3A_758 = arith.addf %add3A_722, %mul3A_757 : vector<16xf32>
        %get3A_759 = arith.index_cast %add3A_750 : i32 to index
        %get3A_760 = arith.constant 16 : index
        %get3A_761 = tpu.vector_load %arg9[%get3A_759, %get3A_760] {strides = array<i32>} : memref<512x64xf32, #tpu.memory_space<vmem>>, vector<1x16xf32>,
        %get3A_762 = vector.shape_cast %get3A_761 : vector<1x16xf32> to vector<16xf32>
        %mul3A_763 = arith.constant 1.000000e+00 : f32
        %mul3A_764 = vector.broadcast %mul3A_763 : f32 to vector<16xf32>
        %mul3A_765 = arith.mulf %mul3A_764, %get3A_762 : vector<16xf32>
        %add3A_766 = arith.addf %add3A_730, %mul3A_765 : vector<16xf32>
        %get3A_767 = arith.index_cast %add3A_750 : i32 to index
        %get3A_768 = arith.constant 32 : index
        %get3A_769 = tpu.vector_load %arg9[%get3A_767, %get3A_768] {strides = array<i32>} : memref<512x64xf32, #tpu.memory_space<vmem>>, vector<1x16xf32>,
        %get3A_770 = vector.shape_cast %get3A_769 : vector<1x16xf32> to vector<16xf32>
        %mul3A_771 = arith.constant 1.000000e+00 : f32
        %mul3A_772 = vector.broadcast %mul3A_771 : f32 to vector<16xf32>
        %mul3A_773 = arith.mulf %mul3A_772, %get3A_770 : vector<16xf32>
        %add3A_774 = arith.addf %add3A_738, %mul3A_773 : vector<16xf32>
        %get3A_775 = arith.index_cast %add3A_750 : i32 to index
        %get3A_776 = arith.constant 48 : index
        %get3A_777 = tpu.vector_load %arg9[%get3A_775, %get3A_776] {strides = array<i32>} : memref<512x64xf32, #tpu.memory_space<vmem>>, vector<1x16xf32>,
        %get3A_778 = vector.shape_cast %get3A_777 : vector<1x16xf32> to vector<16xf32>
        %mul3A_779 = arith.constant 1.000000e+00 : f32
        %mul3A_780 = vector.broadcast %mul3A_779 : f32 to vector<16xf32>
        %mul3A_781 = arith.mulf %mul3A_780, %get3A_778 : vector<16xf32>
        %add3A_782 = arith.addf %add3A_746, %mul3A_781 : vector<16xf32>
        %mul3A_783 = arith.constant 8 : i32
        %mul3A_784 = arith.muli %scan3A_526, %mul3A_783 : i32
        %add3A_785 = arith.constant 7 : i32
        %add3A_786 = arith.addi %mul3A_784, %add3A_785 : i32
        %get3A_787 = arith.index_cast %add3A_786 : i32 to index
        %get3A_788 = arith.constant 0 : index
        %get3A_789 = tpu.vector_load %arg9[%get3A_787, %get3A_788] {strides = array<i32>} : memref<512x64xf32, #tpu.memory_space<vmem>>, vector<1x16xf32>,
        %get3A_790 = vector.shape_cast %get3A_789 : vector<1x16xf32> to vector<16xf32>
        %mul3A_791 = arith.constant 1.000000e+00 : f32
        %mul3A_792 = vector.broadcast %mul3A_791 : f32 to vector<16xf32>
        %mul3A_793 = arith.mulf %mul3A_792, %get3A_790 : vector<16xf32>
        %add3A_794 = arith.addf %add3A_758, %mul3A_793 : vector<16xf32>
        %get3A_795 = arith.index_cast %add3A_786 : i32 to index
        %get3A_796 = arith.constant 16 : index
        %get3A_797 = tpu.vector_load %arg9[%get3A_795, %get3A_796] {strides = array<i32>} : memref<512x64xf32, #tpu.memory_space<vmem>>, vector<1x16xf32>,
        %get3A_798 = vector.shape_cast %get3A_797 : vector<1x16xf32> to vector<16xf32>
        %mul3A_799 = arith.constant 1.000000e+00 : f32
        %mul3A_800 = vector.broadcast %mul3A_799 : f32 to vector<16xf32>
        %mul3A_801 = arith.mulf %mul3A_800, %get3A_798 : vector<16xf32>
        %add3A_802 = arith.addf %add3A_766, %mul3A_801 : vector<16xf32>
        %get3A_803 = arith.index_cast %add3A_786 : i32 to index
        %get3A_804 = arith.constant 32 : index
        %get3A_805 = tpu.vector_load %arg9[%get3A_803, %get3A_804] {strides = array<i32>} : memref<512x64xf32, #tpu.memory_space<vmem>>, vector<1x16xf32>,
        %get3A_806 = vector.shape_cast %get3A_805 : vector<1x16xf32> to vector<16xf32>
        %mul3A_807 = arith.constant 1.000000e+00 : f32
        %mul3A_808 = vector.broadcast %mul3A_807 : f32 to vector<16xf32>
        %mul3A_809 = arith.mulf %mul3A_808, %get3A_806 : vector<16xf32>
        %add3A_810 = arith.addf %add3A_774, %mul3A_809 : vector<16xf32>
        %get3A_811 = arith.index_cast %add3A_786 : i32 to index
        %get3A_812 = arith.constant 48 : index
        %get3A_813 = tpu.vector_load %arg9[%get3A_811, %get3A_812] {strides = array<i32>} : memref<512x64xf32, #tpu.memory_space<vmem>>, vector<1x16xf32>,
        %get3A_814 = vector.shape_cast %get3A_813 : vector<1x16xf32> to vector<16xf32>
        %mul3A_815 = arith.constant 1.000000e+00 : f32
        %mul3A_816 = vector.broadcast %mul3A_815 : f32 to vector<16xf32>
        %mul3A_817 = arith.mulf %mul3A_816, %get3A_814 : vector<16xf32>
        %add3A_818 = arith.addf %add3A_782, %mul3A_817 : vector<16xf32>
        scf.yield %add3A_794, %add3A_802, %add3A_810, %add3A_818 : vector<16xf32>, vector<16xf32>, vector<16xf32>, vector<16xf32>
      }
      %scan3A_469 = arith.constant 64 : i32
      %mul3A_470 = arith.constant 2 : i32
      %mul3A_471 = arith.muli %mul3A_470, %scan3A_317 : i32
      %add3A_472 = arith.constant 3 : i32
      %add3A_473 = arith.addi %mul3A_471, %add3A_472 : i32
      %mul3A_474 = arith.constant 4 : i32
      %mul3A_475 = arith.muli %add3A_473, %mul3A_474 : i32
      %add3A_476 = arith.constant 0 : i32
      %add3A_477 = arith.addi %mul3A_475, %add3A_476 : i32
      %dma_start3A_478 = arith.constant 0 : i32
      %dma_start3A_479 = arith.constant 0 : i32
      %dma_start3A_480 = tpu.memref_slice %arg9[%dma_start3A_478, %dma_start3A_479] : memref<512x64xf32, #tpu.memory_space<vmem>> -> memref<128x64xf32, #tpu.memory_space<vmem>>
      %dma_start3A_481 = arith.constant 0 : i32
      %dma_start3A_482 = tpu.memref_slice %arg6[%add3A_477, %dma_start3A_481] : memref<200x128xi32, #tpu.memory_space<vmem>> -> memref<1x128xi32, #tpu.memory_space<vmem>>
      %dma_start3A_483 = tpu.memref_squeeze %dma_start3A_482 : memref<1x128xi32, #tpu.memory_space<vmem>> -> memref<128xi32, #tpu.memory_space<vmem>>
      %dma_start3A_484 = arith.constant 0 : i32
      %dma_start3A_485 = arith.constant 0 : i32
      %dma_start3A_486 = tpu.memref_slice %arg3[%dma_start3A_484, %dma_start3A_485] : memref<1000000x64xf32, #tpu.memory_space<hbm>> -> memref<1000000x64xf32, #tpu.memory_space<hbm>>
      tpu.enqueue_indirect_dma source(%dma_start3A_486 : memref<1000000x64xf32, #tpu.memory_space<hbm>>) target(%dma_start3A_480 : memref<128x64xf32, #tpu.memory_space<vmem>>) offsets(%dma_start3A_483 : memref<128xi32, #tpu.memory_space<vmem>>) semaphore(%arg12 : memref<!tpu.dma_semaphore, #tpu.memory_space<semaphore_mem>>)
      %mul3A_487 = arith.constant 4 : i32
      %mul3A_488 = arith.muli %add3A_473, %mul3A_487 : i32
      %add3A_489 = arith.constant 1 : i32
      %add3A_490 = arith.addi %mul3A_488, %add3A_489 : i32
      %dma_start3A_491 = arith.constant 128 : i32
      %dma_start3A_492 = arith.constant 0 : i32
      %dma_start3A_493 = tpu.memref_slice %arg9[%dma_start3A_491, %dma_start3A_492] : memref<512x64xf32, #tpu.memory_space<vmem>> -> memref<128x64xf32, #tpu.memory_space<vmem>>
      %dma_start3A_494 = arith.constant 0 : i32
      %dma_start3A_495 = tpu.memref_slice %arg6[%add3A_490, %dma_start3A_494] : memref<200x128xi32, #tpu.memory_space<vmem>> -> memref<1x128xi32, #tpu.memory_space<vmem>>
      %dma_start3A_496 = tpu.memref_squeeze %dma_start3A_495 : memref<1x128xi32, #tpu.memory_space<vmem>> -> memref<128xi32, #tpu.memory_space<vmem>>
      %dma_start3A_497 = arith.constant 0 : i32
      %dma_start3A_498 = arith.constant 0 : i32
      %dma_start3A_499 = tpu.memref_slice %arg3[%dma_start3A_497, %dma_start3A_498] : memref<1000000x64xf32, #tpu.memory_space<hbm>> -> memref<1000000x64xf32, #tpu.memory_space<hbm>>
      tpu.enqueue_indirect_dma source(%dma_start3A_499 : memref<1000000x64xf32, #tpu.memory_space<hbm>>) target(%dma_start3A_493 : memref<128x64xf32, #tpu.memory_space<vmem>>) offsets(%dma_start3A_496 : memref<128xi32, #tpu.memory_space<vmem>>) semaphore(%arg12 : memref<!tpu.dma_semaphore, #tpu.memory_space<semaphore_mem>>)
      %mul3A_500 = arith.constant 4 : i32
      %mul3A_501 = arith.muli %add3A_473, %mul3A_500 : i32
      %add3A_502 = arith.constant 2 : i32
      %add3A_503 = arith.addi %mul3A_501, %add3A_502 : i32
      %dma_start3A_504 = arith.constant 256 : i32
      %dma_start3A_505 = arith.constant 0 : i32
      %dma_start3A_506 = tpu.memref_slice %arg9[%dma_start3A_504, %dma_start3A_505] : memref<512x64xf32, #tpu.memory_space<vmem>> -> memref<128x64xf32, #tpu.memory_space<vmem>>
      %dma_start3A_507 = arith.constant 0 : i32
      %dma_start3A_508 = tpu.memref_slice %arg6[%add3A_503, %dma_start3A_507] : memref<200x128xi32, #tpu.memory_space<vmem>> -> memref<1x128xi32, #tpu.memory_space<vmem>>
      %dma_start3A_509 = tpu.memref_squeeze %dma_start3A_508 : memref<1x128xi32, #tpu.memory_space<vmem>> -> memref<128xi32, #tpu.memory_space<vmem>>
      %dma_start3A_510 = arith.constant 0 : i32
      %dma_start3A_511 = arith.constant 0 : i32
      %dma_start3A_512 = tpu.memref_slice %arg3[%dma_start3A_510, %dma_start3A_511] : memref<1000000x64xf32, #tpu.memory_space<hbm>> -> memref<1000000x64xf32, #tpu.memory_space<hbm>>
      tpu.enqueue_indirect_dma source(%dma_start3A_512 : memref<1000000x64xf32, #tpu.memory_space<hbm>>) target(%dma_start3A_506 : memref<128x64xf32, #tpu.memory_space<vmem>>) offsets(%dma_start3A_509 : memref<128xi32, #tpu.memory_space<vmem>>) semaphore(%arg12 : memref<!tpu.dma_semaphore, #tpu.memory_space<semaphore_mem>>)
      %mul3A_513 = arith.constant 4 : i32
      %mul3A_514 = arith.muli %add3A_473, %mul3A_513 : i32
      %add3A_515 = arith.constant 3 : i32
      %add3A_516 = arith.addi %mul3A_514, %add3A_515 : i32
      %dma_start3A_517 = arith.constant 384 : i32
      %dma_start3A_518 = arith.constant 0 : i32
      %dma_start3A_519 = tpu.memref_slice %arg9[%dma_start3A_517, %dma_start3A_518] : memref<512x64xf32, #tpu.memory_space<vmem>> -> memref<128x64xf32, #tpu.memory_space<vmem>>
      %dma_start3A_520 = arith.constant 0 : i32
      %dma_start3A_521 = tpu.memref_slice %arg6[%add3A_516, %dma_start3A_520] : memref<200x128xi32, #tpu.memory_space<vmem>> -> memref<1x128xi32, #tpu.memory_space<vmem>>
      %dma_start3A_522 = tpu.memref_squeeze %dma_start3A_521 : memref<1x128xi32, #tpu.memory_space<vmem>> -> memref<128xi32, #tpu.memory_space<vmem>>
      %dma_start3A_523 = arith.constant 0 : i32
      %dma_start3A_524 = arith.constant 0 : i32
      %dma_start3A_525 = tpu.memref_slice %arg3[%dma_start3A_523, %dma_start3A_524] : memref<1000000x64xf32, #tpu.memory_space<hbm>> -> memref<1000000x64xf32, #tpu.memory_space<hbm>>
      tpu.enqueue_indirect_dma source(%dma_start3A_525 : memref<1000000x64xf32, #tpu.memory_space<hbm>>) target(%dma_start3A_519 : memref<128x64xf32, #tpu.memory_space<vmem>>) offsets(%dma_start3A_522 : memref<128xi32, #tpu.memory_space<vmem>>) semaphore(%arg12 : memref<!tpu.dma_semaphore, #tpu.memory_space<semaphore_mem>>)
      scf.yield %scan3A_468#0, %scan3A_468#1, %scan3A_468#2, %scan3A_468#3 : vector<16xf32>, vector<16xf32>, vector<16xf32>, vector<16xf32>
    }
    %scan3A_209 = arith.constant 24 : i32
    %dma_wait3A_210 = arith.constant 0 : i32
    %dma_wait3A_211 = arith.constant 0 : i32
    %dma_wait3A_212 = arith.constant 0 : i32
    %dma_wait3A_213 = tpu.memref_slice %arg8[%dma_wait3A_211, %dma_wait3A_212] : memref<512x64xf32, #tpu.memory_space<vmem>> -> memref<128x64xf32, #tpu.memory_space<vmem>>
    %dma_wait3A_214 = arith.constant 0 : i32
    %dma_wait3A_215 = tpu.memref_slice %arg6[%dma_wait3A_210, %dma_wait3A_214] : memref<200x128xi32, #tpu.memory_space<vmem>> -> memref<1x128xi32, #tpu.memory_space<vmem>>
    %dma_wait3A_216 = tpu.memref_squeeze %dma_wait3A_215 : memref<1x128xi32, #tpu.memory_space<vmem>> -> memref<128xi32, #tpu.memory_space<vmem>>
    %dma_wait3A_217 = arith.constant 0 : i32
    %dma_wait3A_218 = arith.constant 0 : i32
    %dma_wait3A_219 = tpu.memref_slice %arg3[%dma_wait3A_217, %dma_wait3A_218] : memref<1000000x64xf32, #tpu.memory_space<hbm>> -> memref<1000000x64xf32, #tpu.memory_space<hbm>>
    tpu.wait_indirect_dma semaphore(%arg11 : memref<!tpu.dma_semaphore, #tpu.memory_space<semaphore_mem>>) src(%dma_wait3A_219 : memref<1000000x64xf32, #tpu.memory_space<hbm>>) dst(%dma_wait3A_213 : memref<128x64xf32, #tpu.memory_space<vmem>>)
    %dma_wait3A_220 = arith.constant 1 : i32
    %dma_wait3A_221 = arith.constant 128 : i32
    %dma_wait3A_222 = arith.constant 0 : i32
    %dma_wait3A_223 = tpu.memref_slice %arg8[%dma_wait3A_221, %dma_wait3A_222] : memref<512x64xf32, #tpu.memory_space<vmem>> -> memref<128x64xf32, #tpu.memory_space<vmem>>
    %dma_wait3A_224 = arith.constant 0 : i32
    %dma_wait3A_225 = tpu.memref_slice %arg6[%dma_wait3A_220, %dma_wait3A_224] : memref<200x128xi32, #tpu.memory_space<vmem>> -> memref<1x128xi32, #tpu.memory_space<vmem>>
    %dma_wait3A_226 = tpu.memref_squeeze %dma_wait3A_225 : memref<1x128xi32, #tpu.memory_space<vmem>> -> memref<128xi32, #tpu.memory_space<vmem>>
    %dma_wait3A_227 = arith.constant 0 : i32
    %dma_wait3A_228 = arith.constant 0 : i32
    %dma_wait3A_229 = tpu.memref_slice %arg3[%dma_wait3A_227, %dma_wait3A_228] : memref<1000000x64xf32, #tpu.memory_space<hbm>> -> memref<1000000x64xf32, #tpu.memory_space<hbm>>
    tpu.wait_indirect_dma semaphore(%arg11 : memref<!tpu.dma_semaphore, #tpu.memory_space<semaphore_mem>>) src(%dma_wait3A_229 : memref<1000000x64xf32, #tpu.memory_space<hbm>>) dst(%dma_wait3A_223 : memref<128x64xf32, #tpu.memory_space<vmem>>)
    %dma_wait3A_230 = arith.constant 2 : i32
    %dma_wait3A_231 = arith.constant 256 : i32
    %dma_wait3A_232 = arith.constant 0 : i32
    %dma_wait3A_233 = tpu.memref_slice %arg8[%dma_wait3A_231, %dma_wait3A_232] : memref<512x64xf32, #tpu.memory_space<vmem>> -> memref<128x64xf32, #tpu.memory_space<vmem>>
    %dma_wait3A_234 = arith.constant 0 : i32
    %dma_wait3A_235 = tpu.memref_slice %arg6[%dma_wait3A_230, %dma_wait3A_234] : memref<200x128xi32, #tpu.memory_space<vmem>> -> memref<1x128xi32, #tpu.memory_space<vmem>>
    %dma_wait3A_236 = tpu.memref_squeeze %dma_wait3A_235 : memref<1x128xi32, #tpu.memory_space<vmem>> -> memref<128xi32, #tpu.memory_space<vmem>>
    %dma_wait3A_237 = arith.constant 0 : i32
    %dma_wait3A_238 = arith.constant 0 : i32
    %dma_wait3A_239 = tpu.memref_slice %arg3[%dma_wait3A_237, %dma_wait3A_238] : memref<1000000x64xf32, #tpu.memory_space<hbm>> -> memref<1000000x64xf32, #tpu.memory_space<hbm>>
    tpu.wait_indirect_dma semaphore(%arg11 : memref<!tpu.dma_semaphore, #tpu.memory_space<semaphore_mem>>) src(%dma_wait3A_239 : memref<1000000x64xf32, #tpu.memory_space<hbm>>) dst(%dma_wait3A_233 : memref<128x64xf32, #tpu.memory_space<vmem>>)
    %dma_wait3A_240 = arith.constant 3 : i32
    %dma_wait3A_241 = arith.constant 384 : i32
    %dma_wait3A_242 = arith.constant 0 : i32
    %dma_wait3A_243 = tpu.memref_slice %arg8[%dma_wait3A_241, %dma_wait3A_242] : memref<512x64xf32, #tpu.memory_space<vmem>> -> memref<128x64xf32, #tpu.memory_space<vmem>>
    %dma_wait3A_244 = arith.constant 0 : i32
    %dma_wait3A_245 = tpu.memref_slice %arg6[%dma_wait3A_240, %dma_wait3A_244] : memref<200x128xi32, #tpu.memory_space<vmem>> -> memref<1x128xi32, #tpu.memory_space<vmem>>
    %dma_wait3A_246 = tpu.memref_squeeze %dma_wait3A_245 : memref<1x128xi32, #tpu.memory_space<vmem>> -> memref<128xi32, #tpu.memory_space<vmem>>
    %dma_wait3A_247 = arith.constant 0 : i32
    %dma_wait3A_248 = arith.constant 0 : i32
    %dma_wait3A_249 = tpu.memref_slice %arg3[%dma_wait3A_247, %dma_wait3A_248] : memref<1000000x64xf32, #tpu.memory_space<hbm>> -> memref<1000000x64xf32, #tpu.memory_space<hbm>>
    tpu.wait_indirect_dma semaphore(%arg11 : memref<!tpu.dma_semaphore, #tpu.memory_space<semaphore_mem>>) src(%dma_wait3A_249 : memref<1000000x64xf32, #tpu.memory_space<hbm>>) dst(%dma_wait3A_243 : memref<128x64xf32, #tpu.memory_space<vmem>>)
    %scan3A_250 = arith.constant 0 : i32
    %scan3A_251 = arith.constant 64 : i32
    %scan3A_252 = arith.addi %scan3A_250, %scan3A_251 : i32
    %scan3A_253 = arith.constant 1 : i32
    %scan3A_254:4 = scf.for %scan3A_317 = %scan3A_250 to %scan3A_252 step %scan3A_253 iter_args(%scan3A_318 = %scan3A_208#0, %scan3A_319 = %scan3A_208#1, %scan3A_320 = %scan3A_208#2, %scan3A_321 = %scan3A_208#3) -> (vector<16xf32>, vector<16xf32>, vector<16xf32>, vector<16xf32>)  : i32 {
      %mul3A_322 = arith.constant 8 : i32
      %mul3A_323 = arith.muli %scan3A_317, %mul3A_322 : i32
      %add3A_324 = arith.constant 0 : i32
      %add3A_325 = arith.addi %mul3A_323, %add3A_324 : i32
      %get3A_326 = arith.index_cast %add3A_325 : i32 to index
      %get3A_327 = arith.constant 0 : index
      %get3A_328 = tpu.vector_load %arg8[%get3A_326, %get3A_327] {strides = array<i32>} : memref<512x64xf32, #tpu.memory_space<vmem>>, vector<1x16xf32>,
      %get3A_329 = vector.shape_cast %get3A_328 : vector<1x16xf32> to vector<16xf32>
      %mul3A_330 = arith.constant 1.000000e+00 : f32
      %mul3A_331 = vector.broadcast %mul3A_330 : f32 to vector<16xf32>
      %mul3A_332 = arith.mulf %mul3A_331, %get3A_329 : vector<16xf32>
      %add3A_333 = arith.addf %scan3A_318, %mul3A_332 : vector<16xf32>
      %get3A_334 = arith.index_cast %add3A_325 : i32 to index
      %get3A_335 = arith.constant 16 : index
      %get3A_336 = tpu.vector_load %arg8[%get3A_334, %get3A_335] {strides = array<i32>} : memref<512x64xf32, #tpu.memory_space<vmem>>, vector<1x16xf32>,
      %get3A_337 = vector.shape_cast %get3A_336 : vector<1x16xf32> to vector<16xf32>
      %mul3A_338 = arith.constant 1.000000e+00 : f32
      %mul3A_339 = vector.broadcast %mul3A_338 : f32 to vector<16xf32>
      %mul3A_340 = arith.mulf %mul3A_339, %get3A_337 : vector<16xf32>
      %add3A_341 = arith.addf %scan3A_319, %mul3A_340 : vector<16xf32>
      %get3A_342 = arith.index_cast %add3A_325 : i32 to index
      %get3A_343 = arith.constant 32 : index
      %get3A_344 = tpu.vector_load %arg8[%get3A_342, %get3A_343] {strides = array<i32>} : memref<512x64xf32, #tpu.memory_space<vmem>>, vector<1x16xf32>,
      %get3A_345 = vector.shape_cast %get3A_344 : vector<1x16xf32> to vector<16xf32>
      %mul3A_346 = arith.constant 1.000000e+00 : f32
      %mul3A_347 = vector.broadcast %mul3A_346 : f32 to vector<16xf32>
      %mul3A_348 = arith.mulf %mul3A_347, %get3A_345 : vector<16xf32>
      %add3A_349 = arith.addf %scan3A_320, %mul3A_348 : vector<16xf32>
      %get3A_350 = arith.index_cast %add3A_325 : i32 to index
      %get3A_351 = arith.constant 48 : index
      %get3A_352 = tpu.vector_load %arg8[%get3A_350, %get3A_351] {strides = array<i32>} : memref<512x64xf32, #tpu.memory_space<vmem>>, vector<1x16xf32>,
      %get3A_353 = vector.shape_cast %get3A_352 : vector<1x16xf32> to vector<16xf32>
      %mul3A_354 = arith.constant 1.000000e+00 : f32
      %mul3A_355 = vector.broadcast %mul3A_354 : f32 to vector<16xf32>
      %mul3A_356 = arith.mulf %mul3A_355, %get3A_353 : vector<16xf32>
      %add3A_357 = arith.addf %scan3A_321, %mul3A_356 : vector<16xf32>
      %mul3A_358 = arith.constant 8 : i32
      %mul3A_359 = arith.muli %scan3A_317, %mul3A_358 : i32
      %add3A_360 = arith.constant 1 : i32
      %add3A_361 = arith.addi %mul3A_359, %add3A_360 : i32
      %get3A_362 = arith.index_cast %add3A_361 : i32 to index
      %get3A_363 = arith.constant 0 : index
      %get3A_364 = tpu.vector_load %arg8[%get3A_362, %get3A_363] {strides = array<i32>} : memref<512x64xf32, #tpu.memory_space<vmem>>, vector<1x16xf32>,
      %get3A_365 = vector.shape_cast %get3A_364 : vector<1x16xf32> to vector<16xf32>
      %mul3A_366 = arith.constant 1.000000e+00 : f32
      %mul3A_367 = vector.broadcast %mul3A_366 : f32 to vector<16xf32>
      %mul3A_368 = arith.mulf %mul3A_367, %get3A_365 : vector<16xf32>
      %add3A_369 = arith.addf %add3A_333, %mul3A_368 : vector<16xf32>
      %get3A_370 = arith.index_cast %add3A_361 : i32 to index
      %get3A_371 = arith.constant 16 : index
      %get3A_372 = tpu.vector_load %arg8[%get3A_370, %get3A_371] {strides = array<i32>} : memref<512x64xf32, #tpu.memory_space<vmem>>, vector<1x16xf32>,
      %get3A_373 = vector.shape_cast %get3A_372 : vector<1x16xf32> to vector<16xf32>
      %mul3A_374 = arith.constant 1.000000e+00 : f32
      %mul3A_375 = vector.broadcast %mul3A_374 : f32 to vector<16xf32>
      %mul3A_376 = arith.mulf %mul3A_375, %get3A_373 : vector<16xf32>
      %add3A_377 = arith.addf %add3A_341, %mul3A_376 : vector<16xf32>
      %get3A_378 = arith.index_cast %add3A_361 : i32 to index
      %get3A_379 = arith.constant 32 : index
      %get3A_380 = tpu.vector_load %arg8[%get3A_378, %get3A_379] {strides = array<i32>} : memref<512x64xf32, #tpu.memory_space<vmem>>, vector<1x16xf32>,
      %get3A_381 = vector.shape_cast %get3A_380 : vector<1x16xf32> to vector<16xf32>
      %mul3A_382 = arith.constant 1.000000e+00 : f32
      %mul3A_383 = vector.broadcast %mul3A_382 : f32 to vector<16xf32>
      %mul3A_384 = arith.mulf %mul3A_383, %get3A_381 : vector<16xf32>
      %add3A_385 = arith.addf %add3A_349, %mul3A_384 : vector<16xf32>
      %get3A_386 = arith.index_cast %add3A_361 : i32 to index
      %get3A_387 = arith.constant 48 : index
      %get3A_388 = tpu.vector_load %arg8[%get3A_386, %get3A_387] {strides = array<i32>} : memref<512x64xf32, #tpu.memory_space<vmem>>, vector<1x16xf32>,
      %get3A_389 = vector.shape_cast %get3A_388 : vector<1x16xf32> to vector<16xf32>
      %mul3A_390 = arith.constant 1.000000e+00 : f32
      %mul3A_391 = vector.broadcast %mul3A_390 : f32 to vector<16xf32>
      %mul3A_392 = arith.mulf %mul3A_391, %get3A_389 : vector<16xf32>
      %add3A_393 = arith.addf %add3A_357, %mul3A_392 : vector<16xf32>
      %mul3A_394 = arith.constant 8 : i32
      %mul3A_395 = arith.muli %scan3A_317, %mul3A_394 : i32
      %add3A_396 = arith.constant 2 : i32
      %add3A_397 = arith.addi %mul3A_395, %add3A_396 : i32
      %get3A_398 = arith.index_cast %add3A_397 : i32 to index
      %get3A_399 = arith.constant 0 : index
      %get3A_400 = tpu.vector_load %arg8[%get3A_398, %get3A_399] {strides = array<i32>} : memref<512x64xf32, #tpu.memory_space<vmem>>, vector<1x16xf32>,
      %get3A_401 = vector.shape_cast %get3A_400 : vector<1x16xf32> to vector<16xf32>
      %mul3A_402 = arith.constant 1.000000e+00 : f32
      %mul3A_403 = vector.broadcast %mul3A_402 : f32 to vector<16xf32>
      %mul3A_404 = arith.mulf %mul3A_403, %get3A_401 : vector<16xf32>
      %add3A_405 = arith.addf %add3A_369, %mul3A_404 : vector<16xf32>
      %get3A_406 = arith.index_cast %add3A_397 : i32 to index
      %get3A_407 = arith.constant 16 : index
      %get3A_408 = tpu.vector_load %arg8[%get3A_406, %get3A_407] {strides = array<i32>} : memref<512x64xf32, #tpu.memory_space<vmem>>, vector<1x16xf32>,
      %get3A_409 = vector.shape_cast %get3A_408 : vector<1x16xf32> to vector<16xf32>
      %mul3A_410 = arith.constant 1.000000e+00 : f32
      %mul3A_411 = vector.broadcast %mul3A_410 : f32 to vector<16xf32>
      %mul3A_412 = arith.mulf %mul3A_411, %get3A_409 : vector<16xf32>
      %add3A_413 = arith.addf %add3A_377, %mul3A_412 : vector<16xf32>
      %get3A_414 = arith.index_cast %add3A_397 : i32 to index
      %get3A_415 = arith.constant 32 : index
      %get3A_416 = tpu.vector_load %arg8[%get3A_414, %get3A_415] {strides = array<i32>} : memref<512x64xf32, #tpu.memory_space<vmem>>, vector<1x16xf32>,
      %get3A_417 = vector.shape_cast %get3A_416 : vector<1x16xf32> to vector<16xf32>
      %mul3A_418 = arith.constant 1.000000e+00 : f32
      %mul3A_419 = vector.broadcast %mul3A_418 : f32 to vector<16xf32>
      %mul3A_420 = arith.mulf %mul3A_419, %get3A_417 : vector<16xf32>
      %add3A_421 = arith.addf %add3A_385, %mul3A_420 : vector<16xf32>
      %get3A_422 = arith.index_cast %add3A_397 : i32 to index
      %get3A_423 = arith.constant 48 : index
      %get3A_424 = tpu.vector_load %arg8[%get3A_422, %get3A_423] {strides = array<i32>} : memref<512x64xf32, #tpu.memory_space<vmem>>, vector<1x16xf32>,
      %get3A_425 = vector.shape_cast %get3A_424 : vector<1x16xf32> to vector<16xf32>
      %mul3A_426 = arith.constant 1.000000e+00 : f32
      %mul3A_427 = vector.broadcast %mul3A_426 : f32 to vector<16xf32>
      %mul3A_428 = arith.mulf %mul3A_427, %get3A_425 : vector<16xf32>
      %add3A_429 = arith.addf %add3A_393, %mul3A_428 : vector<16xf32>
      %mul3A_430 = arith.constant 8 : i32
      %mul3A_431 = arith.muli %scan3A_317, %mul3A_430 : i32
      %add3A_432 = arith.constant 3 : i32
      %add3A_433 = arith.addi %mul3A_431, %add3A_432 : i32
      %get3A_434 = arith.index_cast %add3A_433 : i32 to index
      %get3A_435 = arith.constant 0 : index
      %get3A_436 = tpu.vector_load %arg8[%get3A_434, %get3A_435] {strides = array<i32>} : memref<512x64xf32, #tpu.memory_space<vmem>>, vector<1x16xf32>,
      %get3A_437 = vector.shape_cast %get3A_436 : vector<1x16xf32> to vector<16xf32>
      %mul3A_438 = arith.constant 1.000000e+00 : f32
      %mul3A_439 = vector.broadcast %mul3A_438 : f32 to vector<16xf32>
      %mul3A_440 = arith.mulf %mul3A_439, %get3A_437 : vector<16xf32>
      %add3A_441 = arith.addf %add3A_405, %mul3A_440 : vector<16xf32>
      %get3A_442 = arith.index_cast %add3A_433 : i32 to index
      %get3A_443 = arith.constant 16 : index
      %get3A_444 = tpu.vector_load %arg8[%get3A_442, %get3A_443] {strides = array<i32>} : memref<512x64xf32, #tpu.memory_space<vmem>>, vector<1x16xf32>,
      %get3A_445 = vector.shape_cast %get3A_444 : vector<1x16xf32> to vector<16xf32>
      %mul3A_446 = arith.constant 1.000000e+00 : f32
      %mul3A_447 = vector.broadcast %mul3A_446 : f32 to vector<16xf32>
      %mul3A_448 = arith.mulf %mul3A_447, %get3A_445 : vector<16xf32>
      %add3A_449 = arith.addf %add3A_413, %mul3A_448 : vector<16xf32>
      %get3A_450 = arith.index_cast %add3A_433 : i32 to index
      %get3A_451 = arith.constant 32 : index
      %get3A_452 = tpu.vector_load %arg8[%get3A_450, %get3A_451] {strides = array<i32>} : memref<512x64xf32, #tpu.memory_space<vmem>>, vector<1x16xf32>,
      %get3A_453 = vector.shape_cast %get3A_452 : vector<1x16xf32> to vector<16xf32>
      %mul3A_454 = arith.constant 1.000000e+00 : f32
      %mul3A_455 = vector.broadcast %mul3A_454 : f32 to vector<16xf32>
      %mul3A_456 = arith.mulf %mul3A_455, %get3A_453 : vector<16xf32>
      %add3A_457 = arith.addf %add3A_421, %mul3A_456 : vector<16xf32>
      %get3A_458 = arith.index_cast %add3A_433 : i32 to index
      %get3A_459 = arith.constant 48 : index
      %get3A_460 = tpu.vector_load %arg8[%get3A_458, %get3A_459] {strides = array<i32>} : memref<512x64xf32, #tpu.memory_space<vmem>>, vector<1x16xf32>,
      %get3A_461 = vector.shape_cast %get3A_460 : vector<1x16xf32> to vector<16xf32>
      %mul3A_462 = arith.constant 1.000000e+00 : f32
      %mul3A_463 = vector.broadcast %mul3A_462 : f32 to vector<16xf32>
      %mul3A_464 = arith.mulf %mul3A_463, %get3A_461 : vector<16xf32>
      %add3A_465 = arith.addf %add3A_429, %mul3A_464 : vector<16xf32>
      %mul3A_466 = arith.constant 8 : i32
      %mul3A_467 = arith.muli %scan3A_317, %mul3A_466 : i32
      %add3A_468 = arith.constant 4 : i32
      %add3A_469 = arith.addi %mul3A_467, %add3A_468 : i32
      %get3A_470 = arith.index_cast %add3A_469 : i32 to index
      %get3A_471 = arith.constant 0 : index
      %get3A_472 = tpu.vector_load %arg8[%get3A_470, %get3A_471] {strides = array<i32>} : memref<512x64xf32, #tpu.memory_space<vmem>>, vector<1x16xf32>,
      %get3A_473 = vector.shape_cast %get3A_472 : vector<1x16xf32> to vector<16xf32>
      %mul3A_474 = arith.constant 1.000000e+00 : f32
      %mul3A_475 = vector.broadcast %mul3A_474 : f32 to vector<16xf32>
      %mul3A_476 = arith.mulf %mul3A_475, %get3A_473 : vector<16xf32>
      %add3A_477 = arith.addf %add3A_441, %mul3A_476 : vector<16xf32>
      %get3A_478 = arith.index_cast %add3A_469 : i32 to index
      %get3A_479 = arith.constant 16 : index
      %get3A_480 = tpu.vector_load %arg8[%get3A_478, %get3A_479] {strides = array<i32>} : memref<512x64xf32, #tpu.memory_space<vmem>>, vector<1x16xf32>,
      %get3A_481 = vector.shape_cast %get3A_480 : vector<1x16xf32> to vector<16xf32>
      %mul3A_482 = arith.constant 1.000000e+00 : f32
      %mul3A_483 = vector.broadcast %mul3A_482 : f32 to vector<16xf32>
      %mul3A_484 = arith.mulf %mul3A_483, %get3A_481 : vector<16xf32>
      %add3A_485 = arith.addf %add3A_449, %mul3A_484 : vector<16xf32>
      %get3A_486 = arith.index_cast %add3A_469 : i32 to index
      %get3A_487 = arith.constant 32 : index
      %get3A_488 = tpu.vector_load %arg8[%get3A_486, %get3A_487] {strides = array<i32>} : memref<512x64xf32, #tpu.memory_space<vmem>>, vector<1x16xf32>,
      %get3A_489 = vector.shape_cast %get3A_488 : vector<1x16xf32> to vector<16xf32>
      %mul3A_490 = arith.constant 1.000000e+00 : f32
      %mul3A_491 = vector.broadcast %mul3A_490 : f32 to vector<16xf32>
      %mul3A_492 = arith.mulf %mul3A_491, %get3A_489 : vector<16xf32>
      %add3A_493 = arith.addf %add3A_457, %mul3A_492 : vector<16xf32>
      %get3A_494 = arith.index_cast %add3A_469 : i32 to index
      %get3A_495 = arith.constant 48 : index
      %get3A_496 = tpu.vector_load %arg8[%get3A_494, %get3A_495] {strides = array<i32>} : memref<512x64xf32, #tpu.memory_space<vmem>>, vector<1x16xf32>,
      %get3A_497 = vector.shape_cast %get3A_496 : vector<1x16xf32> to vector<16xf32>
      %mul3A_498 = arith.constant 1.000000e+00 : f32
      %mul3A_499 = vector.broadcast %mul3A_498 : f32 to vector<16xf32>
      %mul3A_500 = arith.mulf %mul3A_499, %get3A_497 : vector<16xf32>
      %add3A_501 = arith.addf %add3A_465, %mul3A_500 : vector<16xf32>
      %mul3A_502 = arith.constant 8 : i32
      %mul3A_503 = arith.muli %scan3A_317, %mul3A_502 : i32
      %add3A_504 = arith.constant 5 : i32
      %add3A_505 = arith.addi %mul3A_503, %add3A_504 : i32
      %get3A_506 = arith.index_cast %add3A_505 : i32 to index
      %get3A_507 = arith.constant 0 : index
      %get3A_508 = tpu.vector_load %arg8[%get3A_506, %get3A_507] {strides = array<i32>} : memref<512x64xf32, #tpu.memory_space<vmem>>, vector<1x16xf32>,
      %get3A_509 = vector.shape_cast %get3A_508 : vector<1x16xf32> to vector<16xf32>
      %mul3A_510 = arith.constant 1.000000e+00 : f32
      %mul3A_511 = vector.broadcast %mul3A_510 : f32 to vector<16xf32>
      %mul3A_512 = arith.mulf %mul3A_511, %get3A_509 : vector<16xf32>
      %add3A_513 = arith.addf %add3A_477, %mul3A_512 : vector<16xf32>
      %get3A_514 = arith.index_cast %add3A_505 : i32 to index
      %get3A_515 = arith.constant 16 : index
      %get3A_516 = tpu.vector_load %arg8[%get3A_514, %get3A_515] {strides = array<i32>} : memref<512x64xf32, #tpu.memory_space<vmem>>, vector<1x16xf32>,
      %get3A_517 = vector.shape_cast %get3A_516 : vector<1x16xf32> to vector<16xf32>
      %mul3A_518 = arith.constant 1.000000e+00 : f32
      %mul3A_519 = vector.broadcast %mul3A_518 : f32 to vector<16xf32>
      %mul3A_520 = arith.mulf %mul3A_519, %get3A_517 : vector<16xf32>
      %add3A_521 = arith.addf %add3A_485, %mul3A_520 : vector<16xf32>
      %get3A_522 = arith.index_cast %add3A_505 : i32 to index
      %get3A_523 = arith.constant 32 : index
      %get3A_524 = tpu.vector_load %arg8[%get3A_522, %get3A_523] {strides = array<i32>} : memref<512x64xf32, #tpu.memory_space<vmem>>, vector<1x16xf32>,
      %get3A_525 = vector.shape_cast %get3A_524 : vector<1x16xf32> to vector<16xf32>
      %mul3A_526 = arith.constant 1.000000e+00 : f32
      %mul3A_527 = vector.broadcast %mul3A_526 : f32 to vector<16xf32>
      %mul3A_528 = arith.mulf %mul3A_527, %get3A_525 : vector<16xf32>
      %add3A_529 = arith.addf %add3A_493, %mul3A_528 : vector<16xf32>
      %get3A_530 = arith.index_cast %add3A_505 : i32 to index
      %get3A_531 = arith.constant 48 : index
      %get3A_532 = tpu.vector_load %arg8[%get3A_530, %get3A_531] {strides = array<i32>} : memref<512x64xf32, #tpu.memory_space<vmem>>, vector<1x16xf32>,
      %get3A_533 = vector.shape_cast %get3A_532 : vector<1x16xf32> to vector<16xf32>
      %mul3A_534 = arith.constant 1.000000e+00 : f32
      %mul3A_535 = vector.broadcast %mul3A_534 : f32 to vector<16xf32>
      %mul3A_536 = arith.mulf %mul3A_535, %get3A_533 : vector<16xf32>
      %add3A_537 = arith.addf %add3A_501, %mul3A_536 : vector<16xf32>
      %mul3A_538 = arith.constant 8 : i32
      %mul3A_539 = arith.muli %scan3A_317, %mul3A_538 : i32
      %add3A_540 = arith.constant 6 : i32
      %add3A_541 = arith.addi %mul3A_539, %add3A_540 : i32
      %get3A_542 = arith.index_cast %add3A_541 : i32 to index
      %get3A_543 = arith.constant 0 : index
      %get3A_544 = tpu.vector_load %arg8[%get3A_542, %get3A_543] {strides = array<i32>} : memref<512x64xf32, #tpu.memory_space<vmem>>, vector<1x16xf32>,
      %get3A_545 = vector.shape_cast %get3A_544 : vector<1x16xf32> to vector<16xf32>
      %mul3A_546 = arith.constant 1.000000e+00 : f32
      %mul3A_547 = vector.broadcast %mul3A_546 : f32 to vector<16xf32>
      %mul3A_548 = arith.mulf %mul3A_547, %get3A_545 : vector<16xf32>
      %add3A_549 = arith.addf %add3A_513, %mul3A_548 : vector<16xf32>
      %get3A_550 = arith.index_cast %add3A_541 : i32 to index
      %get3A_551 = arith.constant 16 : index
      %get3A_552 = tpu.vector_load %arg8[%get3A_550, %get3A_551] {strides = array<i32>} : memref<512x64xf32, #tpu.memory_space<vmem>>, vector<1x16xf32>,
      %get3A_553 = vector.shape_cast %get3A_552 : vector<1x16xf32> to vector<16xf32>
      %mul3A_554 = arith.constant 1.000000e+00 : f32
      %mul3A_555 = vector.broadcast %mul3A_554 : f32 to vector<16xf32>
      %mul3A_556 = arith.mulf %mul3A_555, %get3A_553 : vector<16xf32>
      %add3A_557 = arith.addf %add3A_521, %mul3A_556 : vector<16xf32>
      %get3A_558 = arith.index_cast %add3A_541 : i32 to index
      %get3A_559 = arith.constant 32 : index
      %get3A_560 = tpu.vector_load %arg8[%get3A_558, %get3A_559] {strides = array<i32>} : memref<512x64xf32, #tpu.memory_space<vmem>>, vector<1x16xf32>,
      %get3A_561 = vector.shape_cast %get3A_560 : vector<1x16xf32> to vector<16xf32>
      %mul3A_562 = arith.constant 1.000000e+00 : f32
      %mul3A_563 = vector.broadcast %mul3A_562 : f32 to vector<16xf32>
      %mul3A_564 = arith.mulf %mul3A_563, %get3A_561 : vector<16xf32>
      %add3A_565 = arith.addf %add3A_529, %mul3A_564 : vector<16xf32>
      %get3A_566 = arith.index_cast %add3A_541 : i32 to index
      %get3A_567 = arith.constant 48 : index
      %get3A_568 = tpu.vector_load %arg8[%get3A_566, %get3A_567] {strides = array<i32>} : memref<512x64xf32, #tpu.memory_space<vmem>>, vector<1x16xf32>,
      %get3A_569 = vector.shape_cast %get3A_568 : vector<1x16xf32> to vector<16xf32>
      %mul3A_570 = arith.constant 1.000000e+00 : f32
      %mul3A_571 = vector.broadcast %mul3A_570 : f32 to vector<16xf32>
      %mul3A_572 = arith.mulf %mul3A_571, %get3A_569 : vector<16xf32>
      %add3A_573 = arith.addf %add3A_537, %mul3A_572 : vector<16xf32>
      %mul3A_574 = arith.constant 8 : i32
      %mul3A_575 = arith.muli %scan3A_317, %mul3A_574 : i32
      %add3A_576 = arith.constant 7 : i32
      %add3A_577 = arith.addi %mul3A_575, %add3A_576 : i32
      %get3A_578 = arith.index_cast %add3A_577 : i32 to index
      %get3A_579 = arith.constant 0 : index
      %get3A_580 = tpu.vector_load %arg8[%get3A_578, %get3A_579] {strides = array<i32>} : memref<512x64xf32, #tpu.memory_space<vmem>>, vector<1x16xf32>,
      %get3A_581 = vector.shape_cast %get3A_580 : vector<1x16xf32> to vector<16xf32>
      %mul3A_582 = arith.constant 1.000000e+00 : f32
      %mul3A_583 = vector.broadcast %mul3A_582 : f32 to vector<16xf32>
      %mul3A_584 = arith.mulf %mul3A_583, %get3A_581 : vector<16xf32>
      %add3A_585 = arith.addf %add3A_549, %mul3A_584 : vector<16xf32>
      %get3A_586 = arith.index_cast %add3A_577 : i32 to index
      %get3A_587 = arith.constant 16 : index
      %get3A_588 = tpu.vector_load %arg8[%get3A_586, %get3A_587] {strides = array<i32>} : memref<512x64xf32, #tpu.memory_space<vmem>>, vector<1x16xf32>,
      %get3A_589 = vector.shape_cast %get3A_588 : vector<1x16xf32> to vector<16xf32>
      %mul3A_590 = arith.constant 1.000000e+00 : f32
      %mul3A_591 = vector.broadcast %mul3A_590 : f32 to vector<16xf32>
      %mul3A_592 = arith.mulf %mul3A_591, %get3A_589 : vector<16xf32>
      %add3A_593 = arith.addf %add3A_557, %mul3A_592 : vector<16xf32>
      %get3A_594 = arith.index_cast %add3A_577 : i32 to index
      %get3A_595 = arith.constant 32 : index
      %get3A_596 = tpu.vector_load %arg8[%get3A_594, %get3A_595] {strides = array<i32>} : memref<512x64xf32, #tpu.memory_space<vmem>>, vector<1x16xf32>,
      %get3A_597 = vector.shape_cast %get3A_596 : vector<1x16xf32> to vector<16xf32>
      %mul3A_598 = arith.constant 1.000000e+00 : f32
      %mul3A_599 = vector.broadcast %mul3A_598 : f32 to vector<16xf32>
      %mul3A_600 = arith.mulf %mul3A_599, %get3A_597 : vector<16xf32>
      %add3A_601 = arith.addf %add3A_565, %mul3A_600 : vector<16xf32>
      %get3A_602 = arith.index_cast %add3A_577 : i32 to index
      %get3A_603 = arith.constant 48 : index
      %get3A_604 = tpu.vector_load %arg8[%get3A_602, %get3A_603] {strides = array<i32>} : memref<512x64xf32, #tpu.memory_space<vmem>>, vector<1x16xf32>,
      %get3A_605 = vector.shape_cast %get3A_604 : vector<1x16xf32> to vector<16xf32>
      %mul3A_606 = arith.constant 1.000000e+00 : f32
      %mul3A_607 = vector.broadcast %mul3A_606 : f32 to vector<16xf32>
      %mul3A_608 = arith.mulf %mul3A_607, %get3A_605 : vector<16xf32>
      %add3A_609 = arith.addf %add3A_573, %mul3A_608 : vector<16xf32>
      scf.yield %add3A_585, %add3A_593, %add3A_601, %add3A_609 : vector<16xf32>, vector<16xf32>, vector<16xf32>, vector<16xf32>
    }
    %scan3A_255 = arith.constant 64 : i32
    %dma_wait3A_256 = arith.constant 0 : i32
    %dma_wait3A_257 = arith.constant 0 : i32
    %dma_wait3A_258 = arith.constant 0 : i32
    %dma_wait3A_259 = tpu.memref_slice %arg9[%dma_wait3A_257, %dma_wait3A_258] : memref<512x64xf32, #tpu.memory_space<vmem>> -> memref<128x64xf32, #tpu.memory_space<vmem>>
    %dma_wait3A_260 = arith.constant 0 : i32
    %dma_wait3A_261 = tpu.memref_slice %arg6[%dma_wait3A_256, %dma_wait3A_260] : memref<200x128xi32, #tpu.memory_space<vmem>> -> memref<1x128xi32, #tpu.memory_space<vmem>>
    %dma_wait3A_262 = tpu.memref_squeeze %dma_wait3A_261 : memref<1x128xi32, #tpu.memory_space<vmem>> -> memref<128xi32, #tpu.memory_space<vmem>>
    %dma_wait3A_263 = arith.constant 0 : i32
    %dma_wait3A_264 = arith.constant 0 : i32
    %dma_wait3A_265 = tpu.memref_slice %arg3[%dma_wait3A_263, %dma_wait3A_264] : memref<1000000x64xf32, #tpu.memory_space<hbm>> -> memref<1000000x64xf32, #tpu.memory_space<hbm>>
    tpu.wait_indirect_dma semaphore(%arg12 : memref<!tpu.dma_semaphore, #tpu.memory_space<semaphore_mem>>) src(%dma_wait3A_265 : memref<1000000x64xf32, #tpu.memory_space<hbm>>) dst(%dma_wait3A_259 : memref<128x64xf32, #tpu.memory_space<vmem>>)
    %dma_wait3A_266 = arith.constant 1 : i32
    %dma_wait3A_267 = arith.constant 128 : i32
    %dma_wait3A_268 = arith.constant 0 : i32
    %dma_wait3A_269 = tpu.memref_slice %arg9[%dma_wait3A_267, %dma_wait3A_268] : memref<512x64xf32, #tpu.memory_space<vmem>> -> memref<128x64xf32, #tpu.memory_space<vmem>>
    %dma_wait3A_270 = arith.constant 0 : i32
    %dma_wait3A_271 = tpu.memref_slice %arg6[%dma_wait3A_266, %dma_wait3A_270] : memref<200x128xi32, #tpu.memory_space<vmem>> -> memref<1x128xi32, #tpu.memory_space<vmem>>
    %dma_wait3A_272 = tpu.memref_squeeze %dma_wait3A_271 : memref<1x128xi32, #tpu.memory_space<vmem>> -> memref<128xi32, #tpu.memory_space<vmem>>
    %dma_wait3A_273 = arith.constant 0 : i32
    %dma_wait3A_274 = arith.constant 0 : i32
    %dma_wait3A_275 = tpu.memref_slice %arg3[%dma_wait3A_273, %dma_wait3A_274] : memref<1000000x64xf32, #tpu.memory_space<hbm>> -> memref<1000000x64xf32, #tpu.memory_space<hbm>>
    tpu.wait_indirect_dma semaphore(%arg12 : memref<!tpu.dma_semaphore, #tpu.memory_space<semaphore_mem>>) src(%dma_wait3A_275 : memref<1000000x64xf32, #tpu.memory_space<hbm>>) dst(%dma_wait3A_269 : memref<128x64xf32, #tpu.memory_space<vmem>>)
    %dma_wait3A_276 = arith.constant 2 : i32
    %dma_wait3A_277 = arith.constant 256 : i32
    %dma_wait3A_278 = arith.constant 0 : i32
    %dma_wait3A_279 = tpu.memref_slice %arg9[%dma_wait3A_277, %dma_wait3A_278] : memref<512x64xf32, #tpu.memory_space<vmem>> -> memref<128x64xf32, #tpu.memory_space<vmem>>
    %dma_wait3A_280 = arith.constant 0 : i32
    %dma_wait3A_281 = tpu.memref_slice %arg6[%dma_wait3A_276, %dma_wait3A_280] : memref<200x128xi32, #tpu.memory_space<vmem>> -> memref<1x128xi32, #tpu.memory_space<vmem>>
    %dma_wait3A_282 = tpu.memref_squeeze %dma_wait3A_281 : memref<1x128xi32, #tpu.memory_space<vmem>> -> memref<128xi32, #tpu.memory_space<vmem>>
    %dma_wait3A_283 = arith.constant 0 : i32
    %dma_wait3A_284 = arith.constant 0 : i32
    %dma_wait3A_285 = tpu.memref_slice %arg3[%dma_wait3A_283, %dma_wait3A_284] : memref<1000000x64xf32, #tpu.memory_space<hbm>> -> memref<1000000x64xf32, #tpu.memory_space<hbm>>
    tpu.wait_indirect_dma semaphore(%arg12 : memref<!tpu.dma_semaphore, #tpu.memory_space<semaphore_mem>>) src(%dma_wait3A_285 : memref<1000000x64xf32, #tpu.memory_space<hbm>>) dst(%dma_wait3A_279 : memref<128x64xf32, #tpu.memory_space<vmem>>)
    %dma_wait3A_286 = arith.constant 3 : i32
    %dma_wait3A_287 = arith.constant 384 : i32
    %dma_wait3A_288 = arith.constant 0 : i32
    %dma_wait3A_289 = tpu.memref_slice %arg9[%dma_wait3A_287, %dma_wait3A_288] : memref<512x64xf32, #tpu.memory_space<vmem>> -> memref<128x64xf32, #tpu.memory_space<vmem>>
    %dma_wait3A_290 = arith.constant 0 : i32
    %dma_wait3A_291 = tpu.memref_slice %arg6[%dma_wait3A_286, %dma_wait3A_290] : memref<200x128xi32, #tpu.memory_space<vmem>> -> memref<1x128xi32, #tpu.memory_space<vmem>>
    %dma_wait3A_292 = tpu.memref_squeeze %dma_wait3A_291 : memref<1x128xi32, #tpu.memory_space<vmem>> -> memref<128xi32, #tpu.memory_space<vmem>>
    %dma_wait3A_293 = arith.constant 0 : i32
    %dma_wait3A_294 = arith.constant 0 : i32
    %dma_wait3A_295 = tpu.memref_slice %arg3[%dma_wait3A_293, %dma_wait3A_294] : memref<1000000x64xf32, #tpu.memory_space<hbm>> -> memref<1000000x64xf32, #tpu.memory_space<hbm>>
    tpu.wait_indirect_dma semaphore(%arg12 : memref<!tpu.dma_semaphore, #tpu.memory_space<semaphore_mem>>) src(%dma_wait3A_295 : memref<1000000x64xf32, #tpu.memory_space<hbm>>) dst(%dma_wait3A_289 : memref<128x64xf32, #tpu.memory_space<vmem>>)
    %scan3A_296 = arith.constant 0 : i32
    %scan3A_297 = arith.constant 64 : i32
    %scan3A_298 = arith.addi %scan3A_296, %scan3A_297 : i32
    %scan3A_299 = arith.constant 1 : i32
    %scan3A_300:4 = scf.for %scan3A_317 = %scan3A_296 to %scan3A_298 step %scan3A_299 iter_args(%scan3A_318 = %scan3A_254#0, %scan3A_319 = %scan3A_254#1, %scan3A_320 = %scan3A_254#2, %scan3A_321 = %scan3A_254#3) -> (vector<16xf32>, vector<16xf32>, vector<16xf32>, vector<16xf32>)  : i32 {
      %mul3A_322 = arith.constant 8 : i32
      %mul3A_323 = arith.muli %scan3A_317, %mul3A_322 : i32
      %add3A_324 = arith.constant 0 : i32
      %add3A_325 = arith.addi %mul3A_323, %add3A_324 : i32
      %get3A_326 = arith.index_cast %add3A_325 : i32 to index
      %get3A_327 = arith.constant 0 : index
      %get3A_328 = tpu.vector_load %arg9[%get3A_326, %get3A_327] {strides = array<i32>} : memref<512x64xf32, #tpu.memory_space<vmem>>, vector<1x16xf32>,
      %get3A_329 = vector.shape_cast %get3A_328 : vector<1x16xf32> to vector<16xf32>
      %mul3A_330 = arith.constant 1.000000e+00 : f32
      %mul3A_331 = vector.broadcast %mul3A_330 : f32 to vector<16xf32>
      %mul3A_332 = arith.mulf %mul3A_331, %get3A_329 : vector<16xf32>
      %add3A_333 = arith.addf %scan3A_318, %mul3A_332 : vector<16xf32>
      %get3A_334 = arith.index_cast %add3A_325 : i32 to index
      %get3A_335 = arith.constant 16 : index
      %get3A_336 = tpu.vector_load %arg9[%get3A_334, %get3A_335] {strides = array<i32>} : memref<512x64xf32, #tpu.memory_space<vmem>>, vector<1x16xf32>,
      %get3A_337 = vector.shape_cast %get3A_336 : vector<1x16xf32> to vector<16xf32>
      %mul3A_338 = arith.constant 1.000000e+00 : f32
      %mul3A_339 = vector.broadcast %mul3A_338 : f32 to vector<16xf32>
      %mul3A_340 = arith.mulf %mul3A_339, %get3A_337 : vector<16xf32>
      %add3A_341 = arith.addf %scan3A_319, %mul3A_340 : vector<16xf32>
      %get3A_342 = arith.index_cast %add3A_325 : i32 to index
      %get3A_343 = arith.constant 32 : index
      %get3A_344 = tpu.vector_load %arg9[%get3A_342, %get3A_343] {strides = array<i32>} : memref<512x64xf32, #tpu.memory_space<vmem>>, vector<1x16xf32>,
      %get3A_345 = vector.shape_cast %get3A_344 : vector<1x16xf32> to vector<16xf32>
      %mul3A_346 = arith.constant 1.000000e+00 : f32
      %mul3A_347 = vector.broadcast %mul3A_346 : f32 to vector<16xf32>
      %mul3A_348 = arith.mulf %mul3A_347, %get3A_345 : vector<16xf32>
      %add3A_349 = arith.addf %scan3A_320, %mul3A_348 : vector<16xf32>
      %get3A_350 = arith.index_cast %add3A_325 : i32 to index
      %get3A_351 = arith.constant 48 : index
      %get3A_352 = tpu.vector_load %arg9[%get3A_350, %get3A_351] {strides = array<i32>} : memref<512x64xf32, #tpu.memory_space<vmem>>, vector<1x16xf32>,
      %get3A_353 = vector.shape_cast %get3A_352 : vector<1x16xf32> to vector<16xf32>
      %mul3A_354 = arith.constant 1.000000e+00 : f32
      %mul3A_355 = vector.broadcast %mul3A_354 : f32 to vector<16xf32>
      %mul3A_356 = arith.mulf %mul3A_355, %get3A_353 : vector<16xf32>
      %add3A_357 = arith.addf %scan3A_321, %mul3A_356 : vector<16xf32>
      %mul3A_358 = arith.constant 8 : i32
      %mul3A_359 = arith.muli %scan3A_317, %mul3A_358 : i32
      %add3A_360 = arith.constant 1 : i32
      %add3A_361 = arith.addi %mul3A_359, %add3A_360 : i32
      %get3A_362 = arith.index_cast %add3A_361 : i32 to index
      %get3A_363 = arith.constant 0 : index
      %get3A_364 = tpu.vector_load %arg9[%get3A_362, %get3A_363] {strides = array<i32>} : memref<512x64xf32, #tpu.memory_space<vmem>>, vector<1x16xf32>,
      %get3A_365 = vector.shape_cast %get3A_364 : vector<1x16xf32> to vector<16xf32>
      %mul3A_366 = arith.constant 1.000000e+00 : f32
      %mul3A_367 = vector.broadcast %mul3A_366 : f32 to vector<16xf32>
      %mul3A_368 = arith.mulf %mul3A_367, %get3A_365 : vector<16xf32>
      %add3A_369 = arith.addf %add3A_333, %mul3A_368 : vector<16xf32>
      %get3A_370 = arith.index_cast %add3A_361 : i32 to index
      %get3A_371 = arith.constant 16 : index
      %get3A_372 = tpu.vector_load %arg9[%get3A_370, %get3A_371] {strides = array<i32>} : memref<512x64xf32, #tpu.memory_space<vmem>>, vector<1x16xf32>,
      %get3A_373 = vector.shape_cast %get3A_372 : vector<1x16xf32> to vector<16xf32>
      %mul3A_374 = arith.constant 1.000000e+00 : f32
      %mul3A_375 = vector.broadcast %mul3A_374 : f32 to vector<16xf32>
      %mul3A_376 = arith.mulf %mul3A_375, %get3A_373 : vector<16xf32>
      %add3A_377 = arith.addf %add3A_341, %mul3A_376 : vector<16xf32>
      %get3A_378 = arith.index_cast %add3A_361 : i32 to index
      %get3A_379 = arith.constant 32 : index
      %get3A_380 = tpu.vector_load %arg9[%get3A_378, %get3A_379] {strides = array<i32>} : memref<512x64xf32, #tpu.memory_space<vmem>>, vector<1x16xf32>,
      %get3A_381 = vector.shape_cast %get3A_380 : vector<1x16xf32> to vector<16xf32>
      %mul3A_382 = arith.constant 1.000000e+00 : f32
      %mul3A_383 = vector.broadcast %mul3A_382 : f32 to vector<16xf32>
      %mul3A_384 = arith.mulf %mul3A_383, %get3A_381 : vector<16xf32>
      %add3A_385 = arith.addf %add3A_349, %mul3A_384 : vector<16xf32>
      %get3A_386 = arith.index_cast %add3A_361 : i32 to index
      %get3A_387 = arith.constant 48 : index
      %get3A_388 = tpu.vector_load %arg9[%get3A_386, %get3A_387] {strides = array<i32>} : memref<512x64xf32, #tpu.memory_space<vmem>>, vector<1x16xf32>,
      %get3A_389 = vector.shape_cast %get3A_388 : vector<1x16xf32> to vector<16xf32>
      %mul3A_390 = arith.constant 1.000000e+00 : f32
      %mul3A_391 = vector.broadcast %mul3A_390 : f32 to vector<16xf32>
      %mul3A_392 = arith.mulf %mul3A_391, %get3A_389 : vector<16xf32>
      %add3A_393 = arith.addf %add3A_357, %mul3A_392 : vector<16xf32>
      %mul3A_394 = arith.constant 8 : i32
      %mul3A_395 = arith.muli %scan3A_317, %mul3A_394 : i32
      %add3A_396 = arith.constant 2 : i32
      %add3A_397 = arith.addi %mul3A_395, %add3A_396 : i32
      %get3A_398 = arith.index_cast %add3A_397 : i32 to index
      %get3A_399 = arith.constant 0 : index
      %get3A_400 = tpu.vector_load %arg9[%get3A_398, %get3A_399] {strides = array<i32>} : memref<512x64xf32, #tpu.memory_space<vmem>>, vector<1x16xf32>,
      %get3A_401 = vector.shape_cast %get3A_400 : vector<1x16xf32> to vector<16xf32>
      %mul3A_402 = arith.constant 1.000000e+00 : f32
      %mul3A_403 = vector.broadcast %mul3A_402 : f32 to vector<16xf32>
      %mul3A_404 = arith.mulf %mul3A_403, %get3A_401 : vector<16xf32>
      %add3A_405 = arith.addf %add3A_369, %mul3A_404 : vector<16xf32>
      %get3A_406 = arith.index_cast %add3A_397 : i32 to index
      %get3A_407 = arith.constant 16 : index
      %get3A_408 = tpu.vector_load %arg9[%get3A_406, %get3A_407] {strides = array<i32>} : memref<512x64xf32, #tpu.memory_space<vmem>>, vector<1x16xf32>,
      %get3A_409 = vector.shape_cast %get3A_408 : vector<1x16xf32> to vector<16xf32>
      %mul3A_410 = arith.constant 1.000000e+00 : f32
      %mul3A_411 = vector.broadcast %mul3A_410 : f32 to vector<16xf32>
      %mul3A_412 = arith.mulf %mul3A_411, %get3A_409 : vector<16xf32>
      %add3A_413 = arith.addf %add3A_377, %mul3A_412 : vector<16xf32>
      %get3A_414 = arith.index_cast %add3A_397 : i32 to index
      %get3A_415 = arith.constant 32 : index
      %get3A_416 = tpu.vector_load %arg9[%get3A_414, %get3A_415] {strides = array<i32>} : memref<512x64xf32, #tpu.memory_space<vmem>>, vector<1x16xf32>,
      %get3A_417 = vector.shape_cast %get3A_416 : vector<1x16xf32> to vector<16xf32>
      %mul3A_418 = arith.constant 1.000000e+00 : f32
      %mul3A_419 = vector.broadcast %mul3A_418 : f32 to vector<16xf32>
      %mul3A_420 = arith.mulf %mul3A_419, %get3A_417 : vector<16xf32>
      %add3A_421 = arith.addf %add3A_385, %mul3A_420 : vector<16xf32>
      %get3A_422 = arith.index_cast %add3A_397 : i32 to index
      %get3A_423 = arith.constant 48 : index
      %get3A_424 = tpu.vector_load %arg9[%get3A_422, %get3A_423] {strides = array<i32>} : memref<512x64xf32, #tpu.memory_space<vmem>>, vector<1x16xf32>,
      %get3A_425 = vector.shape_cast %get3A_424 : vector<1x16xf32> to vector<16xf32>
      %mul3A_426 = arith.constant 1.000000e+00 : f32
      %mul3A_427 = vector.broadcast %mul3A_426 : f32 to vector<16xf32>
      %mul3A_428 = arith.mulf %mul3A_427, %get3A_425 : vector<16xf32>
      %add3A_429 = arith.addf %add3A_393, %mul3A_428 : vector<16xf32>
      %mul3A_430 = arith.constant 8 : i32
      %mul3A_431 = arith.muli %scan3A_317, %mul3A_430 : i32
      %add3A_432 = arith.constant 3 : i32
      %add3A_433 = arith.addi %mul3A_431, %add3A_432 : i32
      %get3A_434 = arith.index_cast %add3A_433 : i32 to index
      %get3A_435 = arith.constant 0 : index
      %get3A_436 = tpu.vector_load %arg9[%get3A_434, %get3A_435] {strides = array<i32>} : memref<512x64xf32, #tpu.memory_space<vmem>>, vector<1x16xf32>,
      %get3A_437 = vector.shape_cast %get3A_436 : vector<1x16xf32> to vector<16xf32>
      %mul3A_438 = arith.constant 1.000000e+00 : f32
      %mul3A_439 = vector.broadcast %mul3A_438 : f32 to vector<16xf32>
      %mul3A_440 = arith.mulf %mul3A_439, %get3A_437 : vector<16xf32>
      %add3A_441 = arith.addf %add3A_405, %mul3A_440 : vector<16xf32>
      %get3A_442 = arith.index_cast %add3A_433 : i32 to index
      %get3A_443 = arith.constant 16 : index
      %get3A_444 = tpu.vector_load %arg9[%get3A_442, %get3A_443] {strides = array<i32>} : memref<512x64xf32, #tpu.memory_space<vmem>>, vector<1x16xf32>,
      %get3A_445 = vector.shape_cast %get3A_444 : vector<1x16xf32> to vector<16xf32>
      %mul3A_446 = arith.constant 1.000000e+00 : f32
      %mul3A_447 = vector.broadcast %mul3A_446 : f32 to vector<16xf32>
      %mul3A_448 = arith.mulf %mul3A_447, %get3A_445 : vector<16xf32>
      %add3A_449 = arith.addf %add3A_413, %mul3A_448 : vector<16xf32>
      %get3A_450 = arith.index_cast %add3A_433 : i32 to index
      %get3A_451 = arith.constant 32 : index
      %get3A_452 = tpu.vector_load %arg9[%get3A_450, %get3A_451] {strides = array<i32>} : memref<512x64xf32, #tpu.memory_space<vmem>>, vector<1x16xf32>,
      %get3A_453 = vector.shape_cast %get3A_452 : vector<1x16xf32> to vector<16xf32>
      %mul3A_454 = arith.constant 1.000000e+00 : f32
      %mul3A_455 = vector.broadcast %mul3A_454 : f32 to vector<16xf32>
      %mul3A_456 = arith.mulf %mul3A_455, %get3A_453 : vector<16xf32>
      %add3A_457 = arith.addf %add3A_421, %mul3A_456 : vector<16xf32>
      %get3A_458 = arith.index_cast %add3A_433 : i32 to index
      %get3A_459 = arith.constant 48 : index
      %get3A_460 = tpu.vector_load %arg9[%get3A_458, %get3A_459] {strides = array<i32>} : memref<512x64xf32, #tpu.memory_space<vmem>>, vector<1x16xf32>,
      %get3A_461 = vector.shape_cast %get3A_460 : vector<1x16xf32> to vector<16xf32>
      %mul3A_462 = arith.constant 1.000000e+00 : f32
      %mul3A_463 = vector.broadcast %mul3A_462 : f32 to vector<16xf32>
      %mul3A_464 = arith.mulf %mul3A_463, %get3A_461 : vector<16xf32>
      %add3A_465 = arith.addf %add3A_429, %mul3A_464 : vector<16xf32>
      %mul3A_466 = arith.constant 8 : i32
      %mul3A_467 = arith.muli %scan3A_317, %mul3A_466 : i32
      %add3A_468 = arith.constant 4 : i32
      %add3A_469 = arith.addi %mul3A_467, %add3A_468 : i32
      %get3A_470 = arith.index_cast %add3A_469 : i32 to index
      %get3A_471 = arith.constant 0 : index
      %get3A_472 = tpu.vector_load %arg9[%get3A_470, %get3A_471] {strides = array<i32>} : memref<512x64xf32, #tpu.memory_space<vmem>>, vector<1x16xf32>,
      %get3A_473 = vector.shape_cast %get3A_472 : vector<1x16xf32> to vector<16xf32>
      %mul3A_474 = arith.constant 1.000000e+00 : f32
      %mul3A_475 = vector.broadcast %mul3A_474 : f32 to vector<16xf32>
      %mul3A_476 = arith.mulf %mul3A_475, %get3A_473 : vector<16xf32>
      %add3A_477 = arith.addf %add3A_441, %mul3A_476 : vector<16xf32>
      %get3A_478 = arith.index_cast %add3A_469 : i32 to index
      %get3A_479 = arith.constant 16 : index
      %get3A_480 = tpu.vector_load %arg9[%get3A_478, %get3A_479] {strides = array<i32>} : memref<512x64xf32, #tpu.memory_space<vmem>>, vector<1x16xf32>,
      %get3A_481 = vector.shape_cast %get3A_480 : vector<1x16xf32> to vector<16xf32>
      %mul3A_482 = arith.constant 1.000000e+00 : f32
      %mul3A_483 = vector.broadcast %mul3A_482 : f32 to vector<16xf32>
      %mul3A_484 = arith.mulf %mul3A_483, %get3A_481 : vector<16xf32>
      %add3A_485 = arith.addf %add3A_449, %mul3A_484 : vector<16xf32>
      %get3A_486 = arith.index_cast %add3A_469 : i32 to index
      %get3A_487 = arith.constant 32 : index
      %get3A_488 = tpu.vector_load %arg9[%get3A_486, %get3A_487] {strides = array<i32>} : memref<512x64xf32, #tpu.memory_space<vmem>>, vector<1x16xf32>,
      %get3A_489 = vector.shape_cast %get3A_488 : vector<1x16xf32> to vector<16xf32>
      %mul3A_490 = arith.constant 1.000000e+00 : f32
      %mul3A_491 = vector.broadcast %mul3A_490 : f32 to vector<16xf32>
      %mul3A_492 = arith.mulf %mul3A_491, %get3A_489 : vector<16xf32>
      %add3A_493 = arith.addf %add3A_457, %mul3A_492 : vector<16xf32>
      %get3A_494 = arith.index_cast %add3A_469 : i32 to index
      %get3A_495 = arith.constant 48 : index
      %get3A_496 = tpu.vector_load %arg9[%get3A_494, %get3A_495] {strides = array<i32>} : memref<512x64xf32, #tpu.memory_space<vmem>>, vector<1x16xf32>,
      %get3A_497 = vector.shape_cast %get3A_496 : vector<1x16xf32> to vector<16xf32>
      %mul3A_498 = arith.constant 1.000000e+00 : f32
      %mul3A_499 = vector.broadcast %mul3A_498 : f32 to vector<16xf32>
      %mul3A_500 = arith.mulf %mul3A_499, %get3A_497 : vector<16xf32>
      %add3A_501 = arith.addf %add3A_465, %mul3A_500 : vector<16xf32>
      %mul3A_502 = arith.constant 8 : i32
      %mul3A_503 = arith.muli %scan3A_317, %mul3A_502 : i32
      %add3A_504 = arith.constant 5 : i32
      %add3A_505 = arith.addi %mul3A_503, %add3A_504 : i32
      %get3A_506 = arith.index_cast %add3A_505 : i32 to index
      %get3A_507 = arith.constant 0 : index
      %get3A_508 = tpu.vector_load %arg9[%get3A_506, %get3A_507] {strides = array<i32>} : memref<512x64xf32, #tpu.memory_space<vmem>>, vector<1x16xf32>,
      %get3A_509 = vector.shape_cast %get3A_508 : vector<1x16xf32> to vector<16xf32>
      %mul3A_510 = arith.constant 1.000000e+00 : f32
      %mul3A_511 = vector.broadcast %mul3A_510 : f32 to vector<16xf32>
      %mul3A_512 = arith.mulf %mul3A_511, %get3A_509 : vector<16xf32>
      %add3A_513 = arith.addf %add3A_477, %mul3A_512 : vector<16xf32>
      %get3A_514 = arith.index_cast %add3A_505 : i32 to index
      %get3A_515 = arith.constant 16 : index
      %get3A_516 = tpu.vector_load %arg9[%get3A_514, %get3A_515] {strides = array<i32>} : memref<512x64xf32, #tpu.memory_space<vmem>>, vector<1x16xf32>,
      %get3A_517 = vector.shape_cast %get3A_516 : vector<1x16xf32> to vector<16xf32>
      %mul3A_518 = arith.constant 1.000000e+00 : f32
      %mul3A_519 = vector.broadcast %mul3A_518 : f32 to vector<16xf32>
      %mul3A_520 = arith.mulf %mul3A_519, %get3A_517 : vector<16xf32>
      %add3A_521 = arith.addf %add3A_485, %mul3A_520 : vector<16xf32>
      %get3A_522 = arith.index_cast %add3A_505 : i32 to index
      %get3A_523 = arith.constant 32 : index
      %get3A_524 = tpu.vector_load %arg9[%get3A_522, %get3A_523] {strides = array<i32>} : memref<512x64xf32, #tpu.memory_space<vmem>>, vector<1x16xf32>,
      %get3A_525 = vector.shape_cast %get3A_524 : vector<1x16xf32> to vector<16xf32>
      %mul3A_526 = arith.constant 1.000000e+00 : f32
      %mul3A_527 = vector.broadcast %mul3A_526 : f32 to vector<16xf32>
      %mul3A_528 = arith.mulf %mul3A_527, %get3A_525 : vector<16xf32>
      %add3A_529 = arith.addf %add3A_493, %mul3A_528 : vector<16xf32>
      %get3A_530 = arith.index_cast %add3A_505 : i32 to index
      %get3A_531 = arith.constant 48 : index
      %get3A_532 = tpu.vector_load %arg9[%get3A_530, %get3A_531] {strides = array<i32>} : memref<512x64xf32, #tpu.memory_space<vmem>>, vector<1x16xf32>,
      %get3A_533 = vector.shape_cast %get3A_532 : vector<1x16xf32> to vector<16xf32>
      %mul3A_534 = arith.constant 1.000000e+00 : f32
      %mul3A_535 = vector.broadcast %mul3A_534 : f32 to vector<16xf32>
      %mul3A_536 = arith.mulf %mul3A_535, %get3A_533 : vector<16xf32>
      %add3A_537 = arith.addf %add3A_501, %mul3A_536 : vector<16xf32>
      %mul3A_538 = arith.constant 8 : i32
      %mul3A_539 = arith.muli %scan3A_317, %mul3A_538 : i32
      %add3A_540 = arith.constant 6 : i32
      %add3A_541 = arith.addi %mul3A_539, %add3A_540 : i32
      %get3A_542 = arith.index_cast %add3A_541 : i32 to index
      %get3A_543 = arith.constant 0 : index
      %get3A_544 = tpu.vector_load %arg9[%get3A_542, %get3A_543] {strides = array<i32>} : memref<512x64xf32, #tpu.memory_space<vmem>>, vector<1x16xf32>,
      %get3A_545 = vector.shape_cast %get3A_544 : vector<1x16xf32> to vector<16xf32>
      %mul3A_546 = arith.constant 1.000000e+00 : f32
      %mul3A_547 = vector.broadcast %mul3A_546 : f32 to vector<16xf32>
      %mul3A_548 = arith.mulf %mul3A_547, %get3A_545 : vector<16xf32>
      %add3A_549 = arith.addf %add3A_513, %mul3A_548 : vector<16xf32>
      %get3A_550 = arith.index_cast %add3A_541 : i32 to index
      %get3A_551 = arith.constant 16 : index
      %get3A_552 = tpu.vector_load %arg9[%get3A_550, %get3A_551] {strides = array<i32>} : memref<512x64xf32, #tpu.memory_space<vmem>>, vector<1x16xf32>,
      %get3A_553 = vector.shape_cast %get3A_552 : vector<1x16xf32> to vector<16xf32>
      %mul3A_554 = arith.constant 1.000000e+00 : f32
      %mul3A_555 = vector.broadcast %mul3A_554 : f32 to vector<16xf32>
      %mul3A_556 = arith.mulf %mul3A_555, %get3A_553 : vector<16xf32>
      %add3A_557 = arith.addf %add3A_521, %mul3A_556 : vector<16xf32>
      %get3A_558 = arith.index_cast %add3A_541 : i32 to index
      %get3A_559 = arith.constant 32 : index
      %get3A_560 = tpu.vector_load %arg9[%get3A_558, %get3A_559] {strides = array<i32>} : memref<512x64xf32, #tpu.memory_space<vmem>>, vector<1x16xf32>,
      %get3A_561 = vector.shape_cast %get3A_560 : vector<1x16xf32> to vector<16xf32>
      %mul3A_562 = arith.constant 1.000000e+00 : f32
      %mul3A_563 = vector.broadcast %mul3A_562 : f32 to vector<16xf32>
      %mul3A_564 = arith.mulf %mul3A_563, %get3A_561 : vector<16xf32>
      %add3A_565 = arith.addf %add3A_529, %mul3A_564 : vector<16xf32>
      %get3A_566 = arith.index_cast %add3A_541 : i32 to index
      %get3A_567 = arith.constant 48 : index
      %get3A_568 = tpu.vector_load %arg9[%get3A_566, %get3A_567] {strides = array<i32>} : memref<512x64xf32, #tpu.memory_space<vmem>>, vector<1x16xf32>,
      %get3A_569 = vector.shape_cast %get3A_568 : vector<1x16xf32> to vector<16xf32>
      %mul3A_570 = arith.constant 1.000000e+00 : f32
      %mul3A_571 = vector.broadcast %mul3A_570 : f32 to vector<16xf32>
      %mul3A_572 = arith.mulf %mul3A_571, %get3A_569 : vector<16xf32>
      %add3A_573 = arith.addf %add3A_537, %mul3A_572 : vector<16xf32>
      %mul3A_574 = arith.constant 8 : i32
      %mul3A_575 = arith.muli %scan3A_317, %mul3A_574 : i32
      %add3A_576 = arith.constant 7 : i32
      %add3A_577 = arith.addi %mul3A_575, %add3A_576 : i32
      %get3A_578 = arith.index_cast %add3A_577 : i32 to index
      %get3A_579 = arith.constant 0 : index
      %get3A_580 = tpu.vector_load %arg9[%get3A_578, %get3A_579] {strides = array<i32>} : memref<512x64xf32, #tpu.memory_space<vmem>>, vector<1x16xf32>,
      %get3A_581 = vector.shape_cast %get3A_580 : vector<1x16xf32> to vector<16xf32>
      %mul3A_582 = arith.constant 1.000000e+00 : f32
      %mul3A_583 = vector.broadcast %mul3A_582 : f32 to vector<16xf32>
      %mul3A_584 = arith.mulf %mul3A_583, %get3A_581 : vector<16xf32>
      %add3A_585 = arith.addf %add3A_549, %mul3A_584 : vector<16xf32>
      %get3A_586 = arith.index_cast %add3A_577 : i32 to index
      %get3A_587 = arith.constant 16 : index
      %get3A_588 = tpu.vector_load %arg9[%get3A_586, %get3A_587] {strides = array<i32>} : memref<512x64xf32, #tpu.memory_space<vmem>>, vector<1x16xf32>,
      %get3A_589 = vector.shape_cast %get3A_588 : vector<1x16xf32> to vector<16xf32>
      %mul3A_590 = arith.constant 1.000000e+00 : f32
      %mul3A_591 = vector.broadcast %mul3A_590 : f32 to vector<16xf32>
      %mul3A_592 = arith.mulf %mul3A_591, %get3A_589 : vector<16xf32>
      %add3A_593 = arith.addf %add3A_557, %mul3A_592 : vector<16xf32>
      %get3A_594 = arith.index_cast %add3A_577 : i32 to index
      %get3A_595 = arith.constant 32 : index
      %get3A_596 = tpu.vector_load %arg9[%get3A_594, %get3A_595] {strides = array<i32>} : memref<512x64xf32, #tpu.memory_space<vmem>>, vector<1x16xf32>,
      %get3A_597 = vector.shape_cast %get3A_596 : vector<1x16xf32> to vector<16xf32>
      %mul3A_598 = arith.constant 1.000000e+00 : f32
      %mul3A_599 = vector.broadcast %mul3A_598 : f32 to vector<16xf32>
      %mul3A_600 = arith.mulf %mul3A_599, %get3A_597 : vector<16xf32>
      %add3A_601 = arith.addf %add3A_565, %mul3A_600 : vector<16xf32>
      %get3A_602 = arith.index_cast %add3A_577 : i32 to index
      %get3A_603 = arith.constant 48 : index
      %get3A_604 = tpu.vector_load %arg9[%get3A_602, %get3A_603] {strides = array<i32>} : memref<512x64xf32, #tpu.memory_space<vmem>>, vector<1x16xf32>,
      %get3A_605 = vector.shape_cast %get3A_604 : vector<1x16xf32> to vector<16xf32>
      %mul3A_606 = arith.constant 1.000000e+00 : f32
      %mul3A_607 = vector.broadcast %mul3A_606 : f32 to vector<16xf32>
      %mul3A_608 = arith.mulf %mul3A_607, %get3A_605 : vector<16xf32>
      %add3A_609 = arith.addf %add3A_573, %mul3A_608 : vector<16xf32>
      scf.yield %add3A_585, %add3A_593, %add3A_601, %add3A_609 : vector<16xf32>, vector<16xf32>, vector<16xf32>, vector<16xf32>
    }
    %scan3A_301 = arith.constant 64 : i32
    %swap3A = arith.constant 0 : index
    %swap3A_302 = tpu.vector_load %arg10[%swap3A] {strides = array<i32>} : memref<64xf32, #tpu.memory_space<vmem>>, vector<16xf32>,
    %swap3A_303 = vector.shape_cast %swap3A_302 : vector<16xf32> to vector<16xf32>
    %swap3A_304 = vector.shape_cast %scan3A_300#0 : vector<16xf32> to vector<16xf32>
    tpu.vector_store %arg10[%swap3A], %swap3A_304 {strides = array<i32>} : memref<64xf32, #tpu.memory_space<vmem>>, vector<16xf32>,
    %swap3A_305 = arith.constant 16 : index
    %swap3A_306 = tpu.vector_load %arg10[%swap3A_305] {strides = array<i32>} : memref<64xf32, #tpu.memory_space<vmem>>, vector<16xf32>,
    %swap3A_307 = vector.shape_cast %swap3A_306 : vector<16xf32> to vector<16xf32>
    %swap3A_308 = vector.shape_cast %scan3A_300#1 : vector<16xf32> to vector<16xf32>
    tpu.vector_store %arg10[%swap3A_305], %swap3A_308 {strides = array<i32>} : memref<64xf32, #tpu.memory_space<vmem>>, vector<16xf32>,
    %swap3A_309 = arith.constant 32 : index
    %swap3A_310 = tpu.vector_load %arg10[%swap3A_309] {strides = array<i32>} : memref<64xf32, #tpu.memory_space<vmem>>, vector<16xf32>,
    %swap3A_311 = vector.shape_cast %swap3A_310 : vector<16xf32> to vector<16xf32>
    %swap3A_312 = vector.shape_cast %scan3A_300#2 : vector<16xf32> to vector<16xf32>
    tpu.vector_store %arg10[%swap3A_309], %swap3A_312 {strides = array<i32>} : memref<64xf32, #tpu.memory_space<vmem>>, vector<16xf32>,
    %swap3A_313 = arith.constant 48 : index
    %swap3A_314 = tpu.vector_load %arg10[%swap3A_313] {strides = array<i32>} : memref<64xf32, #tpu.memory_space<vmem>>, vector<16xf32>,
    %swap3A_315 = vector.shape_cast %swap3A_314 : vector<16xf32> to vector<16xf32>
    %swap3A_316 = vector.shape_cast %scan3A_300#3 : vector<16xf32> to vector<16xf32>
    tpu.vector_store %arg10[%swap3A_313], %swap3A_316 {strides = array<i32>} : memref<64xf32, #tpu.memory_space<vmem>>, vector<16xf32>,
    "tpu.region"() ({
      %run_scoped3A = tpu.sem_alloc : memref<!tpu.dma_semaphore, #tpu.memory_space<semaphore_mem>>
      %dma_start3A_317 = arith.constant 0 : i32
      %dma_start3A_318 = tpu.memref_slice %arg5[%add3A, %dma_start3A_317] : memref<32x64xf32, #tpu.memory_space<hbm>> -> memref<1x64xf32, #tpu.memory_space<hbm>>
      %dma_start3A_319 = tpu.memref_squeeze %dma_start3A_318 : memref<1x64xf32, #tpu.memory_space<hbm>> -> memref<64xf32, #tpu.memory_space<hbm>>
      %dma_start3A_320 = arith.constant 0 : i32
      %dma_start3A_321 = tpu.memref_slice %arg5[%add3A, %dma_start3A_320] : memref<32x64xf32, #tpu.memory_space<hbm>> -> memref<1x64xf32, #tpu.memory_space<hbm>>
      %dma_start3A_322 = tpu.memref_squeeze %dma_start3A_321 : memref<1x64xf32, #tpu.memory_space<hbm>> -> memref<64xf32, #tpu.memory_space<hbm>>
      tpu.enqueue_dma source(%arg10 : memref<64xf32, #tpu.memory_space<vmem>>) target(%dma_start3A_322 : memref<64xf32, #tpu.memory_space<hbm>>) target_semaphore(%run_scoped3A : memref<!tpu.dma_semaphore, #tpu.memory_space<semaphore_mem>>)
      %dma_wait3A_323 = arith.constant 0 : i32
      %dma_wait3A_324 = tpu.memref_slice %arg5[%add3A, %dma_wait3A_323] : memref<32x64xf32, #tpu.memory_space<hbm>> -> memref<1x64xf32, #tpu.memory_space<hbm>>
      %dma_wait3A_325 = tpu.memref_squeeze %dma_wait3A_324 : memref<1x64xf32, #tpu.memory_space<hbm>> -> memref<64xf32, #tpu.memory_space<hbm>>
      %dma_wait3A_326 = arith.constant 0 : i32
      %dma_wait3A_327 = tpu.memref_slice %arg5[%add3A, %dma_wait3A_326] : memref<32x64xf32, #tpu.memory_space<hbm>> -> memref<1x64xf32, #tpu.memory_space<hbm>>
      %dma_wait3A_328 = tpu.memref_squeeze %dma_wait3A_327 : memref<1x64xf32, #tpu.memory_space<hbm>> -> memref<64xf32, #tpu.memory_space<hbm>>
      tpu.wait_dma2 semaphore(%run_scoped3A : memref<!tpu.dma_semaphore, #tpu.memory_space<semaphore_mem>>) src(%arg10 : memref<64xf32, #tpu.memory_space<vmem>>) dst(%dma_wait3A_328 : memref<64xf32, #tpu.memory_space<hbm>>)
      tpu.yield
    }) : () -> ()
    return
  }
}

module attributes {stable_mosaic.version = 14 : i64} {
  func.func @_mlp_body(%arg0: i32, %arg1: memref<2048x64xf32, #tpu.memory_space<vmem>>, %arg2: memref<32x64xf32, #tpu.memory_space<vmem>>, %arg3: memref<256x64xf32, #tpu.memory_space<vmem>>, %arg4: memref<1x256xf32, #tpu.memory_space<vmem>>, %arg5: memref<256x256xf32, #tpu.memory_space<vmem>>, %arg6: memref<1x256xf32, #tpu.memory_space<vmem>>, %arg7: memref<256x256xf32, #tpu.memory_space<vmem>>, %arg8: memref<1x256xf32, #tpu.memory_space<vmem>>, %arg9: memref<256x256xf32, #tpu.memory_space<vmem>>, %arg10: memref<1x256xf32, #tpu.memory_space<vmem>>, %arg11: memref<128x256xf32, #tpu.memory_space<vmem>>, %arg12: memref<1x128xf32, #tpu.memory_space<vmem>>, %arg13: memref<2048x128xf32, #tpu.memory_space<vmem>>) attributes {dimension_semantics = [#tpu.dimension_semantics<arbitrary>], iteration_bounds = array<i64: 8>, scalar_prefetch = 0 : i64, scratch_operands = 0 : i64, tpu.core_type = #tpu.core_type<tc>, window_params = [{transform_indices = @transform_0, window_bounds = array<i64: 2048, 64>}, {pipeline_mode = #tpu.pipeline_mode<synchronous>, transform_indices = @transform_1, window_bounds = array<i64: 32, 64>}, {pipeline_mode = #tpu.pipeline_mode<synchronous>, transform_indices = @transform_2, window_bounds = array<i64: 256, 64>}, {pipeline_mode = #tpu.pipeline_mode<synchronous>, transform_indices = @transform_3, window_bounds = array<i64: 1, 256>}, {pipeline_mode = #tpu.pipeline_mode<synchronous>, transform_indices = @transform_4, window_bounds = array<i64: 256, 256>}, {pipeline_mode = #tpu.pipeline_mode<synchronous>, transform_indices = @transform_5, window_bounds = array<i64: 1, 256>}, {pipeline_mode = #tpu.pipeline_mode<synchronous>, transform_indices = @transform_6, window_bounds = array<i64: 256, 256>}, {pipeline_mode = #tpu.pipeline_mode<synchronous>, transform_indices = @transform_7, window_bounds = array<i64: 1, 256>}, {pipeline_mode = #tpu.pipeline_mode<synchronous>, transform_indices = @transform_8, window_bounds = array<i64: 256, 256>}, {pipeline_mode = #tpu.pipeline_mode<synchronous>, transform_indices = @transform_9, window_bounds = array<i64: 1, 256>}, {pipeline_mode = #tpu.pipeline_mode<synchronous>, transform_indices = @transform_10, window_bounds = array<i64: 128, 256>}, {pipeline_mode = #tpu.pipeline_mode<synchronous>, transform_indices = @transform_11, window_bounds = array<i64: 1, 128>}, {transform_indices = @transform_12, window_bounds = array<i64: 2048, 128>}]} {
    %get3A = arith.constant 0 : index
    %get3A_0 = arith.constant 0 : index
    %get3A_1 = vector.load %arg1[%get3A, %get3A_0] : memref<2048x64xf32, #tpu.memory_space<vmem>>, vector<2048x64xf32>
    %get3A_2 = arith.constant 0 : index
    %get3A_3 = arith.constant 0 : index
    %get3A_4 = vector.load %arg2[%get3A_2, %get3A_3] : memref<32x64xf32, #tpu.memory_space<vmem>>, vector<32x64xf32>
    %reduce_sum3A = arith.constant dense<0.000000e+00> : vector<64xf32>
    %reduce_sum3A_5 = vector.multi_reduction <add>, %get3A_4, %reduce_sum3A [0] : vector<32x64xf32> to vector<64xf32>
    %broadcast_in_dim3A = vector.shape_cast %reduce_sum3A_5 : vector<64xf32> to vector<1x64xf32>
    %mul3A = arith.constant 1.24561393E-6 : f32
    %mul3A_6 = vector.broadcast %mul3A : f32 to vector<1x64xf32>
    %mul3A_7 = arith.mulf %broadcast_in_dim3A, %mul3A_6 : vector<1x64xf32>
    %mul3A_8 = arith.constant 2048 : i32
    %mul3A_9 = arith.muli %arg0, %mul3A_8 : i32
    %iota3A = tpu.iota {dimensions = array<i32: 0>} : vector<2048x1xi32>
    %add3A = vector.broadcast %mul3A_9 : i32 to vector<2048x1xi32>
    %add3A_10 = arith.addi %add3A, %iota3A : vector<2048x1xi32>
    %eq3A = arith.constant 16383 : i32
    %eq3A_11 = vector.broadcast %eq3A : i32 to vector<2048x1xi32>
    %eq3A_12 = arith.cmpi eq, %add3A_10, %eq3A_11 : vector<2048x1xi32>
    %broadcast_in_dim3A_13 = vector.shape_cast %eq3A_12 : vector<2048x1xi1> to vector<2048x1xi1>
    %broadcast_in_dim3A_14 = vector.broadcast %broadcast_in_dim3A_13 : vector<2048x1xi1> to vector<2048x64xi1>
    %broadcast_in_dim3A_15 = vector.shape_cast %mul3A_7 : vector<1x64xf32> to vector<1x64xf32>
    %broadcast_in_dim3A_16 = vector.broadcast %broadcast_in_dim3A_15 : vector<1x64xf32> to vector<2048x64xf32>
    %select_n3A = arith.select %broadcast_in_dim3A_14, %broadcast_in_dim3A_16, %get3A_1 : vector<2048x64xi1>, vector<2048x64xf32>
    %get3A_17 = arith.constant 0 : index
    %get3A_18 = arith.constant 0 : index
    %get3A_19 = vector.load %arg3[%get3A_17, %get3A_18] : memref<256x64xf32, #tpu.memory_space<vmem>>, vector<256x64xf32>
    %dot_general3A = arith.constant dense<0.000000e+00> : vector<2048x256xf32>
    %dot_general3A_20 = tpu.matmul %select_n3A, %get3A_19, %dot_general3A {dimension_numbers = #tpu.dot_dimension_numbers<[1], [1], [0], [0], [0, 0, 1, 0], [], []>, transpose_lhs_hint = false} : vector<2048x64xf32>, vector<256x64xf32>, vector<2048x256xf32> -> vector<2048x256xf32>
    %get3A_21 = arith.constant 0 : index
    %get3A_22 = arith.constant 0 : index
    %get3A_23 = vector.load %arg4[%get3A_21, %get3A_22] : memref<1x256xf32, #tpu.memory_space<vmem>>, vector<1x256xf32>
    %add3A_24 = vector.broadcast %get3A_23 : vector<1x256xf32> to vector<2048x256xf32>
    %add3A_25 = arith.addf %dot_general3A_20, %add3A_24 : vector<2048x256xf32>
    %max3A = arith.constant 0.000000e+00 : f32
    %max3A_26 = vector.broadcast %max3A : f32 to vector<2048x256xf32>
    %max3A_27 = arith.maximumf %add3A_25, %max3A_26 : vector<2048x256xf32>
    %get3A_28 = arith.constant 0 : index
    %get3A_29 = arith.constant 0 : index
    %get3A_30 = vector.load %arg5[%get3A_28, %get3A_29] : memref<256x256xf32, #tpu.memory_space<vmem>>, vector<256x256xf32>
    %dot_general3A_31 = arith.constant dense<0.000000e+00> : vector<2048x256xf32>
    %dot_general3A_32 = tpu.matmul %max3A_27, %get3A_30, %dot_general3A_31 {dimension_numbers = #tpu.dot_dimension_numbers<[1], [1], [0], [0], [0, 0, 1, 0], [], []>, transpose_lhs_hint = false} : vector<2048x256xf32>, vector<256x256xf32>, vector<2048x256xf32> -> vector<2048x256xf32>
    %get3A_33 = arith.constant 0 : index
    %get3A_34 = arith.constant 0 : index
    %get3A_35 = vector.load %arg6[%get3A_33, %get3A_34] : memref<1x256xf32, #tpu.memory_space<vmem>>, vector<1x256xf32>
    %add3A_36 = vector.broadcast %get3A_35 : vector<1x256xf32> to vector<2048x256xf32>
    %add3A_37 = arith.addf %dot_general3A_32, %add3A_36 : vector<2048x256xf32>
    %max3A_38 = arith.constant 0.000000e+00 : f32
    %max3A_39 = vector.broadcast %max3A_38 : f32 to vector<2048x256xf32>
    %max3A_40 = arith.maximumf %add3A_37, %max3A_39 : vector<2048x256xf32>
    %get3A_41 = arith.constant 0 : index
    %get3A_42 = arith.constant 0 : index
    %get3A_43 = vector.load %arg7[%get3A_41, %get3A_42] : memref<256x256xf32, #tpu.memory_space<vmem>>, vector<256x256xf32>
    %dot_general3A_44 = arith.constant dense<0.000000e+00> : vector<2048x256xf32>
    %dot_general3A_45 = tpu.matmul %max3A_40, %get3A_43, %dot_general3A_44 {dimension_numbers = #tpu.dot_dimension_numbers<[1], [1], [0], [0], [0, 0, 1, 0], [], []>, transpose_lhs_hint = false} : vector<2048x256xf32>, vector<256x256xf32>, vector<2048x256xf32> -> vector<2048x256xf32>
    %get3A_46 = arith.constant 0 : index
    %get3A_47 = arith.constant 0 : index
    %get3A_48 = vector.load %arg8[%get3A_46, %get3A_47] : memref<1x256xf32, #tpu.memory_space<vmem>>, vector<1x256xf32>
    %add3A_49 = vector.broadcast %get3A_48 : vector<1x256xf32> to vector<2048x256xf32>
    %add3A_50 = arith.addf %dot_general3A_45, %add3A_49 : vector<2048x256xf32>
    %max3A_51 = arith.constant 0.000000e+00 : f32
    %max3A_52 = vector.broadcast %max3A_51 : f32 to vector<2048x256xf32>
    %max3A_53 = arith.maximumf %add3A_50, %max3A_52 : vector<2048x256xf32>
    %get3A_54 = arith.constant 0 : index
    %get3A_55 = arith.constant 0 : index
    %get3A_56 = vector.load %arg9[%get3A_54, %get3A_55] : memref<256x256xf32, #tpu.memory_space<vmem>>, vector<256x256xf32>
    %dot_general3A_57 = arith.constant dense<0.000000e+00> : vector<2048x256xf32>
    %dot_general3A_58 = tpu.matmul %max3A_53, %get3A_56, %dot_general3A_57 {dimension_numbers = #tpu.dot_dimension_numbers<[1], [1], [0], [0], [0, 0, 1, 0], [], []>, transpose_lhs_hint = false} : vector<2048x256xf32>, vector<256x256xf32>, vector<2048x256xf32> -> vector<2048x256xf32>
    %get3A_59 = arith.constant 0 : index
    %get3A_60 = arith.constant 0 : index
    %get3A_61 = vector.load %arg10[%get3A_59, %get3A_60] : memref<1x256xf32, #tpu.memory_space<vmem>>, vector<1x256xf32>
    %add3A_62 = vector.broadcast %get3A_61 : vector<1x256xf32> to vector<2048x256xf32>
    %add3A_63 = arith.addf %dot_general3A_58, %add3A_62 : vector<2048x256xf32>
    %max3A_64 = arith.constant 0.000000e+00 : f32
    %max3A_65 = vector.broadcast %max3A_64 : f32 to vector<2048x256xf32>
    %max3A_66 = arith.maximumf %add3A_63, %max3A_65 : vector<2048x256xf32>
    %get3A_67 = arith.constant 0 : index
    %get3A_68 = arith.constant 0 : index
    %get3A_69 = vector.load %arg11[%get3A_67, %get3A_68] : memref<128x256xf32, #tpu.memory_space<vmem>>, vector<128x256xf32>
    %dot_general3A_70 = arith.constant dense<0.000000e+00> : vector<2048x128xf32>
    %dot_general3A_71 = tpu.matmul %max3A_66, %get3A_69, %dot_general3A_70 {dimension_numbers = #tpu.dot_dimension_numbers<[1], [1], [0], [0], [0, 0, 1, 0], [], []>, transpose_lhs_hint = false} : vector<2048x256xf32>, vector<128x256xf32>, vector<2048x128xf32> -> vector<2048x128xf32>
    %get3A_72 = arith.constant 0 : index
    %get3A_73 = arith.constant 0 : index
    %get3A_74 = vector.load %arg12[%get3A_72, %get3A_73] : memref<1x128xf32, #tpu.memory_space<vmem>>, vector<1x128xf32>
    %add3A_75 = vector.broadcast %get3A_74 : vector<1x128xf32> to vector<2048x128xf32>
    %add3A_76 = arith.addf %dot_general3A_71, %add3A_75 : vector<2048x128xf32>
    %swap3A = arith.constant 0 : index
    %swap3A_77 = arith.constant 0 : index
    %swap3A_78 = vector.load %arg13[%swap3A, %swap3A_77] : memref<2048x128xf32, #tpu.memory_space<vmem>>, vector<2048x128xf32>
    tpu.vector_store %arg13[%swap3A, %swap3A_77], %add3A_76 {strides = array<i32>} : memref<2048x128xf32, #tpu.memory_space<vmem>>, vector<2048x128xf32>,
    return
  }
  func.func @transform_0(%arg0: i32) -> (i32, i32) {
    %c0_i32 = arith.constant 0 : i32
    %c0_i32_0 = arith.constant 0 : i32
    return %arg0, %c0_i32 : i32, i32
  }
  func.func @transform_1(%arg0: i32) -> (i32, i32) {
    %c0_i32 = arith.constant 0 : i32
    %c0_i32_0 = arith.constant 0 : i32
    %c0_i32_1 = arith.constant 0 : i32
    return %c0_i32, %c0_i32_0 : i32, i32
  }
  func.func @transform_2(%arg0: i32) -> (i32, i32) {
    %c0_i32 = arith.constant 0 : i32
    %c0_i32_0 = arith.constant 0 : i32
    %c0_i32_1 = arith.constant 0 : i32
    return %c0_i32, %c0_i32_0 : i32, i32
  }
  func.func @transform_3(%arg0: i32) -> (i32, i32) {
    %c0_i32 = arith.constant 0 : i32
    %c0_i32_0 = arith.constant 0 : i32
    %c0_i32_1 = arith.constant 0 : i32
    return %c0_i32, %c0_i32_0 : i32, i32
  }
  func.func @transform_4(%arg0: i32) -> (i32, i32) {
    %c0_i32 = arith.constant 0 : i32
    %c0_i32_0 = arith.constant 0 : i32
    %c0_i32_1 = arith.constant 0 : i32
    return %c0_i32, %c0_i32_0 : i32, i32
  }
  func.func @transform_5(%arg0: i32) -> (i32, i32) {
    %c0_i32 = arith.constant 0 : i32
    %c0_i32_0 = arith.constant 0 : i32
    %c0_i32_1 = arith.constant 0 : i32
    return %c0_i32, %c0_i32_0 : i32, i32
  }
  func.func @transform_6(%arg0: i32) -> (i32, i32) {
    %c0_i32 = arith.constant 0 : i32
    %c0_i32_0 = arith.constant 0 : i32
    %c0_i32_1 = arith.constant 0 : i32
    return %c0_i32, %c0_i32_0 : i32, i32
  }
  func.func @transform_7(%arg0: i32) -> (i32, i32) {
    %c0_i32 = arith.constant 0 : i32
    %c0_i32_0 = arith.constant 0 : i32
    %c0_i32_1 = arith.constant 0 : i32
    return %c0_i32, %c0_i32_0 : i32, i32
  }
  func.func @transform_8(%arg0: i32) -> (i32, i32) {
    %c0_i32 = arith.constant 0 : i32
    %c0_i32_0 = arith.constant 0 : i32
    %c0_i32_1 = arith.constant 0 : i32
    return %c0_i32, %c0_i32_0 : i32, i32
  }
  func.func @transform_9(%arg0: i32) -> (i32, i32) {
    %c0_i32 = arith.constant 0 : i32
    %c0_i32_0 = arith.constant 0 : i32
    %c0_i32_1 = arith.constant 0 : i32
    return %c0_i32, %c0_i32_0 : i32, i32
  }
  func.func @transform_10(%arg0: i32) -> (i32, i32) {
    %c0_i32 = arith.constant 0 : i32
    %c0_i32_0 = arith.constant 0 : i32
    %c0_i32_1 = arith.constant 0 : i32
    return %c0_i32, %c0_i32_0 : i32, i32
  }
  func.func @transform_11(%arg0: i32) -> (i32, i32) {
    %c0_i32 = arith.constant 0 : i32
    %c0_i32_0 = arith.constant 0 : i32
    %c0_i32_1 = arith.constant 0 : i32
    return %c0_i32, %c0_i32_0 : i32, i32
  }
  func.func @transform_12(%arg0: i32) -> (i32, i32) {
    %c0_i32 = arith.constant 0 : i32
    %c0_i32_0 = arith.constant 0 : i32
    return %arg0, %c0_i32 : i32, i32
  }
}

</mosaic_0001>

<sc_bundles>
// kernel: kernel.4.cloned.1.call-start
scs
__scs_entry_jumppad:
0x0: {  	(pc) =	sbr.rel $0x88, $3  }
0x1: {  	(tag) =	ssettag $0x0;
	lr =	simm.s32 $0x1  }
0x2: {  	[smem:$0x3F95] =	sst lr;
	_ =	strace $0xD0000000  }
0x3: {  	_ = 	snop  }
0x4: {  	_ = 	snop  }
0x5: {  	_ = 	snop  }
0x6: {  	_ = 	snop  }
0x7: {  	_ = 	snop  }
__scs_overlays_trampoline_lowered:
0x8: {  	[smem:$0x3FA4] =	sst s0  }
0x9: {  	[smem:$0x3FA5] =	sst s1  }
0xa: {  	[smem:$0x3FA6] =	sst s2  }
0xb: {  	[smem:$0x3FA7] =	sst s3  }
0xc: {  	[smem:$0x3FA8] =	sst s4  }
0xd: {  	[smem:$0x3FA9] =	sst s5  }
0xe: {  	[smem:$0x3FAA] =	sst s6  }
0xf: {  	[smem:$0x3FAB] =	sst s7  }
0x10: {  	[smem:$0x3FAC] =	sst s8  }
0x11: {  	[smem:$0x3FAD] =	sst s9;
	s0 =	simm.s32 @!p0 $0x0  }
0x12: {  	s1 =	sld [smem:$0x3F93];
	s0 =	simm.s32 @p0 $0x1  }
0x13: {  	[smem:$0x3FAE] =	sst s0;
	s0 =	simm.s32 @!p1 $0x0  }
0x14: {  	s2 =	sld [smem:$0x3F92];
	s0 =	simm.s32 @p1 $0x1  }
0x15: {  	[smem:$0x3FAF] =	sst s0;
	s0 =	simm.s32 @!p2 $0x0  }
0x16: {  	s3 =	sld [smem:$0x3FDB];
	s0 =	simm.s32 @p2 $0x1  }
0x17: {  	s4 =	simm.s32 $0x1BF5;
	[smem:$0x3FB1] =	sst s0  }
0x18: {  	s0 =	sld [smem:$0x3F94];
	_ =	swait.ge [sflag:s4], $0x0  }
0x19: {  	s7 =	sld [smem:$0x3F95]  }
0x1a: {  	s8 =	sadd.s32 $0xFFFFE003, lr  }
0x1b: {  	s9 =	sadd.s32 $0xFFFFFEF7, lr;
	s5 =	simm.s32 $0xFFFFFFFF;
	p2 =	slt.u32 s8, $0xFFFFF086  }
0x1c: {  	p1 =	slt.u32 s9, $0xF7A;
	s5 =	simm.s32 @!p2 $0x0  }
0x1d: {  	s5 =	simm.s32 @p1 $0x1;
	p0 =	seq.s32 s7, s2  }
0x1e: {  	s7 =	smul.u32 @!p0 $0xF7A, s2;
	p2 =	seq.s32 @!p0 s5, $0x0  }
0x1f: {  	s9 =	smul.u32 $0xF7A, s1;
	s8 =	simm.s32 @!p0 $0x1BF5;
	p2 =	por !p2, p0  }
0x20: {  	[sflag:s8] =	ssyncset.s32 @!p0 $0xFFFFF086;
	s6 =	sadd.s32 @!p0 s3, s7;
	s7 =	simm.s32 @!p0 $0x108  }
0x21: {  	s3 =	sadd.s32 s3, s9;
	s6 =	sadd.s32 @!p0 $0x88, s6;
	s7 =	simm.s32 @p2 $0x1082  }
0x22: {  	[simem:s7], [sflag:s8] =	dma.local @!p0 [hbm:s6], $0xF7A  }
0x23: {  	s9 =	sor.u32 $0xD0000000, s2;
	s6 =	simm.s32 $0x108;
	_ =	swait.ge @!p0 [sflag:s8], $0x0  }
0x24: {  	s3 =	sadd.s32 $0x88, s3;
	s6 =	simm.s32 @!p1 $0x1082;
	[sflag:s4] =	ssyncset.s32 $0xFFFFF086  }
0x25: {  	[simem:s6], [sflag:s4] =	dma.local [hbm:s3], $0xF7A  }
0x26: {  	[smem:$0x3F95] =	sst s1;
	(tag) =	ssettag s2;
	_ =	strace s9  }
0x27: {  	s1 =	sld [smem:$0x3FA5]  }
0x28: {  	s2 =	sld [smem:$0x3FA6]  }
0x29: {  	s4 =	sld [smem:$0x3FA8]  }
0x2a: {  	p0 =	seq.s32 s5, $0x0;
	s5 =	sld [smem:$0x3FA9]  }
0x2b: {  	s6 =	sld [smem:$0x3FAA]  }
0x2c: {  	s7 =	sld [smem:$0x3FAB]  }
0x2d: {  	s3 =	simm.s32 $0x108;
	s8 =	sld [smem:$0x3FAC]  }
0x2e: {  	s3 =	simm.s32 @!p0 $0x1082;
	s9 =	sld [smem:$0x3FAD]  }
0x2f: {  	lr =	sadd.s32 s0, s3;
	s0 =	sld [smem:$0x3FA4]  }
0x30: {  	s3 =	sld [smem:$0x3FA7]  }
0x31: {  	[smem:$0x3FB0] =	sst s10  }
0x32: {  	s10 =	sld [smem:$0x3FAE];
	_ =	sdelay $0x3  }
0x33: {  	p0 =	seq.s32 s10, $0x1;
	s10 =	sld [smem:$0x3FB0];
	_ =	sdelay $0x3  }
0x34: {  	[smem:$0x3FB0] =	sst s10  }
0x35: {  	s10 =	sld [smem:$0x3FAF];
	_ =	sdelay $0x3  }
0x36: {  	p1 =	seq.s32 s10, $0x1;
	s10 =	sld [smem:$0x3FB0];
	_ =	sdelay $0x3  }
0x37: {  	[smem:$0x3FB0] =	sst s10  }
0x38: {  	s10 =	sld [smem:$0x3FB1]  }
0x39: {  	_ = 	snop;
	(pc) =	sbr.ind lr, $3  }
0x3a: {  	_ = 	snop  }
0x3b: {  	_ = 	snop  }
0x3c: {  	p2 =	seq.s32 s10, $0x1;
	s10 =	sld [smem:$0x3FB0]  }
0x3d: {  	_ =	shalt  }
0x3e: {  	_ =	shalt  }
0x3f: {  	_ =	shalt  }
0x40: {  	_ =	shalt  }
0x41: {  	_ =	shalt  }
0x42: {  	_ =	shalt  }
0x43: {  	_ =	shalt  }
0x44: {  	_ =	shalt  }
0x45: {  	_ =	shalt  }
0x46: {  	_ =	shalt  }
0x47: {  	_ =	shalt  }
0x48: {  	_ =	shalt  }
0x49: {  	_ =	shalt  }
0x4a: {  	_ =	shalt  }
0x4b: {  	_ =	shalt  }
0x4c: {  	_ =	shalt  }
0x4d: {  	_ =	shalt  }
0x4e: {  	_ =	shalt  }
0x4f: {  	_ =	shalt  }
0x50: {  	_ =	shalt  }
0x51: {  	_ =	shalt  }
0x52: {  	_ =	shalt  }
0x53: {  	_ =	shalt  }
0x54: {  	_ =	shalt  }
0x55: {  	_ =	shalt  }
0x56: {  	_ =	shalt  }
0x57: {  	_ =	shalt  }
0x58: {  	_ =	shalt  }
0x59: {  	_ =	shalt  }
0x5a: {  	_ =	shalt  }
0x5b: {  	_ =	shalt  }
0x5c: {  	_ =	shalt  }
0x5d: {  	_ =	shalt  }
0x5e: {  	_ =	shalt  }
0x5f: {  	_ =	shalt  }
0x60: {  	_ =	shalt  }
0x61: {  	_ =	shalt  }
0x62: {  	_ =	shalt  }
0x63: {  	_ =	shalt  }
0x64: {  	_ =	shalt  }
0x65: {  	_ =	shalt  }
0x66: {  	_ =	shalt  }
0x67: {  	_ =	shalt  }
0x68: {  	_ =	shalt  }
0x69: {  	_ =	shalt  }
0x6a: {  	_ =	shalt  }
0x6b: {  	_ =	shalt  }
0x6c: {  	_ =	shalt  }
0x6d: {  	_ =	shalt  }
0x6e: {  	_ =	shalt  }
0x6f: {  	_ =	shalt  }
0x70: {  	_ =	shalt  }
0x71: {  	_ =	shalt  }
0x72: {  	_ =	shalt  }
0x73: {  	_ =	shalt  }
0x74: {  	_ =	shalt  }
0x75: {  	_ =	shalt  }
0x76: {  	_ =	shalt  }
0x77: {  	_ =	shalt  }
0x78: {  	_ =	shalt  }
0x79: {  	_ =	shalt  }
0x7a: {  	_ =	shalt  }
0x7b: {  	_ =	shalt  }
0x7c: {  	_ =	shalt  }
0x7d: {  	_ =	shalt  }
0x7e: {  	_ =	shalt  }
0x7f: {  	_ =	shalt  }
0x80: {  	_ =	shalt  }
0x81: {  	_ =	shalt  }
0x82: {  	_ =	shalt  }
0x83: {  	_ =	shalt  }
0x84: {  	_ =	shalt  }
0x85: {  	_ =	shalt  }
0x86: {  	_ =	shalt  }
0x87: {  	_ =	shalt  }
.Lfunc_end0:
.L_simem_size_0:
called_computation_lowered:
.L_overlay_start_0:
0x88: {  	s2 =	sld [smem:$0x3FD9]  }
0x89: {  	s3 =	sld [smem:$0x3FFE];
	_ =	sdelay $0x1  }
0x8a: {  	s1 =	srdreg.scid  }
0x8b: {  	s0 =	sand.u32 $0x1, s1  }
0x8c: {  	s17 =	sshll.u32 s0, $0xA;
	s2 =	sadd.s32 s3, s2  }
0x8d: {  	s2 =	sadd.s32 s2, s17  }
0x8e: {  	[smem:$0x3FBC] =	sst s2  }
0x8f: {  	_ = 	snop  }
0x90: {  	s2 =	sld [smem:$0x3FC9]  }
0x91: {  	s18 =	sld [smem:$0x3FD0];
	(tm) =	ssettm $0x1  }
0x92: {  	s4 =	sld [smem:$0x3FFB];
	_ =	sdelay $0x3  }
0x93: {  	_ =	strace s4  }
0x94: {  	s4 =	sld [smem:$0x3FFC];
	_ =	sdelay $0x3  }
0x95: {  	_ =	strace s4  }
0x96: {  	s4 =	sld [smem:$0x3FFD];
	_ =	sdelay $0x3  }
0x97: {  	_ =	strace s4  }
0x98: {  	_ =	strace $0x8FFFFFFF  }
0x99: {  	s19 =	sld [smem:$0x3FDB];
	_ =	sdelay $0x1  }
0x9a: {  	s5 =	simm.s32 $_scs_section_size  }
0x9b: {  	s6 =	simm.s32 $_size__tile_overlayer_lowered;
	s7 =	simm.s32 $_tile_overlayer_lowered  }
0x9c: {  	s22 =	simm.s32 $0x1BFF;
	s21 =	sshll.u32 s7, $0x1;
	s4 =	sadd.s32 s5, s19  }
0x9d: {  	s8 =	simm.s32 $0x0;
	s20 =	sshll.u32 s6, $0x1;
	s6 =	sadd.s32 s21, s4  }
0x9e: {  	[timem:s8], [sflag:s22] =	dma.local [hbm:s6], s20  }
0x9f: {  	_ =	swait.ge [sflag:s22], s20  }
0xa0: {  	s5 =	ssub.s32 $0x0, s20;
	[sflag:s22] =	ssyncset.done $0x0  }
0xa1: {  	[sflag:s22] =	ssyncadd.s32 s5;
	_ =	sdelay $0x1  }
0xa2: {  	s23 =	simm.s32 $0x1B8B  }
0xa3: {  	_ =	swait.ge [sflag:s23], $0x1  }
0xa4: {  	[sflag:s23] =	ssyncset.done $0x0  }
0xa5: {  	s25 =	simm.s32 $0x1B8E;
	s24 =	sld [smem:$0x3FFE];
	[sflag:s23] =	ssyncadd.s32 $0xFFFFFFFF  }
0xa6: {  	s26 =	simm.s32 $execute0_lowered;
	[smem:$0x3FD2] =	sst s25  }
0xa7: {  	s6 =	sshll.u32 s26, $0x1;
	_ =	strace $0x80000046;
	[dreg:$0x1] =	wrdreg $0xFFFFFFFF  }
0xa8: {  	s28 =	simm.s32 $_size_execute0_lowered;
	s4 =	sadd.s32 s4, s6;
	[dreg:$0x0] =	wrdreg $0x0  }
0xa9: {  	s6 =	sshll.u32 s28, $0x1;
	[dreg:$0x2] =	wrdreg s4  }
0xaa: {  	[dreg:$0x3] =	wrdreg s6  }
0xab: {  	[dreg:$0x4] =	wrdreg $0xC0  }
0xac: {  	_ =	task [dreg:s8], $0x5FFFF  }
0xad: {  	[dreg:$0x1] =	wrdreg $0xFFFFFFFF  }
0xae: {  	[dreg:$0x0] =	wrdreg $0x60  }
0xaf: {  	[dreg:$0x2] =	wrdreg s2  }
0xb0: {  	[dreg:$0x3] =	wrdreg s24  }
0xb1: {  	[dreg:$0x4] =	wrdreg s18  }
0xb2: {  	[dreg:$0x5] =	wrdreg $0x9  }
0xb3: {  	_ =	task.clear_ibuf [dreg:s8], $0x6FFFF;
	_ =	strace $0x90000046  }
0xb4: {  	s29 =	simm.s32 $0x9;
	_ =	strace $0x80000048  }
0xb5: {  	_ =	swait.ge [sflag:s29], $0x1  }
0xb6: {  	[sflag:s29] =	ssyncadd.s32 $0xFFFFFFFF  }
0xb7: {  	_ =	strace $0x90000048  }
0xb8: {  	_ =	sfence  }
0xb9: {  	s30 =	sld [smem:$0x0];
	_ =	sdelay $0x2  }
0xba: {  	s31 =	sshll.u32 s1, $0xD;
	s1 =	sshrl.u32 s1, $0x2  }
0xbb: {  	s3 =	sand.u32 $0x4000, s31;
	s1 =	sadd.s32 s1, s30  }
0xbc: {  	s0 =	sor.u32 s3, s0;
	s1 =	sshll.u32 s1, $0x11  }
0xbd: {  	s0 =	sor.u32 s1, s0  }
0xbe: {  	s0 =	sadd.s32 $0x8F2B, s0  }
0xbf: {  	[sflag:s0] =	ssyncadd.remote.s32 $0x1  }
0xc0: {  	_ =	sfence.sel $0xFFFF  }
0xc1: {  	[dreg:$0x0] =	wrdreg $0xFFFFFFFF;
	(pc) =	sbr.abs _section_cstart, $3  }
0xc2: {  	[dreg:$0x1] =	wrdreg $0xFFFFFFFF  }
0xc3: {  	_ =	task.clear_ibuf [dreg:s8], $0x2FFFF;
	_ =	strace $0x9FFFFFFF  }
0xc4: {  	(tm) =	ssettm $0x7FFFFFFF  }
0xc5: {  	_ =	shalt  }
tec
execute0_lowered:
.L_overlay_start_1:
0x0: {  	(tag) =	ssettag $0x1  }
0x1: {  	s0 =	rddreg [dreg:$0x0]  }
0x2: {  	s1 =	rddreg [dreg:$0x1]  }
0x3: {  	s6 =	rddreg [dreg:$0x2]  }
0x4: {  	s2 =	simm.s32 $0x0;
	s3 =	srdreg.scid;
	s5 =	stileid.u32  }
0x5: {  	s10 =	simm.s32 $0x6400;
	s11 =	simm.s32 $0x80;
	s12 =	simm.s32 $0x6600  }
0x6: {  	s14 =	simm.s32 $0x8600;
	s16 =	simm.s32 $0xA600;
	s18 =	simm.s32 $0xC600  }
0x7: {  	s19 =	simm.s32 $0x1;
	s21 =	simm.s32 $0x180;
	s22 =	simm.s32 $0x200  }
0x8: {  	s23 =	simm.s32 $0xE600;
	s24 =	simm.s32 $0x280;
	s28 =	simm.s32 $0x12600  }
0x9: {  	s29 =	simm.s32 $0x380;
	s30 =	simm.s32 $0x14600;
	s31 =	simm.s32 $0x2  }
0xa: {  	[smem:$0x7FF] =	sst s2;
	s4 =	sand.u32 $0x1, s3;
	s5 =	sshll.u32 s5, $0x1  }
0xb: {  	s3 =	sadd.s32 $0xF44200, s1;
	s7 =	sor.u32 s4, s5;
	s4 =	ssub.s32 $0x2, s4  }
0xc: {  	_ =	strace $0x80000047;
	s5 =	sshll.u32 s7, $0x3;
	s8 =	sshrl.u32 s4, $0x1  }
0xd: {  	s9 =	smul.u32 $0xC80, s7;
	s25 =	sshll.u32 s7, $0x6;
	s26 =	sshll.u32 s7, $0xC  }
0xe: {  	p0 =	seq.s32 s7, $0x1F;
	s1 =	sadd.s32 s5, s1;
	s8 =	ssub.s32 s4, s8  }
0xf: {  	s5 =	sadd.s32 s0, s25;
	s6 =	sadd.s32 s6, s26;
	s25 =	simm.s32 $0x10600  }
0x10: {  	s26 =	simm.s32 $0x300;
	s4 =	sadd.s32 s0, s9;
	s0 =	simm.f32 $1.000000000e+00  }
0x11: {  	s7 =	sadd.s32 $0x1E00, s1;
	s8 =	smax.u32 s8, $0x1;
	s0 =	simm.s32 @!p0 $0x0  }
0x12: {  	s9 =	simm.s32 $0x3;
	s1 =	simm.s32 $0x0;
	v0 =	vmov s0;
	s0 =	simm.s32 $0x16600  }
.LBB2_1:
0x13: {  	[tilespmem:s2], [sflag:$0x3] =	stream.linear.gather [hbm4b:s4+s2], $0x6400, $0x38;
	[tilespmem:$0x16640] =	vst v63  }
0x14: {  	_ =	swait.ge [sflag:s9], $0x6400  }
0x15: {  	[sflag:s9] =	ssyncset.done $0x0  }
0x16: {  	[sflag:s9] =	ssyncadd.s32 $0xFFFF9C00  }
0x17: {  	[tilespmem:s10], [sflag:$0x3] =	stream.linear.gather [hbm4b:s5+s2], $0x200, $0x38;
	[tilespmem:$0x16640] =	vst v63  }
0x18: {  	_ =	swait.ge [sflag:s9], $0x200  }
0x19: {  	[sflag:s9] =	ssyncset.done $0x0  }
0x1a: {  	[sflag:s9] =	ssyncadd.s32 $0xFFFFFE00  }
0x1b: {  	[tilespmem:s12], [sflag:$0x1] =	stream.indirect.gather [hbm4b:s3+s11], $0x40, s10, s11, $0xb8;
	[tilespmem:$0x16640] =	vst v63  }
0x1c: {  	s13 =	simm.s32 $0x6480  }
0x1d: {  	[tilespmem:s14], [sflag:$0x1] =	stream.indirect.gather [hbm4b:s3+s11], $0x40, s13, s11, $0xb8;
	[tilespmem:$0x16640] =	vst v63  }
0x1e: {  	s17 =	simm.s32 $0x6500  }
0x1f: {  	[tilespmem:s16], [sflag:$0x1] =	stream.indirect.gather [hbm4b:s3+s11], $0x40, s17, s11, $0xb8;
	[tilespmem:$0x16640] =	vst v63  }
0x20: {  	s20 =	simm.s32 $0x6580  }
0x21: {  	[tilespmem:s18], [sflag:$0x1] =	stream.indirect.gather [hbm4b:s3+s11], $0x40, s20, s11, $0xb8;
	[tilespmem:$0x16640] =	vst v63  }
0x22: {  	_ =	swait.ge [sflag:s19], $0x2000  }
0x23: {  	[sflag:s19] =	ssyncset.done $0x0  }
0x24: {  	[sflag:s19] =	ssyncadd.s32 $0xFFFFE000  }
0x25: {  	_ =	swait.ge [sflag:s19], $0x2000  }
0x26: {  	[sflag:s19] =	ssyncset.done $0x0  }
0x27: {  	[sflag:s19] =	ssyncadd.s32 $0xFFFFE000  }
0x28: {  	_ =	swait.ge [sflag:s19], $0x2000  }
0x29: {  	[sflag:s19] =	ssyncset.done $0x0  }
0x2a: {  	[sflag:s19] =	ssyncadd.s32 $0xFFFFE000  }
0x2b: {  	_ =	swait.ge [sflag:s19], $0x2000  }
0x2c: {  	[sflag:s19] =	ssyncset.done $0x0  }
0x2d: {  	[sflag:s19] =	ssyncadd.s32 $0xFFFFE000  }
0x2e: {  	[hbm4b:s6+s2] =	stream.linear.scatter [tilespmem:s12], [sflag:$0x3], $0x8000, $0x38;
	[tilespmem:$0x16640] =	vst v63  }
0x2f: {  	_ =	swait.ge [sflag:s9], $0x8000  }
0x30: {  	[sflag:s9] =	ssyncset.done $0x0  }
0x31: {  	s13 =	simm.s32 $0x0;
	[sflag:s9] =	ssyncadd.s32 $0xFFFF8000  }
0x32: {  	v1 =	vld [tilespmem:s13+$0x67C0]  }
0x33: {  	v2 =	vld [tilespmem:s13+$0x67D0]  }
0x34: {  	v3 =	vld [tilespmem:s13+$0x6780]  }
0x35: {  	v4 =	vld [tilespmem:s13+$0x6790]  }
0x36: {  	v5 =	vld [tilespmem:s13+$0x6740]  }
0x37: {  	v6 =	vld [tilespmem:s13+$0x6750]  }
0x38: {  	v7 =	vld [tilespmem:s13+$0x6700]  }
0x39: {  	v8 =	vld [tilespmem:s13+$0x6710]  }
0x3a: {  	v9 =	vld [tilespmem:s13+$0x66C0]  }
0x3b: {  	v10 =	vld [tilespmem:s13+$0x66D0]  }
0x3c: {  	v11 =	vld [tilespmem:s13+$0x6680]  }
0x3d: {  	v12 =	vld [tilespmem:s13+$0x6690]  }
0x3e: {  	v17 =	vld [tilespmem:s13+$0x6640]  }
0x3f: {  	v18 =	vld [tilespmem:s13+$0x6650]  }
0x40: {  	v19 =	vld [tilespmem:s13+$0x6600]  }
0x41: {  	v13 =	vimm.f32 $0.0e+00;
	v21 =	vld [tilespmem:s13+$0x6610]  }
0x42: {  	s15 =	simm.s32 $0x800;
	v16 =	vimm.f32 $0.0e+00;
	v14 =	vimm.f32 $0.0e+00;
	v15 =	vimm.f32 $0.0e+00;
	v20 =	vld [tilespmem:s13+$0x6620]  }
.LBB2_2:
0x43: {  	p0 =	sne.s32 s15, $0x1F800;
	v22 =	vld [tilespmem:s13+$0x6630]  }
0x44: {  	v23 =	vld [tilespmem:s13+$0x6660]  }
0x45: {  	v24 =	vld [tilespmem:s13+$0x6670]  }
0x46: {  	v25 =	vld [tilespmem:s13+$0x66A0]  }
0x47: {  	v13 =	vsub.f32 v13, v19;
	v16 =	vsub.f32 v16, v21;
	v19 =	vld [tilespmem:s13+$0x66B0]  }
0x48: {  	v14 =	vsub.f32 v14, v20;
	v15 =	vsub.f32 v15, v22;
	v20 =	vld [tilespmem:s13+$0x66E0]  }
0x49: {  	v13 =	vsub.f32 v13, v17;
	v16 =	vsub.f32 v16, v18;
	v17 =	vld [tilespmem:s13+$0x66F0]  }
0x4a: {  	v14 =	vsub.f32 v14, v23;
	v15 =	vsub.f32 v15, v24;
	v18 =	vld [tilespmem:s13+$0x6720]  }
0x4b: {  	v11 =	vsub.f32 v13, v11;
	v12 =	vsub.f32 v16, v12;
	v13 =	vld [tilespmem:s13+$0x6730]  }
0x4c: {  	v14 =	vsub.f32 v14, v25;
	v15 =	vsub.f32 v15, v19;
	v16 =	vld [tilespmem:s13+$0x6760]  }
0x4d: {  	v9 =	vsub.f32 v11, v9;
	v10 =	vsub.f32 v12, v10;
	v11 =	vld [tilespmem:s13+$0x6770]  }
0x4e: {  	v12 =	vsub.f32 v14, v20;
	v14 =	vsub.f32 v15, v17;
	v15 =	vld [tilespmem:s13+$0x67A0]  }
0x4f: {  	v7 =	vsub.f32 v9, v7;
	v8 =	vsub.f32 v10, v8;
	v9 =	vld [tilespmem:s13+$0x67B0]  }
0x50: {  	v10 =	vsub.f32 v12, v18;
	v12 =	vsub.f32 v14, v13;
	v14 =	vld [tilespmem:s13+$0x67E0]  }
0x51: {  	v5 =	vsub.f32 v7, v5;
	v6 =	vsub.f32 v8, v6;
	v7 =	vld [tilespmem:s13+$0x67F0];
	s13 =	sshra.s32 s15, $0x2  }
0x52: {  	v10 =	vsub.f32 v10, v16;
	v8 =	vld [tilespmem:s13+$0x67C0];
	v11 =	vsub.f32 v12, v11  }
0x53: {  	v5 =	vsub.f32 v5, v3;
	v6 =	vsub.f32 v6, v4;
	v12 =	vld [tilespmem:s13+$0x67D0]  }
0x54: {  	v10 =	vsub.f32 v10, v15;
	v3 =	vld [tilespmem:s13+$0x6780];
	v9 =	vsub.f32 v11, v9  }
0x55: {  	v13 =	vsub.f32 v5, v1;
	v16 =	vsub.f32 v6, v2;
	v4 =	vld [tilespmem:s13+$0x6790]  }
0x56: {  	v14 =	vsub.f32 v10, v14;
	v5 =	vld [tilespmem:s13+$0x6740];
	v15 =	vsub.f32 v9, v7  }
0x57: {  	v6 =	vld [tilespmem:s13+$0x6750];
	v1 =	vmov v8  }
0x58: {  	v7 =	vld [tilespmem:s13+$0x6700];
	v2 =	vmov v12  }
0x59: {  	v8 =	vld [tilespmem:s13+$0x6710]  }
0x5a: {  	v9 =	vld [tilespmem:s13+$0x66C0]  }
0x5b: {  	v10 =	vld [tilespmem:s13+$0x66D0]  }
0x5c: {  	v11 =	vld [tilespmem:s13+$0x6680]  }
0x5d: {  	v12 =	vld [tilespmem:s13+$0x6690]  }
.Ltmp0:
0x5e: {  	v17 =	vld [tilespmem:s13+$0x6640];
	(pc) =	sbr.rel @p0 .LBB2_2-.Ltmp0, $4  }
0x5f: {  	v18 =	vld [tilespmem:s13+$0x6650]  }
0x60: {  	v19 =	vld [tilespmem:s13+$0x6600]  }
0x61: {  	v21 =	vld [tilespmem:s13+$0x6610]  }
0x62: {  	s15 =	sadd.s32 $0x800, s15;
	v20 =	vld [tilespmem:s13+$0x6620]  }
0x63: {  	v22 =	vld [tilespmem:s13+$0x6630]  }
0x64: {  	v23 =	vld [tilespmem:s13+$0x6660]  }
0x65: {  	v24 =	vld [tilespmem:s13+$0x6670]  }
0x66: {  	v25 =	vld [tilespmem:s13+$0x66A0]  }
0x67: {  	v26 =	vld [tilespmem:s13+$0x66B0]  }
0x68: {  	v27 =	vld [tilespmem:s13+$0x66E0]  }
0x69: {  	v28 =	vld [tilespmem:s13+$0x66F0]  }
0x6a: {  	v29 =	vld [tilespmem:s13+$0x6720]  }
0x6b: {  	v30 =	vld [tilespmem:s13+$0x6730]  }
0x6c: {  	v31 =	vld [tilespmem:s13+$0x6760]  }
0x6d: {  	v32 =	vld [tilespmem:s13+$0x6770]  }
0x6e: {  	v33 =	vld [tilespmem:s13+$0x67A0]  }
0x6f: {  	v34 =	vld [tilespmem:s13+$0x67B0]  }
0x70: {  	v35 =	vld [tilespmem:s13+$0x67E0]  }
0x71: {  	v36 =	vld [tilespmem:s13+$0x67F0];
	v13 =	vsub.f32 v13, v19  }
0x72: {  	v37 =	vld [tilespmem:$0xE5C0];
	v16 =	vsub.f32 v16, v21;
	v14 =	vsub.f32 v14, v20  }
0x73: {  	v38 =	vld [tilespmem:$0xE5D0];
	v13 =	vsub.f32 v13, v17;
	v15 =	vsub.f32 v15, v22  }
0x74: {  	v54 =	vld [tilespmem:$0xE5E0];
	s13 =	simm.s32 $0x0;
	v16 =	vsub.f32 v16, v18;
	v14 =	vsub.f32 v14, v23  }
0x75: {  	v55 =	vld [tilespmem:$0xE5F0];
	[tilespmem:s12], [sflag:$0x1] =	stream.indirect.gather [hbm4b:s3+s11], $0x40, s13, s11, $0xb8;
	v11 =	vsub.f32 v13, v11;
	v15 =	vsub.f32 v15, v24  }
0x76: {  	v12 =	vsub.f32 v16, v12;
	v56 =	vsub.f32 v14, v25  }
0x77: {  	[tilespmem:s14], [sflag:$0x1] =	stream.indirect.gather [hbm4b:s3+s11], $0x40, s11, s11, $0xb8;
	v9 =	vsub.f32 v11, v9;
	v57 =	vsub.f32 v15, v26;
	[tilespmem:$0x16640] =	vst v63  }
0x78: {  	s15 =	simm.s32 $0x100;
	v10 =	vsub.f32 v12, v10;
	v58 =	vsub.f32 v56, v27  }
0x79: {  	[tilespmem:s16], [sflag:$0x1] =	stream.indirect.gather [hbm4b:s3+s11], $0x40, s15, s11, $0xb8;
	v7 =	vsub.f32 v9, v7;
	v59 =	vsub.f32 v57, v28;
	[tilespmem:$0x16640] =	vst v63  }
0x7a: {  	v8 =	vsub.f32 v10, v8;
	v60 =	vsub.f32 v58, v29  }
0x7b: {  	[tilespmem:s18], [sflag:$0x1] =	stream.indirect.gather [hbm4b:s3+s11], $0x40, s21, s11, $0xb8;
	v5 =	vsub.f32 v7, v5;
	v61 =	vsub.f32 v59, v30;
	[tilespmem:$0x16640] =	vst v63  }
0x7c: {  	v6 =	vsub.f32 v8, v6;
	v7 =	vsub.f32 v60, v31  }
0x7d: {  	[tilespmem:s23], [sflag:$0x2] =	stream.indirect.gather [hbm4b:s3+s11], $0x40, s22, s11, $0xb8;
	v3 =	vsub.f32 v5, v3;
	v62 =	vsub.f32 v61, v32;
	[tilespmem:$0x16640] =	vst v63  }
0x7e: {  	v4 =	vsub.f32 v6, v4;
	v5 =	vsub.f32 v7, v33  }
0x7f: {  	v63 =	vmul.f32 v55, v0;
	[tilespmem:s25], [sflag:$0x2] =	stream.indirect.gather [hbm4b:s3+s11], $0x40, s24, s11, $0xb8;
	v1 =	vsub.f32 v3, v1;
	v6 =	vsub.f32 v62, v34;
	[tilespmem:$0x16640] =	vst v63  }
0x80: {  	v3 =	vmul.f32 v37, v0;
	v2 =	vsub.f32 v4, v2;
	v4 =	vmul.f32 v38, v0  }
0x81: {  	[tilespmem:s28], [sflag:$0x2] =	stream.indirect.gather [hbm4b:s3+s11], $0x40, s26, s11, $0xb8;
	v7 =	vmul.f32 v54, v0;
	v5 =	vsub.f32 v5, v35;
	v6 =	vsub.f32 v6, v36;
	[tilespmem:$0x16640] =	vst v63  }
0x82: {  	v3 =	vadd.f32 v3, v1;
	v4 =	vadd.f32 v4, v2  }
0x83: {  	[tilespmem:s30], [sflag:$0x2] =	stream.indirect.gather [hbm4b:s3+s11], $0x40, s29, s11, $0xb8;
	v1 =	vadd.f32 v7, v5;
	v2 =	vadd.f32 v63, v6;
	[tilespmem:$0x16640] =	vst v63  }
.LBB2_4:
0x84: {  	_ =	swait.ge [sflag:s19], $0x2000  }
0x85: {  	[sflag:s19] =	ssyncset.done $0x0  }
0x86: {  	[sflag:s19] =	ssyncadd.s32 $0xFFFFE000  }
0x87: {  	_ =	swait.ge [sflag:s19], $0x2000  }
0x88: {  	[sflag:s19] =	ssyncset.done $0x0  }
0x89: {  	[sflag:s19] =	ssyncadd.s32 $0xFFFFE000  }
0x8a: {  	_ =	swait.ge [sflag:s19], $0x2000  }
0x8b: {  	[sflag:s19] =	ssyncset.done $0x0  }
0x8c: {  	[sflag:s19] =	ssyncadd.s32 $0xFFFFE000  }
0x8d: {  	_ =	swait.ge [sflag:s19], $0x2000  }
0x8e: {  	[sflag:s19] =	ssyncset.done $0x0  }
0x8f: {  	s17 =	simm.s32 $0x0;
	[sflag:s19] =	ssyncadd.s32 $0xFFFFE000  }
0x90: {  	v6 =	vld [tilespmem:s17+$0x67C0]  }
0x91: {  	v7 =	vld [tilespmem:s17+$0x67D0]  }
0x92: {  	v8 =	vld [tilespmem:s17+$0x6780]  }
0x93: {  	v9 =	vld [tilespmem:s17+$0x6790]  }
0x94: {  	v10 =	vld [tilespmem:s17+$0x6740]  }
0x95: {  	v11 =	vld [tilespmem:s17+$0x6750]  }
0x96: {  	v13 =	vld [tilespmem:s17+$0x6700]  }
0x97: {  	v14 =	vld [tilespmem:s17+$0x6710]  }
0x98: {  	v16 =	vld [tilespmem:s17+$0x66C0]  }
0x99: {  	v17 =	vld [tilespmem:s17+$0x66D0]  }
0x9a: {  	v12 =	vld [tilespmem:s17+$0x6680]  }
0x9b: {  	v15 =	vld [tilespmem:s17+$0x6690]  }
0x9c: {  	v18 =	vld [tilespmem:s17+$0x6640]  }
0x9d: {  	v19 =	vld [tilespmem:s17+$0x6650]  }
0x9e: {  	v21 =	vld [tilespmem:s17+$0x6600]  }
0x9f: {  	v22 =	vld [tilespmem:s17+$0x6610]  }
0xa0: {  	s15 =	simm.s32 $0x800;
	v20 =	vld [tilespmem:s17+$0x6620]  }
.LBB2_5:
0xa1: {  	p0 =	sne.s32 s15, $0x1F800;
	v5 =	vld [tilespmem:s17+$0x6630]  }
0xa2: {  	v23 =	vld [tilespmem:s17+$0x6660]  }
0xa3: {  	v24 =	vld [tilespmem:s17+$0x6670]  }
0xa4: {  	v25 =	vld [tilespmem:s17+$0x66A0]  }
0xa5: {  	v3 =	vadd.f32 v21, v3;
	v4 =	vadd.f32 v22, v4;
	v21 =	vld [tilespmem:s17+$0x66B0]  }
0xa6: {  	v1 =	vadd.f32 v20, v1;
	v2 =	vadd.f32 v5, v2;
	v5 =	vld [tilespmem:s17+$0x66E0]  }
0xa7: {  	v3 =	vadd.f32 v18, v3;
	v4 =	vadd.f32 v19, v4;
	v18 =	vld [tilespmem:s17+$0x66F0]  }
0xa8: {  	v1 =	vadd.f32 v23, v1;
	v2 =	vadd.f32 v24, v2;
	v19 =	vld [tilespmem:s17+$0x6720]  }
0xa9: {  	v3 =	vadd.f32 v12, v3;
	v4 =	vadd.f32 v15, v4;
	v12 =	vld [tilespmem:s17+$0x6730]  }
0xaa: {  	v1 =	vadd.f32 v25, v1;
	v2 =	vadd.f32 v21, v2;
	v15 =	vld [tilespmem:s17+$0x6760]  }
0xab: {  	v3 =	vadd.f32 v16, v3;
	v4 =	vadd.f32 v17, v4;
	v16 =	vld [tilespmem:s17+$0x6770]  }
0xac: {  	v1 =	vadd.f32 v5, v1;
	v2 =	vadd.f32 v18, v2;
	v5 =	vld [tilespmem:s17+$0x67A0]  }
0xad: {  	v3 =	vadd.f32 v13, v3;
	v4 =	vadd.f32 v14, v4;
	v13 =	vld [tilespmem:s17+$0x67B0]  }
0xae: {  	v1 =	vadd.f32 v19, v1;
	v2 =	vadd.f32 v12, v2;
	v12 =	vld [tilespmem:s17+$0x67E0]  }
0xaf: {  	v3 =	vadd.f32 v10, v3;
	v4 =	vadd.f32 v11, v4;
	v11 =	vld [tilespmem:s17+$0x67F0];
	s17 =	sshra.s32 s15, $0x2  }
0xb0: {  	v1 =	vadd.f32 v15, v1;
	v14 =	vld [tilespmem:s17+$0x67C0];
	v2 =	vadd.f32 v16, v2  }
0xb1: {  	v3 =	vadd.f32 v8, v3;
	v4 =	vadd.f32 v9, v4;
	v15 =	vld [tilespmem:s17+$0x67D0]  }
0xb2: {  	v1 =	vadd.f32 v5, v1;
	v8 =	vld [tilespmem:s17+$0x6780];
	v2 =	vadd.f32 v13, v2  }
0xb3: {  	v3 =	vadd.f32 v6, v3;
	v4 =	vadd.f32 v7, v4;
	v9 =	vld [tilespmem:s17+$0x6790]  }
0xb4: {  	v1 =	vadd.f32 v12, v1;
	v10 =	vld [tilespmem:s17+$0x6740];
	v2 =	vadd.f32 v11, v2  }
0xb5: {  	v11 =	vld [tilespmem:s17+$0x6750];
	v6 =	vmov v14  }
0xb6: {  	v13 =	vld [tilespmem:s17+$0x6700];
	v7 =	vmov v15  }
0xb7: {  	v14 =	vld [tilespmem:s17+$0x6710]  }
0xb8: {  	v16 =	vld [tilespmem:s17+$0x66C0]  }
0xb9: {  	v17 =	vld [tilespmem:s17+$0x66D0]  }
0xba: {  	v12 =	vld [tilespmem:s17+$0x6680]  }
0xbb: {  	v15 =	vld [tilespmem:s17+$0x6690]  }
.Ltmp1:
0xbc: {  	v18 =	vld [tilespmem:s17+$0x6640];
	(pc) =	sbr.rel @p0 .LBB2_5-.Ltmp1, $4  }
0xbd: {  	v19 =	vld [tilespmem:s17+$0x6650]  }
0xbe: {  	v21 =	vld [tilespmem:s17+$0x6600]  }
0xbf: {  	v22 =	vld [tilespmem:s17+$0x6610]  }
0xc0: {  	s15 =	sadd.s32 $0x800, s15;
	v20 =	vld [tilespmem:s17+$0x6620]  }
0xc1: {  	v23 =	vld [tilespmem:s17+$0x6630]  }
0xc2: {  	v24 =	vld [tilespmem:s17+$0x6660]  }
0xc3: {  	v25 =	vld [tilespmem:s17+$0x6670]  }
0xc4: {  	v26 =	vld [tilespmem:s17+$0x66A0]  }
0xc5: {  	v27 =	vld [tilespmem:s17+$0x66B0]  }
0xc6: {  	v28 =	vld [tilespmem:s17+$0x66E0]  }
0xc7: {  	v29 =	vld [tilespmem:s17+$0x66F0]  }
0xc8: {  	v30 =	vld [tilespmem:s17+$0x6720]  }
0xc9: {  	v31 =	vld [tilespmem:s17+$0x6730]  }
0xca: {  	v32 =	vld [tilespmem:s17+$0x6760]  }
0xcb: {  	v33 =	vld [tilespmem:s17+$0x6770]  }
0xcc: {  	v34 =	vld [tilespmem:s17+$0x67A0];
	s15 =	sshll.u32 s13, $0xA  }
0xcd: {  	v35 =	vld [tilespmem:s17+$0x67B0];
	s15 =	sand.u32 $0x3FFFFC00, s15  }
0xce: {  	v36 =	vld [tilespmem:s17+$0x67E0];
	s20 =	sadd.s32 $0x400, s15  }
0xcf: {  	v37 =	vld [tilespmem:s17+$0x67F0];
	[tilespmem:s12], [sflag:$0x1] =	stream.indirect.gather [hbm4b:s3+s11], $0x40, s20, s11, $0xb8  }
0xd0: {  	s20 =	sadd.s32 $0x480, s15  }
0xd1: {  	[tilespmem:s14], [sflag:$0x1] =	stream.indirect.gather [hbm4b:s3+s11], $0x40, s20, s11, $0xb8;
	[tilespmem:$0x16640] =	vst v63  }
0xd2: {  	s20 =	sadd.s32 $0x500, s15  }
0xd3: {  	[tilespmem:s16], [sflag:$0x1] =	stream.indirect.gather [hbm4b:s3+s11], $0x40, s20, s11, $0xb8;
	[tilespmem:$0x16640] =	vst v63  }
0xd4: {  	s20 =	sadd.s32 $0x580, s15  }
0xd5: {  	[tilespmem:s18], [sflag:$0x1] =	stream.indirect.gather [hbm4b:s3+s11], $0x40, s20, s11, $0xb8;
	[tilespmem:$0x16640] =	vst v63  }
0xd6: {  	_ =	swait.ge [sflag:s31], $0x2000  }
0xd7: {  	[sflag:s31] =	ssyncset.done $0x0  }
0xd8: {  	[sflag:s31] =	ssyncadd.s32 $0xFFFFE000  }
0xd9: {  	_ =	swait.ge [sflag:s31], $0x2000  }
0xda: {  	[sflag:s31] =	ssyncset.done $0x0  }
0xdb: {  	[sflag:s31] =	ssyncadd.s32 $0xFFFFE000  }
0xdc: {  	_ =	swait.ge [sflag:s31], $0x2000  }
0xdd: {  	[sflag:s31] =	ssyncset.done $0x0  }
0xde: {  	[sflag:s31] =	ssyncadd.s32 $0xFFFFE000  }
0xdf: {  	_ =	swait.ge [sflag:s31], $0x2000  }
0xe0: {  	[sflag:s31] =	ssyncset.done $0x0  }
0xe1: {  	s17 =	simm.s32 $0x0;
	[sflag:s31] =	ssyncadd.s32 $0xFFFFE000  }
0xe2: {  	v5 =	vld [tilespmem:s17+$0xE7C0]  }
0xe3: {  	v3 =	vadd.f32 v21, v3;
	v21 =	vadd.f32 v22, v4;
	v4 =	vld [tilespmem:s17+$0xE7D0]  }
0xe4: {  	v20 =	vadd.f32 v20, v1;
	v22 =	vadd.f32 v23, v2;
	v1 =	vld [tilespmem:s17+$0xE780]  }
0xe5: {  	v18 =	vadd.f32 v18, v3;
	v19 =	vadd.f32 v19, v21;
	v2 =	vld [tilespmem:s17+$0xE790]  }
0xe6: {  	v20 =	vadd.f32 v24, v20;
	v21 =	vadd.f32 v25, v22;
	v3 =	vld [tilespmem:s17+$0xE740]  }
0xe7: {  	v18 =	vadd.f32 v12, v18;
	v19 =	vadd.f32 v15, v19;
	v12 =	vld [tilespmem:s17+$0xE750]  }
0xe8: {  	v20 =	vadd.f32 v26, v20;
	v21 =	vadd.f32 v27, v21;
	v15 =	vld [tilespmem:s17+$0xE700]  }
0xe9: {  	v18 =	vadd.f32 v16, v18;
	v19 =	vadd.f32 v17, v19;
	v16 =	vld [tilespmem:s17+$0xE710]  }
0xea: {  	v20 =	vadd.f32 v28, v20;
	v21 =	vadd.f32 v29, v21;
	v17 =	vld [tilespmem:s17+$0xE6C0]  }
0xeb: {  	v18 =	vadd.f32 v13, v18;
	v19 =	vadd.f32 v14, v19;
	v13 =	vld [tilespmem:s17+$0xE6D0]  }
0xec: {  	v20 =	vadd.f32 v30, v20;
	v21 =	vadd.f32 v31, v21;
	v14 =	vld [tilespmem:s17+$0xE680]  }
0xed: {  	v18 =	vadd.f32 v10, v18;
	v19 =	vadd.f32 v11, v19;
	v10 =	vld [tilespmem:s17+$0xE690]  }
0xee: {  	v20 =	vadd.f32 v32, v20;
	v21 =	vadd.f32 v33, v21;
	v11 =	vld [tilespmem:s17+$0xE640]  }
0xef: {  	v8 =	vadd.f32 v8, v18;
	v9 =	vadd.f32 v9, v19;
	v18 =	vld [tilespmem:s17+$0xE650]  }
0xf0: {  	v22 =	vadd.f32 v34, v20;
	v21 =	vadd.f32 v35, v21;
	v19 =	vld [tilespmem:s17+$0xE600]  }
0xf1: {  	v6 =	vadd.f32 v6, v8;
	v7 =	vadd.f32 v7, v9;
	v20 =	vld [tilespmem:s17+$0xE610]  }
0xf2: {  	s20 =	simm.s32 $0x800;
	v8 =	vadd.f32 v36, v22;
	v9 =	vadd.f32 v37, v21;
	v21 =	vld [tilespmem:s17+$0xE620]  }
.LBB2_7:
0xf3: {  	p0 =	sne.s32 s20, $0x1F800;
	v22 =	vld [tilespmem:s17+$0xE630]  }
0xf4: {  	v23 =	vld [tilespmem:s17+$0xE660]  }
0xf5: {  	v24 =	vld [tilespmem:s17+$0xE670]  }
0xf6: {  	v25 =	vld [tilespmem:s17+$0xE6A0]  }
0xf7: {  	v6 =	vadd.f32 v19, v6;
	v7 =	vadd.f32 v20, v7;
	v19 =	vld [tilespmem:s17+$0xE6B0]  }
0xf8: {  	v8 =	vadd.f32 v21, v8;
	v9 =	vadd.f32 v22, v9;
	v20 =	vld [tilespmem:s17+$0xE6E0]  }
0xf9: {  	v6 =	vadd.f32 v11, v6;
	v7 =	vadd.f32 v18, v7;
	v11 =	vld [tilespmem:s17+$0xE6F0]  }
0xfa: {  	v8 =	vadd.f32 v23, v8;
	v9 =	vadd.f32 v24, v9;
	v18 =	vld [tilespmem:s17+$0xE720]  }
0xfb: {  	v6 =	vadd.f32 v14, v6;
	v7 =	vadd.f32 v10, v7;
	v10 =	vld [tilespmem:s17+$0xE730]  }
0xfc: {  	v8 =	vadd.f32 v25, v8;
	v9 =	vadd.f32 v19, v9;
	v14 =	vld [tilespmem:s17+$0xE760]  }
0xfd: {  	v6 =	vadd.f32 v17, v6;
	v7 =	vadd.f32 v13, v7;
	v13 =	vld [tilespmem:s17+$0xE770]  }
0xfe: {  	v8 =	vadd.f32 v20, v8;
	v9 =	vadd.f32 v11, v9;
	v11 =	vld [tilespmem:s17+$0xE7A0]  }
0xff: {  	v6 =	vadd.f32 v15, v6;
	v7 =	vadd.f32 v16, v7;
	v15 =	vld [tilespmem:s17+$0xE7B0]  }
0x100: {  	v8 =	vadd.f32 v18, v8;
	v9 =	vadd.f32 v10, v9;
	v10 =	vld [tilespmem:s17+$0xE7E0]  }
0x101: {  	v3 =	vadd.f32 v3, v6;
	v6 =	vadd.f32 v12, v7;
	v12 =	vld [tilespmem:s17+$0xE7F0];
	s17 =	sshra.s32 s20, $0x2  }
0x102: {  	v7 =	vadd.f32 v14, v8;
	v16 =	vld [tilespmem:s17+$0xE7C0];
	v8 =	vadd.f32 v13, v9  }
0x103: {  	v3 =	vadd.f32 v1, v3;
	v9 =	vadd.f32 v2, v6;
	v13 =	vld [tilespmem:s17+$0xE7D0]  }
0x104: {  	v11 =	vadd.f32 v11, v7;
	v1 =	vld [tilespmem:s17+$0xE780];
	v14 =	vadd.f32 v15, v8  }
0x105: {  	v6 =	vadd.f32 v5, v3;
	v7 =	vadd.f32 v4, v9;
	v2 =	vld [tilespmem:s17+$0xE790]  }
0x106: {  	v8 =	vadd.f32 v10, v11;
	v3 =	vld [tilespmem:s17+$0xE740];
	v9 =	vadd.f32 v12, v14  }
0x107: {  	v12 =	vld [tilespmem:s17+$0xE750];
	v5 =	vmov v16  }
0x108: {  	v15 =	vld [tilespmem:s17+$0xE700];
	v4 =	vmov v13  }
0x109: {  	v16 =	vld [tilespmem:s17+$0xE710]  }
0x10a: {  	v17 =	vld [tilespmem:s17+$0xE6C0]  }
0x10b: {  	v13 =	vld [tilespmem:s17+$0xE6D0]  }
0x10c: {  	v14 =	vld [tilespmem:s17+$0xE680]  }
0x10d: {  	v10 =	vld [tilespmem:s17+$0xE690]  }
.Ltmp2:
0x10e: {  	v11 =	vld [tilespmem:s17+$0xE640];
	(pc) =	sbr.rel @p0 .LBB2_7-.Ltmp2, $4  }
0x10f: {  	v18 =	vld [tilespmem:s17+$0xE650]  }
0x110: {  	v19 =	vld [tilespmem:s17+$0xE600]  }
0x111: {  	v20 =	vld [tilespmem:s17+$0xE610]  }
0x112: {  	s20 =	sadd.s32 $0x800, s20;
	v21 =	vld [tilespmem:s17+$0xE620]  }
0x113: {  	v22 =	vld [tilespmem:s17+$0xE630]  }
0x114: {  	v23 =	vld [tilespmem:s17+$0xE660]  }
0x115: {  	v24 =	vld [tilespmem:s17+$0xE670]  }
0x116: {  	v25 =	vld [tilespmem:s17+$0xE6A0]  }
0x117: {  	v26 =	vld [tilespmem:s17+$0xE6B0]  }
0x118: {  	v27 =	vld [tilespmem:s17+$0xE6E0]  }
0x119: {  	v28 =	vld [tilespmem:s17+$0xE6F0];
	v6 =	vadd.f32 v19, v6;
	v7 =	vadd.f32 v20, v7  }
0x11a: {  	v29 =	vld [tilespmem:s17+$0xE720];
	v8 =	vadd.f32 v21, v8;
	v9 =	vadd.f32 v22, v9  }
0x11b: {  	v30 =	vld [tilespmem:s17+$0xE730];
	v6 =	vadd.f32 v11, v6;
	v7 =	vadd.f32 v18, v7  }
0x11c: {  	v57 =	vld [tilespmem:s17+$0xE760];
	v8 =	vadd.f32 v23, v8;
	v9 =	vadd.f32 v24, v9  }
0x11d: {  	v58 =	vld [tilespmem:s17+$0xE770];
	v6 =	vadd.f32 v14, v6;
	v7 =	vadd.f32 v10, v7  }
0x11e: {  	v59 =	vld [tilespmem:s17+$0xE7A0];
	v8 =	vadd.f32 v25, v8;
	v9 =	vadd.f32 v26, v9  }
0x11f: {  	v60 =	vld [tilespmem:s17+$0xE7B0];
	v6 =	vadd.f32 v17, v6;
	v7 =	vadd.f32 v13, v7  }
0x120: {  	v61 =	vld [tilespmem:s17+$0xE7E0];
	s20 =	sadd.s32 $0x600, s15;
	s13 =	sadd.s32 $0x1, s13;
	v8 =	vadd.f32 v27, v8;
	v9 =	vadd.f32 v28, v9  }
0x121: {  	v62 =	vld [tilespmem:s17+$0xE7F0];
	[tilespmem:s23], [sflag:$0x2] =	stream.indirect.gather [hbm4b:s3+s11], $0x40, s20, s11, $0xb8;
	v6 =	vadd.f32 v15, v6;
	v7 =	vadd.f32 v16, v7  }
0x122: {  	s20 =	sadd.s32 $0x680, s15;
	p0 =	sne.s32 s13, $0x18;
	v8 =	vadd.f32 v29, v8;
	v9 =	vadd.f32 v30, v9  }
0x123: {  	[tilespmem:s25], [sflag:$0x2] =	stream.indirect.gather [hbm4b:s3+s11], $0x40, s20, s11, $0xb8;
	v3 =	vadd.f32 v3, v6;
	v6 =	vadd.f32 v12, v7;
	[tilespmem:$0x16640] =	vst v63  }
.Ltmp3:
0x124: {  	v7 =	vadd.f32 v57, v8;
	v63 =	vadd.f32 v58, v9;
	(pc) =	sbr.rel @p0 .LBB2_4-.Ltmp3, $4  }
0x125: {  	s20 =	sadd.s32 $0x700, s15;
	v1 =	vadd.f32 v1, v3;
	v2 =	vadd.f32 v2, v6  }
0x126: {  	[tilespmem:s28], [sflag:$0x2] =	stream.indirect.gather [hbm4b:s3+s11], $0x40, s20, s11, $0xb8;
	v6 =	vadd.f32 v59, v7;
	v7 =	vadd.f32 v60, v63;
	[tilespmem:$0x16640] =	vst v63  }
0x127: {  	s20 =	sadd.s32 $0x780, s15;
	v3 =	vadd.f32 v5, v1;
	v4 =	vadd.f32 v4, v2  }
0x128: {  	[tilespmem:s30], [sflag:$0x2] =	stream.indirect.gather [hbm4b:s3+s11], $0x40, s20, s11, $0xb8;
	v1 =	vadd.f32 v61, v6;
	v2 =	vadd.f32 v62, v7;
	[tilespmem:$0x16640] =	vst v63  }
0x129: {  	_ =	swait.ge [sflag:s19], $0x2000  }
0x12a: {  	[sflag:s19] =	ssyncset.done $0x0  }
0x12b: {  	[sflag:s19] =	ssyncadd.s32 $0xFFFFE000  }
0x12c: {  	_ =	swait.ge [sflag:s19], $0x2000  }
0x12d: {  	[sflag:s19] =	ssyncset.done $0x0  }
0x12e: {  	[sflag:s19] =	ssyncadd.s32 $0xFFFFE000  }
0x12f: {  	_ =	swait.ge [sflag:s19], $0x2000  }
0x130: {  	[sflag:s19] =	ssyncset.done $0x0  }
0x131: {  	[sflag:s19] =	ssyncadd.s32 $0xFFFFE000  }
0x132: {  	_ =	swait.ge [sflag:s19], $0x2000  }
0x133: {  	[sflag:s19] =	ssyncset.done $0x0  }
0x134: {  	s13 =	simm.s32 $0x0;
	[sflag:s19] =	ssyncadd.s32 $0xFFFFE000  }
0x135: {  	v6 =	vld [tilespmem:s13+$0x67C0]  }
0x136: {  	v7 =	vld [tilespmem:s13+$0x67D0]  }
0x137: {  	v8 =	vld [tilespmem:s13+$0x6780]  }
0x138: {  	v9 =	vld [tilespmem:s13+$0x6790]  }
0x139: {  	v10 =	vld [tilespmem:s13+$0x6740]  }
0x13a: {  	v11 =	vld [tilespmem:s13+$0x6750]  }
0x13b: {  	v13 =	vld [tilespmem:s13+$0x6700]  }
0x13c: {  	v14 =	vld [tilespmem:s13+$0x6710]  }
0x13d: {  	v16 =	vld [tilespmem:s13+$0x66C0]  }
0x13e: {  	v17 =	vld [tilespmem:s13+$0x66D0]  }
0x13f: {  	v12 =	vld [tilespmem:s13+$0x6680]  }
0x140: {  	v15 =	vld [tilespmem:s13+$0x6690]  }
0x141: {  	v18 =	vld [tilespmem:s13+$0x6640]  }
0x142: {  	v19 =	vld [tilespmem:s13+$0x6650]  }
0x143: {  	v21 =	vld [tilespmem:s13+$0x6600]  }
0x144: {  	v22 =	vld [tilespmem:s13+$0x6610]  }
0x145: {  	s15 =	simm.s32 $0x800;
	v20 =	vld [tilespmem:s13+$0x6620]  }
.LBB2_10:
0x146: {  	p0 =	sne.s32 s15, $0x1F800;
	v5 =	vld [tilespmem:s13+$0x6630]  }
0x147: {  	v23 =	vld [tilespmem:s13+$0x6660]  }
0x148: {  	v24 =	vld [tilespmem:s13+$0x6670]  }
0x149: {  	v25 =	vld [tilespmem:s13+$0x66A0]  }
0x14a: {  	v3 =	vadd.f32 v21, v3;
	v4 =	vadd.f32 v22, v4;
	v21 =	vld [tilespmem:s13+$0x66B0]  }
0x14b: {  	v1 =	vadd.f32 v20, v1;
	v2 =	vadd.f32 v5, v2;
	v5 =	vld [tilespmem:s13+$0x66E0]  }
0x14c: {  	v3 =	vadd.f32 v18, v3;
	v4 =	vadd.f32 v19, v4;
	v18 =	vld [tilespmem:s13+$0x66F0]  }
0x14d: {  	v1 =	vadd.f32 v23, v1;
	v2 =	vadd.f32 v24, v2;
	v19 =	vld [tilespmem:s13+$0x6720]  }
0x14e: {  	v3 =	vadd.f32 v12, v3;
	v4 =	vadd.f32 v15, v4;
	v12 =	vld [tilespmem:s13+$0x6730]  }
0x14f: {  	v1 =	vadd.f32 v25, v1;
	v2 =	vadd.f32 v21, v2;
	v15 =	vld [tilespmem:s13+$0x6760]  }
0x150: {  	v3 =	vadd.f32 v16, v3;
	v4 =	vadd.f32 v17, v4;
	v16 =	vld [tilespmem:s13+$0x6770]  }
0x151: {  	v1 =	vadd.f32 v5, v1;
	v2 =	vadd.f32 v18, v2;
	v5 =	vld [tilespmem:s13+$0x67A0]  }
0x152: {  	v3 =	vadd.f32 v13, v3;
	v4 =	vadd.f32 v14, v4;
	v13 =	vld [tilespmem:s13+$0x67B0]  }
0x153: {  	v1 =	vadd.f32 v19, v1;
	v2 =	vadd.f32 v12, v2;
	v12 =	vld [tilespmem:s13+$0x67E0]  }
0x154: {  	v3 =	vadd.f32 v10, v3;
	v4 =	vadd.f32 v11, v4;
	v11 =	vld [tilespmem:s13+$0x67F0];
	s13 =	sshra.s32 s15, $0x2  }
0x155: {  	v1 =	vadd.f32 v15, v1;
	v14 =	vld [tilespmem:s13+$0x67C0];
	v2 =	vadd.f32 v16, v2  }
0x156: {  	v3 =	vadd.f32 v8, v3;
	v4 =	vadd.f32 v9, v4;
	v15 =	vld [tilespmem:s13+$0x67D0]  }
0x157: {  	v1 =	vadd.f32 v5, v1;
	v8 =	vld [tilespmem:s13+$0x6780];
	v2 =	vadd.f32 v13, v2  }
0x158: {  	v3 =	vadd.f32 v6, v3;
	v4 =	vadd.f32 v7, v4;
	v9 =	vld [tilespmem:s13+$0x6790]  }
0x159: {  	v1 =	vadd.f32 v12, v1;
	v10 =	vld [tilespmem:s13+$0x6740];
	v2 =	vadd.f32 v11, v2  }
0x15a: {  	v11 =	vld [tilespmem:s13+$0x6750];
	v6 =	vmov v14  }
0x15b: {  	v13 =	vld [tilespmem:s13+$0x6700];
	v7 =	vmov v15  }
0x15c: {  	v14 =	vld [tilespmem:s13+$0x6710]  }
0x15d: {  	v16 =	vld [tilespmem:s13+$0x66C0]  }
0x15e: {  	v17 =	vld [tilespmem:s13+$0x66D0]  }
0x15f: {  	v12 =	vld [tilespmem:s13+$0x6680]  }
0x160: {  	v15 =	vld [tilespmem:s13+$0x6690]  }
.Ltmp4:
0x161: {  	v18 =	vld [tilespmem:s13+$0x6640];
	(pc) =	sbr.rel @p0 .LBB2_10-.Ltmp4, $4  }
0x162: {  	v19 =	vld [tilespmem:s13+$0x6650]  }
0x163: {  	v21 =	vld [tilespmem:s13+$0x6600]  }
0x164: {  	v22 =	vld [tilespmem:s13+$0x6610]  }
0x165: {  	s15 =	sadd.s32 $0x800, s15;
	v20 =	vld [tilespmem:s13+$0x6620]  }
0x166: {  	v23 =	vld [tilespmem:s13+$0x6630]  }
0x167: {  	v24 =	vld [tilespmem:s13+$0x6660]  }
0x168: {  	v25 =	vld [tilespmem:s13+$0x6670]  }
0x169: {  	v26 =	vld [tilespmem:s13+$0x66A0]  }
0x16a: {  	v27 =	vld [tilespmem:s13+$0x66B0]  }
0x16b: {  	v28 =	vld [tilespmem:s13+$0x66E0]  }
0x16c: {  	v29 =	vld [tilespmem:s13+$0x66F0]  }
0x16d: {  	v30 =	vld [tilespmem:s13+$0x6720]  }
0x16e: {  	v31 =	vld [tilespmem:s13+$0x6730]  }
0x16f: {  	v32 =	vld [tilespmem:s13+$0x6760]  }
0x170: {  	v33 =	vld [tilespmem:s13+$0x6770]  }
0x171: {  	v34 =	vld [tilespmem:s13+$0x67A0]  }
0x172: {  	v35 =	vld [tilespmem:s13+$0x67B0]  }
0x173: {  	v36 =	vld [tilespmem:s13+$0x67E0]  }
0x174: {  	v37 =	vld [tilespmem:s13+$0x67F0];
	_ =	swait.ge [sflag:s31], $0x2000  }
0x175: {  	[sflag:s31] =	ssyncset.done $0x0  }
0x176: {  	[sflag:s31] =	ssyncadd.s32 $0xFFFFE000  }
0x177: {  	_ =	swait.ge [sflag:s31], $0x2000  }
0x178: {  	[sflag:s31] =	ssyncset.done $0x0  }
0x179: {  	[sflag:s31] =	ssyncadd.s32 $0xFFFFE000  }
0x17a: {  	_ =	swait.ge [sflag:s31], $0x2000  }
0x17b: {  	[sflag:s31] =	ssyncset.done $0x0  }
0x17c: {  	[sflag:s31] =	ssyncadd.s32 $0xFFFFE000  }
0x17d: {  	_ =	swait.ge [sflag:s31], $0x2000  }
0x17e: {  	[sflag:s31] =	ssyncset.done $0x0  }
0x17f: {  	s13 =	simm.s32 $0x0;
	[sflag:s31] =	ssyncadd.s32 $0xFFFFE000  }
0x180: {  	v5 =	vld [tilespmem:s13+$0xE7C0]  }
0x181: {  	v21 =	vadd.f32 v21, v3;
	v4 =	vadd.f32 v22, v4;
	v3 =	vld [tilespmem:s13+$0xE7D0]  }
0x182: {  	v20 =	vadd.f32 v20, v1;
	v22 =	vadd.f32 v23, v2;
	v1 =	vld [tilespmem:s13+$0xE780]  }
0x183: {  	v18 =	vadd.f32 v18, v21;
	v19 =	vadd.f32 v19, v4;
	v2 =	vld [tilespmem:s13+$0xE790]  }
0x184: {  	v20 =	vadd.f32 v24, v20;
	v21 =	vadd.f32 v25, v22;
	v4 =	vld [tilespmem:s13+$0xE740]  }
0x185: {  	v18 =	vadd.f32 v12, v18;
	v19 =	vadd.f32 v15, v19;
	v12 =	vld [tilespmem:s13+$0xE750]  }
0x186: {  	v20 =	vadd.f32 v26, v20;
	v21 =	vadd.f32 v27, v21;
	v15 =	vld [tilespmem:s13+$0xE700]  }
0x187: {  	v18 =	vadd.f32 v16, v18;
	v19 =	vadd.f32 v17, v19;
	v16 =	vld [tilespmem:s13+$0xE710]  }
0x188: {  	v20 =	vadd.f32 v28, v20;
	v21 =	vadd.f32 v29, v21;
	v17 =	vld [tilespmem:s13+$0xE6C0]  }
0x189: {  	v18 =	vadd.f32 v13, v18;
	v19 =	vadd.f32 v14, v19;
	v13 =	vld [tilespmem:s13+$0xE6D0]  }
0x18a: {  	v20 =	vadd.f32 v30, v20;
	v14 =	vld [tilespmem:s13+$0xE680];
	v21 =	vadd.f32 v31, v21  }
0x18b: {  	v18 =	vadd.f32 v10, v18;
	v10 =	vld [tilespmem:s13+$0xE690];
	v19 =	vadd.f32 v11, v19  }
0x18c: {  	v11 =	vld [tilespmem:s13+$0xE640];
	v20 =	vadd.f32 v32, v20;
	v21 =	vadd.f32 v33, v21  }
0x18d: {  	v8 =	vadd.f32 v8, v18;
	v18 =	vld [tilespmem:s13+$0xE650];
	v22 =	vadd.f32 v9, v19  }
0x18e: {  	v19 =	vld [tilespmem:s13+$0xE600];
	v23 =	vadd.f32 v34, v20;
	v21 =	vadd.f32 v35, v21  }
0x18f: {  	v9 =	vadd.f32 v6, v8;
	v20 =	vld [tilespmem:s13+$0xE610];
	v7 =	vadd.f32 v7, v22  }
0x190: {  	s15 =	simm.s32 $0x800;
	v8 =	vadd.f32 v36, v23;
	v6 =	vadd.f32 v37, v21;
	v21 =	vld [tilespmem:s13+$0xE620]  }
.LBB2_12:
0x191: {  	p0 =	sne.s32 s15, $0x1F800;
	v22 =	vld [tilespmem:s13+$0xE630]  }
0x192: {  	v23 =	vld [tilespmem:s13+$0xE660]  }
0x193: {  	v24 =	vld [tilespmem:s13+$0xE670]  }
0x194: {  	v25 =	vld [tilespmem:s13+$0xE6A0]  }
0x195: {  	v9 =	vadd.f32 v19, v9;
	v7 =	vadd.f32 v20, v7;
	v19 =	vld [tilespmem:s13+$0xE6B0]  }
0x196: {  	v8 =	vadd.f32 v21, v8;
	v6 =	vadd.f32 v22, v6;
	v20 =	vld [tilespmem:s13+$0xE6E0]  }
0x197: {  	v9 =	vadd.f32 v11, v9;
	v7 =	vadd.f32 v18, v7;
	v11 =	vld [tilespmem:s13+$0xE6F0]  }
0x198: {  	v8 =	vadd.f32 v23, v8;
	v6 =	vadd.f32 v24, v6;
	v18 =	vld [tilespmem:s13+$0xE720]  }
0x199: {  	v9 =	vadd.f32 v14, v9;
	v7 =	vadd.f32 v10, v7;
	v10 =	vld [tilespmem:s13+$0xE730]  }
0x19a: {  	v8 =	vadd.f32 v25, v8;
	v6 =	vadd.f32 v19, v6;
	v14 =	vld [tilespmem:s13+$0xE760]  }
0x19b: {  	v9 =	vadd.f32 v17, v9;
	v7 =	vadd.f32 v13, v7;
	v13 =	vld [tilespmem:s13+$0xE770]  }
0x19c: {  	v8 =	vadd.f32 v20, v8;
	v6 =	vadd.f32 v11, v6;
	v11 =	vld [tilespmem:s13+$0xE7A0]  }
0x19d: {  	v9 =	vadd.f32 v15, v9;
	v7 =	vadd.f32 v16, v7;
	v15 =	vld [tilespmem:s13+$0xE7B0]  }
0x19e: {  	v8 =	vadd.f32 v18, v8;
	v6 =	vadd.f32 v10, v6;
	v10 =	vld [tilespmem:s13+$0xE7E0]  }
0x19f: {  	v4 =	vadd.f32 v4, v9;
	v7 =	vadd.f32 v12, v7;
	v12 =	vld [tilespmem:s13+$0xE7F0];
	s13 =	sshra.s32 s15, $0x2  }
0x1a0: {  	v8 =	vadd.f32 v14, v8;
	v16 =	vld [tilespmem:s13+$0xE7C0];
	v6 =	vadd.f32 v13, v6  }
0x1a1: {  	v4 =	vadd.f32 v1, v4;
	v7 =	vadd.f32 v2, v7;
	v13 =	vld [tilespmem:s13+$0xE7D0]  }
0x1a2: {  	v8 =	vadd.f32 v11, v8;
	v1 =	vld [tilespmem:s13+$0xE780];
	v6 =	vadd.f32 v15, v6  }
0x1a3: {  	v9 =	vadd.f32 v5, v4;
	v7 =	vadd.f32 v3, v7;
	v2 =	vld [tilespmem:s13+$0xE790]  }
0x1a4: {  	v8 =	vadd.f32 v10, v8;
	v4 =	vld [tilespmem:s13+$0xE740];
	v6 =	vadd.f32 v12, v6  }
0x1a5: {  	v12 =	vld [tilespmem:s13+$0xE750];
	v5 =	vmov v16  }
0x1a6: {  	v15 =	vld [tilespmem:s13+$0xE700];
	v3 =	vmov v13  }
0x1a7: {  	v16 =	vld [tilespmem:s13+$0xE710]  }
0x1a8: {  	v17 =	vld [tilespmem:s13+$0xE6C0]  }
0x1a9: {  	v13 =	vld [tilespmem:s13+$0xE6D0]  }
0x1aa: {  	v14 =	vld [tilespmem:s13+$0xE680]  }
0x1ab: {  	v10 =	vld [tilespmem:s13+$0xE690]  }
.Ltmp5:
0x1ac: {  	v11 =	vld [tilespmem:s13+$0xE640];
	(pc) =	sbr.rel @p0 .LBB2_12-.Ltmp5, $4  }
0x1ad: {  	v18 =	vld [tilespmem:s13+$0xE650]  }
0x1ae: {  	v19 =	vld [tilespmem:s13+$0xE600]  }
0x1af: {  	v20 =	vld [tilespmem:s13+$0xE610]  }
0x1b0: {  	s15 =	sadd.s32 $0x800, s15;
	v21 =	vld [tilespmem:s13+$0xE620]  }
0x1b1: {  	v22 =	vld [tilespmem:s13+$0xE630]  }
0x1b2: {  	v23 =	vld [tilespmem:s13+$0xE660]  }
0x1b3: {  	v24 =	vld [tilespmem:s13+$0xE670];
	v9 =	vadd.f32 v19, v9  }
0x1b4: {  	v50 =	vld [tilespmem:s13+$0xE6A0];
	v7 =	vadd.f32 v20, v7  }
0x1b5: {  	v51 =	vld [tilespmem:s13+$0xE6B0];
	v8 =	vadd.f32 v21, v8;
	v9 =	vadd.f32 v11, v9  }
0x1b6: {  	v52 =	vld [tilespmem:s13+$0xE6E0];
	v6 =	vadd.f32 v22, v6;
	v7 =	vadd.f32 v18, v7  }
0x1b7: {  	v53 =	vld [tilespmem:s13+$0xE6F0];
	v8 =	vadd.f32 v23, v8;
	v9 =	vadd.f32 v14, v9  }
0x1b8: {  	v54 =	vld [tilespmem:s13+$0xE720];
	v6 =	vadd.f32 v24, v6;
	v7 =	vadd.f32 v10, v7  }
0x1b9: {  	v55 =	vld [tilespmem:s13+$0xE730];
	v8 =	vadd.f32 v50, v8;
	v9 =	vadd.f32 v17, v9  }
0x1ba: {  	v56 =	vld [tilespmem:s13+$0xE760];
	v6 =	vadd.f32 v51, v6;
	v7 =	vadd.f32 v13, v7  }
0x1bb: {  	v57 =	vld [tilespmem:s13+$0xE770];
	v8 =	vadd.f32 v52, v8;
	v9 =	vadd.f32 v15, v9  }
0x1bc: {  	v58 =	vld [tilespmem:s13+$0xE7A0];
	v6 =	vadd.f32 v53, v6;
	v7 =	vadd.f32 v16, v7  }
0x1bd: {  	v59 =	vld [tilespmem:s13+$0xE7B0];
	v8 =	vadd.f32 v54, v8;
	v4 =	vadd.f32 v4, v9  }
0x1be: {  	v60 =	vld [tilespmem:s13+$0xE7E0];
	v6 =	vadd.f32 v55, v6;
	v7 =	vadd.f32 v12, v7  }
0x1bf: {  	v61 =	vld [tilespmem:s13+$0xE7F0];
	v8 =	vadd.f32 v56, v8;
	v1 =	vadd.f32 v1, v4  }
0x1c0: {  	v62 =	vadd.f32 v57, v6;
	v2 =	vadd.f32 v2, v7  }
0x1c1: {  	v63 =	vadd.f32 v58, v8;
	v1 =	vadd.f32 v5, v1  }
0x1c2: {  	v4 =	vadd.f32 v59, v62;
	v2 =	vadd.f32 v3, v2  }
0x1c3: {  	v3 =	vadd.f32 v60, v63;
	[tilespmem:$0x16600] =	vst v1  }
0x1c4: {  	s1 =	sadd.s32 $0x1, s1;
	v1 =	vadd.f32 v61, v4;
	[tilespmem:$0x16610] =	vst v2  }
0x1c5: {  	p0 =	sne.s32 s1, s8;
	[tilespmem:$0x16620] =	vst v3  }
.Ltmp6:
0x1c6: {  	[tilespmem:$0x16630] =	vst v1;
	(pc) =	sbr.rel @p0 .LBB2_1-.Ltmp6, $4  }
0x1c7: {  	[hbm4b:s7+s2] =	stream.linear.scatter [tilespmem:s0], [sflag:$0x3], $0x40, $0x38;
	[tilespmem:$0x16640] =	vst v63  }
0x1c8: {  	_ =	swait.ge [sflag:s9], $0x40  }
0x1c9: {  	[sflag:s9] =	ssyncset.done $0x0  }
0x1ca: {  	[sflag:s9] =	ssyncadd.s32 $0xFFFFFFC0  }
0x1cb: {  	_ =	sfence.sel $0x180000  }
0x1cc: {  	[bflag:$0x0] =	sbarrier.arrive $0xFFFF  }
0x1cd: {  	_ =	strace $0x90000047  }
0x1ce: {  	s0 =	stileid.u32;
	[bflag:$0x2] =	sbarrier.arrive $0xFFFF  }
0x1cf: {  	p0 =	sne.s32 s0, $0x0;
	s0 =	rddreg [dreg:$0x3]  }
0x1d0: {  	s0 =	sadd.s32 @!p0 $0x100000, s0  }
0x1d1: {  	[sflag:s0] =	ssyncadd.tile.s32 @!p0 $0x1;
	_ =	shalt  }
.Lfunc_end2:
_tile_overlayer_lowered:
.L_overlay_start_2:
0x1d2: {  	(tag) =	ssettag $0x2  }
0x1d3: {  	s0 =	rddreg [dreg:$0x0];
	s2 =	stileid.u32  }
0x1d4: {  	s1 =	rddreg [dreg:$0x1];
	p0 =	sne.s32 s2, $0x0  }
0x1d5: {  	s3 =	rddreg [dreg:$0x2];
	[bflag:$0x3] =	sbarrier.arrive $0xFFFF;
	s2 =	simm.s32 @!p0 $0x1C03  }
0x1d6: {  	[timem:s3], [sflag:s2] =	dma.local @!p0 [hbm:s0], s1  }
0x1d7: {  	s0 =	simm.s32 @!p0 $0x3  }
0x1d8: {  	_ =	swait.ge @!p0 [sflag:s0], s1  }
0x1d9: {  	s1 =	ssub.s32 @!p0 $0x0, s1;
	[sflag:s0] =	ssyncset.done @!p0 $0x0  }
0x1da: {  	[sflag:s0] =	ssyncadd.s32 @!p0 s1  }
0x1db: {  	[bflag:$0x3] =	sbarrier.arrive $0xFFFF  }
0x1dc: {  	_ =	shalt  }

</sc_bundles>
